<compile_context>
chip_gen: v7x
topology: tpu7x:2x2x1
jax: 0.10.2.dev20260603
libtpu: 0.0.44.dev20260713+nightly
codegen_flags: <defaults>
</compile_context>

<pallas_src>
import functools
import jax
import jax.numpy as jnp
from jax import lax
from jax.experimental import pallas as pl
from jax.experimental.pallas import tpu as pltpu
from jax.experimental.pallas import tpu_sc as plsc

NC = 2
NS = 16
NW = NC * NS
CH = 64
NPAD = 10240



def _mm2(x, Wl, bl, Wr, br):
  n, d = x.shape
  blk = 2000

  def body(x_ref, wl_ref, bl_ref, wr_ref, br_ref, ol_ref, or_ref):
    xb = x_ref[...]
    ol_ref[...] = jnp.dot(xb, wl_ref[...],
                          preferred_element_type=jnp.float32,
                 precision=lax.Precision.HIGHEST) + bl_ref[...]
    or_ref[...] = jnp.dot(xb, wr_ref[...],
                          preferred_element_type=jnp.float32,
                 precision=lax.Precision.HIGHEST) + br_ref[...]

  return pl.pallas_call(
      body,
      grid=(n // blk,),
      in_specs=[
          pl.BlockSpec((blk, d), lambda i: (i, 0)),
          pl.BlockSpec((d, 128), lambda i: (0, 0)),
          pl.BlockSpec((1, 128), lambda i: (0, 0)),
          pl.BlockSpec((d, 128), lambda i: (0, 0)),
          pl.BlockSpec((1, 128), lambda i: (0, 0)),
      ],
      out_specs=[
          pl.BlockSpec((blk, 128), lambda i: (i, 0)),
          pl.BlockSpec((blk, 128), lambda i: (i, 0)),
      ],
      out_shape=[jax.ShapeDtypeStruct((n, 128), jnp.float32)] * 2,
  )(x, Wl, bl, Wr, br)


def _combine1(part, b1row, w2l, b2l, w2r, b2r):
  blk = 2048

  def body(p_ref, b1_ref, wl_ref, bl_ref, wr_ref, br_ref, ol_ref, or_ref):
    p0 = p_ref[0]
    p1 = p_ref[1]
    num = jnp.concatenate([p0[:, :64], p1[:, :64]], axis=1)
    d0 = jnp.broadcast_to(p0[:, 64:65], (blk, 128))
    d1 = jnp.broadcast_to(p1[:, 64:65], (blk, 128))
    li = lax.broadcasted_iota(jnp.int32, (blk, 128), 1)
    den = jnp.where(li < 64, d0, d1)
    h = num / jnp.maximum(den, 1e-16) + b1_ref[...]
    hn = jnp.minimum(h, 0.)
    taylor = hn * (1. + hn * (0.5 + hn * (1. / 6. + hn * (1. / 24. + hn / 120.))))
    h = jnp.where(h > 0, h, jnp.where(hn > -0.125, taylor, jnp.exp(hn) - 1.))
    ol_ref[...] = jnp.dot(h, wl_ref[...],
                          preferred_element_type=jnp.float32,
                 precision=lax.Precision.HIGHEST) + bl_ref[...]
    or_ref[...] = jnp.dot(h, wr_ref[...],
                          preferred_element_type=jnp.float32,
                 precision=lax.Precision.HIGHEST) + br_ref[...]

  return pl.pallas_call(
      body,
      grid=(NPAD // blk,),
      in_specs=[
          pl.BlockSpec((2, blk, 128), lambda i: (0, i, 0)),
          pl.BlockSpec((1, 128), lambda i: (0, 0)),
          pl.BlockSpec((128, 128), lambda i: (0, 0)),
          pl.BlockSpec((1, 128), lambda i: (0, 0)),
          pl.BlockSpec((128, 128), lambda i: (0, 0)),
          pl.BlockSpec((1, 128), lambda i: (0, 0)),
      ],
      out_specs=[
          pl.BlockSpec((blk, 128), lambda i: (i, 0)),
          pl.BlockSpec((blk, 128), lambda i: (i, 0)),
      ],
      out_shape=[jax.ShapeDtypeStruct((NPAD, 128), jnp.float32)] * 2,
  )(part, b1row, w2l, b2l, w2r, b2r)


def _finalize(part, batch2d, b2row, wr1p, br1row, wr2, br2row, n, g):

  def body(p_ref, b2_ref, w1_ref, b1_ref, w2_ref, bb2_ref, bt_ref, o_ref):
    p = (p_ref[0] + p_ref[1])[:, :16]
    d = jnp.maximum(p[:, 3:4], 1e-16)
    li = lax.broadcasted_iota(jnp.int32, (n, 16), 1)
    h = jnp.where(li < 3, p / d + b2_ref[...],
                  jnp.where(li == 3, 1.0, 0.0))
    bio = lax.broadcasted_iota(jnp.int32, (n, g), 1)
    oh = (bt_ref[...] == bio).astype(jnp.float32)
    pooled = lax.dot_general(oh, h, (((0,), (0,)), ((), ())),
                             preferred_element_type=jnp.float32,
                 precision=lax.Precision.HIGHEST)
    cnt = jnp.maximum(pooled[:, 3:4], 1.0)
    pooled = pooled / cnt
    z = jnp.maximum(
        jnp.dot(pooled, w1_ref[...],
                preferred_element_type=jnp.float32,
                 precision=lax.Precision.HIGHEST) + b1_ref[...], 0.)
    o_ref[...] = jnp.dot(z, w2_ref[...],
                         preferred_element_type=jnp.float32,
                 precision=lax.Precision.HIGHEST) + bb2_ref[...]

  return pl.pallas_call(
      body,
      grid=(1,),
      in_specs=[
          pl.BlockSpec((2, n, 128), lambda i: (0, 0, 0)),
          pl.BlockSpec((1, 16), lambda i: (0, 0)),
          pl.BlockSpec((16, 64), lambda i: (0, 0)),
          pl.BlockSpec((1, 64), lambda i: (0, 0)),
          pl.BlockSpec((64, 3), lambda i: (0, 0)),
          pl.BlockSpec((1, 3), lambda i: (0, 0)),
          pl.BlockSpec((n, 1), lambda i: (0, 0)),
      ],
      out_specs=pl.BlockSpec((g, 3), lambda i: (0, 0)),
      out_shape=jax.ShapeDtypeStruct((g, 3), jnp.float32),
  )(part, b2row, wr1p, br1row, wr2, br2row, batch2d)



def _permute(v, p):
  dn = lax.GatherDimensionNumbers(offset_dims=(), collapsed_slice_dims=(0,),
                                  start_index_map=(0,))
  return lax.gather(v, p[:, None], dn, slice_sizes=(1,),
                    mode=lax.GatherScatterMode.PROMISE_IN_BOUNDS)


def _sc_pass1(src3d, dst3d, xl, xr, att_rows, n):
  nch = src3d.shape[0]
  rows_per_tile = NPAD // NS
  nmine = nch // NS
  mesh = plsc.VectorSubcoreMesh(core_axis_name="c", subcore_axis_name="s")

  @functools.partial(
      pl.kernel,
      out_type=jax.ShapeDtypeStruct((NC, NPAD, 128), jnp.float32),
      mesh=mesh,
      scratch_types=[
          pltpu.VMEM((1, CH), jnp.int32),
          pltpu.VMEM((1, CH), jnp.int32),
          pltpu.VMEM((1, CH), jnp.int32),
          pltpu.VMEM((1, CH), jnp.int32),
          pltpu.VMEM((1, CH), jnp.int32),
          pltpu.VMEM((1, CH), jnp.int32),
          pltpu.VMEM((1, CH), jnp.int32),
          pltpu.VMEM((1, CH), jnp.int32),
          pltpu.VMEM((CH, 128), jnp.float32),
          pltpu.VMEM((CH, 128), jnp.float32),
          pltpu.VMEM((CH, 128), jnp.float32),
          pltpu.VMEM((CH, 128), jnp.float32),
          pltpu.VMEM((CH, 128), jnp.float32),
          pltpu.VMEM((4, 16), jnp.float32),
          pltpu.VMEM_SHARED((NPAD, 128), jnp.float32),
          pltpu.SemaphoreType.DMA,
          pltpu.SemaphoreType.DMA,
          pltpu.SemaphoreType.DMA,
          pltpu.SemaphoreType.DMA,
          pltpu.SemaphoreType.DMA,
          pltpu.SemaphoreType.DMA,
      ],
  )
  def k(src_h, dst_h, xl_h, xr_h, att_h, out_h,
        sidx0, didx0, dgat0, dscat0, sidx1, didx1, dgat1, dscat1,
        xjv0, xiv0, xjv1, xiv1, msgv, attv, acc,
        semj0, semi0, semj1, semi1, semx0, semx1):
    cid = lax.axis_index("c")
    sid = lax.axis_index("s")
    base = sid * rows_per_tile
    zero = jnp.zeros((16,), jnp.float32)
    hoff = cid * 64

    def zmsg(r, carry):
      for kk in range(8):
        msgv[r, pl.ds(kk * 16, 16)] = zero
      return carry

    lax.fori_loop(0, CH, zmsg, 0)

    def zacc(j, carry):
      pltpu.sync_copy(msgv, acc.at[pl.ds(base + j * CH, CH)])
      return carry

    lax.fori_loop(0, rows_per_tile // CH, zacc, 0)
    pltpu.sync_copy(att_h.at[cid], attv)
    plsc.subcore_barrier()

    a = [attv[kk] for kk in range(4)]
    iota = lax.iota(jnp.int32, 16)
    mask0 = jnp.where(iota == 0, 1.0, 0.0).astype(jnp.float32)
    nmax = jnp.full((16,), n - 1, jnp.int32)
    perms = [jnp.bitwise_xor(iota, 1 << b) for b in range(4)]

    def allsum(v):
      for p in perms:
        v = v + _permute(v, p)
      return v

    def load_idx(ch, s_b, d_b, g_b):
      pltpu.sync_copy(src_h.at[ch], s_b)
      pltpu.sync_copy(dst_h.at[ch], d_b)
      for kk in range(CH // 16):
        g_b[0, pl.ds(kk * 16, 16)] = jnp.minimum(
            d_b[0, pl.ds(kk * 16, 16)], nmax)

    def start_gather(s_b, g_b, xj_b, xi_b, sj, si):
      pltpu.async_copy(xl_h.at[s_b.at[0]], xj_b, sj)
      pltpu.async_copy(xr_h.at[g_b.at[0]], xi_b, si)

    def wait_gather(s_b, g_b, xj_b, xi_b, sj, si):
      pltpu.make_async_copy(xl_h.at[s_b.at[0]], xj_b, sj).wait()
      pltpu.make_async_copy(xr_h.at[g_b.at[0]], xi_b, si).wait()

    def compute_chunk(xj_b, xi_b, d_b):
      def edge(e, ecarry):
        xj = [xj_b[e, pl.ds(hoff + kk * 16, 16)] for kk in range(4)]
        xi = [xi_b[e, pl.ds(hoff + kk * 16, 16)] for kk in range(4)]
        s = None
        for kk in range(4):
          z = xi[kk] + xj[kk]
          lz = jnp.maximum(z, 0.2 * z)
          t = a[kk] * lz
          s = t if s is None else s + t
        eav = jnp.exp(allsum(s))
        for kk in range(4):
          msgv[e, pl.ds(kk * 16, 16)] = eav * xj[kk]
        msgv[e, pl.ds(64, 16)] = eav * mask0
        return ecarry

      lax.fori_loop(0, CH, edge, 0)
      pltpu.sync_copy(msgv, acc.at[d_b.at[0]], add=True)

    def issue_idx(ch, s_b, d_b, sem):
      pltpu.async_copy(src_h.at[ch], s_b, sem)
      pltpu.async_copy(dst_h.at[ch], d_b, sem)

    def wait_idx(ch_sample, s_b, d_b, sem):
      pltpu.make_async_copy(src_h.at[ch_sample], s_b, sem).wait()
      pltpu.make_async_copy(dst_h.at[ch_sample], d_b, sem).wait()

    def clamp_idx(d_b, dsc_b, dg_b):
      for kk in range(CH // 16):
        v = d_b[0, pl.ds(kk * 16, 16)]
        dsc_b[0, pl.ds(kk * 16, 16)] = v
        dg_b[0, pl.ds(kk * 16, 16)] = jnp.minimum(v, nmax)

    pltpu.sync_copy(src_h.at[sid * nmine], sidx0)
    pltpu.sync_copy(dst_h.at[sid * nmine], didx0)
    clamp_idx(didx0, dscat0, dgat0)
    start_gather(sidx0, dgat0, xjv0, xiv0, semj0, semi0)
    issue_idx(sid * nmine + 1, sidx1, didx1, semx1)

    def pair(j, carry):
      c0 = sid * nmine + 2 * j
      wait_idx(c0 + 1, sidx1, didx1, semx1)
      clamp_idx(didx1, dscat1, dgat1)
      start_gather(sidx1, dgat1, xjv1, xiv1, semj1, semi1)
      wait_gather(sidx0, dgat0, xjv0, xiv0, semj0, semi0)
      issue_idx(jnp.minimum(c0 + 2, sid * nmine + nmine - 1),
                sidx0, didx0, semx0)
      compute_chunk(xjv0, xiv0, dscat0)
      wait_idx(c0, sidx0, didx0, semx0)
      clamp_idx(didx0, dscat0, dgat0)
      start_gather(sidx0, dgat0, xjv0, xiv0, semj0, semi0)
      wait_gather(sidx1, dgat1, xjv1, xiv1, semj1, semi1)
      issue_idx(jnp.minimum(c0 + 3, sid * nmine + nmine - 1),
                sidx1, didx1, semx1)
      compute_chunk(xjv1, xiv1, dscat1)
      return carry

    lax.fori_loop(0, nmine // 2, pair, 0)
    wait_gather(sidx0, dgat0, xjv0, xiv0, semj0, semi0)
    wait_idx(0, sidx1, didx1, semx1)
    plsc.subcore_barrier()
    pltpu.sync_copy(acc.at[pl.ds(base, rows_per_tile)],
                    out_h.at[cid, pl.ds(base, rows_per_tile)])

  return k(src3d, dst3d, xl, xr, att_rows)


def _sc_pass2(src3d, dst3d, tl, tr, att_row):
  nch = src3d.shape[0]
  rows_per_tile = NPAD // NS
  nmine = nch // NW
  mesh = plsc.VectorSubcoreMesh(core_axis_name="c", subcore_axis_name="s")

  @functools.partial(
      pl.kernel,
      out_type=jax.ShapeDtypeStruct((NC, NPAD, 128), jnp.float32),
      mesh=mesh,
      scratch_types=[
          pltpu.VMEM((1, CH), jnp.int32),
          pltpu.VMEM((1, CH), jnp.int32),
          pltpu.VMEM((1, CH), jnp.int32),
          pltpu.VMEM((1, CH), jnp.int32),
          pltpu.VMEM((1, CH), jnp.int32),
          pltpu.VMEM((1, CH), jnp.int32),
          pltpu.VMEM((CH, 128), jnp.float32),
          pltpu.VMEM((CH, 128), jnp.float32),
          pltpu.VMEM((CH, 128), jnp.float32),
          pltpu.VMEM((CH, 128), jnp.float32),
          pltpu.VMEM((CH, 128), jnp.float32),
          pltpu.VMEM((1, 16), jnp.float32),
          pltpu.VMEM_SHARED((NPAD, 128), jnp.float32),
          pltpu.SemaphoreType.DMA,
          pltpu.SemaphoreType.DMA,
          pltpu.SemaphoreType.DMA,
          pltpu.SemaphoreType.DMA,
          pltpu.SemaphoreType.DMA,
          pltpu.SemaphoreType.DMA,
      ],
  )
  def k(src_h, dst_h, tl_h, tr_h, att_h, out_h,
        sidx0, didx0, dscat0, sidx1, didx1, dscat1,
        xjv0, xiv0, xjv1, xiv1, msgv, attv, acc,
        semj0, semi0, semj1, semi1, semx0, semx1):
    cid = lax.axis_index("c")
    sid = lax.axis_index("s")
    tid = cid * NS + sid
    base = sid * rows_per_tile
    zero = jnp.zeros((16,), jnp.float32)

    def zmsg(r, carry):
      for kk in range(8):
        msgv[r, pl.ds(kk * 16, 16)] = zero
      return carry

    lax.fori_loop(0, CH, zmsg, 0)

    def zacc(j, carry):
      pltpu.sync_copy(msgv, acc.at[pl.ds(base + j * CH, CH)])
      return carry

    lax.fori_loop(0, rows_per_tile // CH, zacc, 0)
    pltpu.sync_copy(att_h, attv)
    plsc.subcore_barrier()

    a0 = attv[0]
    iota = lax.iota(jnp.int32, 16)
    oh3 = jnp.where(iota == 3, 1.0, 0.0).astype(jnp.float32)
    perms = [jnp.bitwise_xor(iota, 1 << b) for b in range(4)]

    def allsum(v):
      for p in perms:
        v = v + _permute(v, p)
      return v

    def issue_idx(ch, s_b, d_b, sem):
      pltpu.async_copy(src_h.at[ch], s_b, sem)
      pltpu.async_copy(dst_h.at[ch], d_b, sem)

    def wait_idx(ch_sample, s_b, d_b, sem):
      pltpu.make_async_copy(src_h.at[ch_sample], s_b, sem).wait()
      pltpu.make_async_copy(dst_h.at[ch_sample], d_b, sem).wait()

    def copy_idx(d_b, dsc_b):
      for kk in range(CH // 16):
        dsc_b[0, pl.ds(kk * 16, 16)] = d_b[0, pl.ds(kk * 16, 16)]

    def start_gather(s_b, d_b, xj_b, xi_b, sj, si):
      pltpu.async_copy(tl_h.at[s_b.at[0]], xj_b, sj)
      pltpu.async_copy(tr_h.at[d_b.at[0]], xi_b, si)

    def wait_gather(s_b, d_b, xj_b, xi_b, sj, si):
      pltpu.make_async_copy(tl_h.at[s_b.at[0]], xj_b, sj).wait()
      pltpu.make_async_copy(tr_h.at[d_b.at[0]], xi_b, si).wait()

    def compute_chunk(xj_b, xi_b, dsc_b):
      def edge(e, ecarry):
        xj = xj_b[e, pl.ds(0, 16)]
        xi = xi_b[e, pl.ds(0, 16)]
        z = xi + xj
        lz = jnp.maximum(z, 0.2 * z)
        eav = jnp.exp(allsum(a0 * lz))
        msgv[e, pl.ds(0, 16)] = eav * (xj + oh3)
        return ecarry

      lax.fori_loop(0, CH, edge, 0)
      pltpu.sync_copy(msgv, acc.at[dsc_b.at[0]], add=True)

    c_base = tid * nmine
    c_last = c_base + nmine - 1
    pltpu.sync_copy(src_h.at[c_base], sidx0)
    pltpu.sync_copy(dst_h.at[c_base], didx0)
    copy_idx(didx0, dscat0)
    start_gather(sidx0, didx0, xjv0, xiv0, semj0, semi0)
    issue_idx(c_base + 1, sidx1, didx1, semx1)

    def pair(j, carry):
      c0 = c_base + 2 * j
      wait_idx(c0 + 1, sidx1, didx1, semx1)
      copy_idx(didx1, dscat1)
      start_gather(sidx1, didx1, xjv1, xiv1, semj1, semi1)
      wait_gather(sidx0, didx0, xjv0, xiv0, semj0, semi0)
      issue_idx(jnp.minimum(c0 + 2, c_last), sidx0, didx0, semx0)
      compute_chunk(xjv0, xiv0, dscat0)
      wait_idx(c0, sidx0, didx0, semx0)
      copy_idx(didx0, dscat0)
      start_gather(sidx0, didx0, xjv0, xiv0, semj0, semi0)
      wait_gather(sidx1, didx1, xjv1, xiv1, semj1, semi1)
      issue_idx(jnp.minimum(c0 + 3, c_last), sidx1, didx1, semx1)
      compute_chunk(xjv1, xiv1, dscat1)
      return carry

    lax.fori_loop(0, nmine // 2, pair, 0)
    wait_gather(sidx0, didx0, xjv0, xiv0, semj0, semi0)
    if nmine % 2 == 1:
      compute_chunk(xjv0, xiv0, dscat0)
    wait_idx(0, sidx1, didx1, semx1)
    plsc.subcore_barrier()
    pltpu.sync_copy(acc.at[pl.ds(base, rows_per_tile)],
                    out_h.at[cid, pl.ds(base, rows_per_tile)])

  return k(src3d, dst3d, tl, tr, att_row)



def kernel(x, edge_index, batch, W1l, b1l, W1r, b1r, att1, bias1,
           W2l, b2l, W2r, b2r, att2, bias2, Wr1, br1, Wr2, br2):
  n, d = x.shape
  e = edge_index.shape[1]
  g = Wr1.shape[1]

  epad = (-e) % (CH * NW)
  if epad:
    src_p = jnp.concatenate([edge_index[0],
                             jnp.zeros((epad,), jnp.int32)])
    dst_p = jnp.concatenate([edge_index[1],
                             jnp.full((epad,), NPAD - 1, jnp.int32)])
  else:
    src_p = edge_index[0]
    dst_p = edge_index[1]
  nch = (e + epad) // CH
  src3d = src_p.reshape(nch, 1, CH)
  dst3d = dst_p.reshape(nch, 1, CH)

  xl, xr = _mm2(x, W1l, b1l.reshape(1, -1), W1r, b1r.reshape(1, -1))

  part1 = _sc_pass1(src3d, dst3d, xl, xr, att1.reshape(2, 4, 16), n)

  w2l_pad = jnp.zeros((128, 128), jnp.float32).at[:, :3].set(W2l)
  w2r_pad = jnp.zeros((128, 128), jnp.float32).at[:, :3].set(W2r)
  b2l_pad = jnp.zeros((1, 128), jnp.float32).at[0, :3].set(b2l)
  b2r_pad = jnp.zeros((1, 128), jnp.float32).at[0, :3].set(b2r)

  t2l, t2r = _combine1(part1, bias1.reshape(1, -1),
                       w2l_pad, b2l_pad, w2r_pad, b2r_pad)

  att2_pad = jnp.zeros((1, 16), jnp.float32).at[0, :3].set(att2[0])
  part2 = _sc_pass2(src3d, dst3d, t2l, t2r, att2_pad)

  bias2_pad = jnp.zeros((1, 16), jnp.float32).at[0, :3].set(bias2)
  wr1_pad = jnp.zeros((16, g), jnp.float32).at[:3, :].set(Wr1)

  out = _finalize(part2, batch.reshape(-1, 1).astype(jnp.int32),
                  bias2_pad, wr1_pad, br1.reshape(1, -1), Wr2,
                  br2.reshape(1, -1), n, g)
  return out

# --- scband reference (transcript-rebuilt; emitter-appended) ---
"""Pipeline reference for scband-gat-1056561955306 (READ-ONLY COPY).

The authoritative reference and input builder live on the scoring server;
editing this copy changes nothing except your own understanding.
"""

import jax, jax.numpy as jnp
import numpy as np

N = 10000
E = 320000
D = 128
H1 = 2
C1 = 64
C2 = 3
G = 64


def gatv2(x, edge_index, Wl, bl, Wr, br, att, bias, heads, out_ch, concat):
    n = x.shape[0]
    src = edge_index[0]
    dst = edge_index[1]
    xl = (x @ Wl + bl).reshape(n, heads, out_ch)
    xr = (x @ Wr + br).reshape(n, heads, out_ch)
    xj = xl[src]
    xi = xr[dst]
    e = jax.nn.leaky_relu(xi + xj, negative_slope=0.2)
    alpha = (e * att[None, :, :]).sum(-1)
    amax = jax.ops.segment_max(alpha, dst, num_segments=n)
    amax = jnp.where(jnp.isfinite(amax), amax, 0.0)
    ealpha = jnp.exp(alpha - amax[dst])
    denom = jax.ops.segment_sum(ealpha, dst, num_segments=n)
    w = ealpha / jnp.maximum(denom[dst], 1e-16)
    msg = xj * w[:, :, None]
    out = jax.ops.segment_sum(msg, dst, num_segments=n)
    if concat:
        out = out.reshape(n, heads * out_ch)
    else:
        out = out.mean(axis=1)
    return out + bias


def model(x, edge_index, batch, W1l, b1l, W1r, b1r, att1, bias1, W2l, b2l, W2r, b2r, att2, bias2, Wr1, br1, Wr2, br2):
    h = gatv2(x, edge_index, W1l, b1l, W1r, b1r, att1, bias1, H1, C1, True)
    h = jax.nn.elu(h)
    h = gatv2(h, edge_index, W2l, b2l, W2r, b2r, att2, bias2, 1, C2, False)
    counts = jax.ops.segment_sum(jnp.ones((x.shape[0],), dtype=h.dtype), batch, num_segments=G)
    pooled = jax.ops.segment_sum(h, batch, num_segments=G) / jnp.maximum(counts, 1.0)[:, None]
    z = jax.nn.relu(pooled @ Wr1 + br1)
    return z @ Wr2 + br2


def setup_inputs(seed: int = 0):
    key = jax.random.key(seed)
    ks = jax.random.split(key, 16)
    x = jax.random.normal(ks[0], (N, D), dtype=jnp.float32)
    edge_index = jax.random.randint(ks[1], (2, E), 0, N, dtype=jnp.int32)
    batch = jnp.sort(jax.random.randint(ks[2], (N,), 0, G, dtype=jnp.int32))
    s = 0.05
    W1l = jax.random.normal(ks[3], (D, H1 * C1), dtype=jnp.float32) * s
    b1l = jnp.zeros((H1 * C1,), dtype=jnp.float32)
    W1r = jax.random.normal(ks[4], (D, H1 * C1), dtype=jnp.float32) * s
    b1r = jnp.zeros((H1 * C1,), dtype=jnp.float32)
    att1 = jax.random.normal(ks[5], (H1, C1), dtype=jnp.float32) * s
    bias1 = jnp.zeros((H1 * C1,), dtype=jnp.float32)
    W2l = jax.random.normal(ks[6], (H1 * C1, C2), dtype=jnp.float32) * s
    b2l = jnp.zeros((C2,), dtype=jnp.float32)
    W2r = jax.random.normal(ks[7], (H1 * C1, C2), dtype=jnp.float32) * s
    b2r = jnp.zeros((C2,), dtype=jnp.float32)
    att2 = jax.random.normal(ks[8], (1, C2), dtype=jnp.float32) * s
    bias2 = jnp.zeros((C2,), dtype=jnp.float32)
    Wr1 = jax.random.normal(ks[9], (C2, 64), dtype=jnp.float32) * s
    br1 = jnp.zeros((64,), dtype=jnp.float32)
    Wr2 = jax.random.normal(ks[10], (64, 3), dtype=jnp.float32) * s
    br2 = jnp.zeros((3,), dtype=jnp.float32)
    return {"x": x, "edge_index": edge_index, "batch": batch, "W1l": W1l, "b1l": b1l, "W1r": W1r, "b1r": b1r, "att1": att1, "bias1": bias1, "W2l": W2l, "b2l": b2l, "W2r": W2r, "b2r": b2r, "att2": att2, "bias2": bias2, "Wr1": Wr1, "br1": br1, "Wr2": Wr2, "br2": br2}


def reference(x, edge_index, batch, W1l, b1l, W1r, b1r, att1, bias1, W2l, b2l, W2r, b2r, att2, bias2, Wr1, br1, Wr2, br2):
    return model(x, edge_index, batch, W1l, b1l, W1r, b1r, att1, bias1, W2l, b2l, W2r, b2r, att2, bias2, Wr1, br1, Wr2, br2)

if __name__ == "__main__":
    import jax
    _d = setup_inputs()
    print(jax.jit(kernel)(*tuple(_d.values())))

</pallas_src>

<mosaic_0001>
#map = affine_map<(d0, d1) -> (0, 0, 0)>
#map1 = affine_map<(d0, d1) -> (0, 0)>
module attributes {stable_mosaic.version = 14 : i64} {
  func.func @k(%arg0: i32, %arg1: i32, %arg2: memref<5024x1x64xi32, #tpu.memory_space<hbm>>, %arg3: memref<5024x1x64xi32, #tpu.memory_space<hbm>>, %arg4: memref<10000x128xf32, #tpu.memory_space<hbm>>, %arg5: memref<10000x128xf32, #tpu.memory_space<hbm>>, %arg6: memref<2x4x16xf32, #tpu.memory_space<hbm>>, %arg7: memref<2x10240x128xf32, #tpu.memory_space<hbm>>, %arg8: memref<1x64xi32, #tpu.memory_space<vmem>>, %arg9: memref<1x64xi32, #tpu.memory_space<vmem>>, %arg10: memref<1x64xi32, #tpu.memory_space<vmem>>, %arg11: memref<1x64xi32, #tpu.memory_space<vmem>>, %arg12: memref<1x64xi32, #tpu.memory_space<vmem>>, %arg13: memref<1x64xi32, #tpu.memory_space<vmem>>, %arg14: memref<1x64xi32, #tpu.memory_space<vmem>>, %arg15: memref<1x64xi32, #tpu.memory_space<vmem>>, %arg16: memref<64x128xf32, #tpu.memory_space<vmem>>, %arg17: memref<64x128xf32, #tpu.memory_space<vmem>>, %arg18: memref<64x128xf32, #tpu.memory_space<vmem>>, %arg19: memref<64x128xf32, #tpu.memory_space<vmem>>, %arg20: memref<64x128xf32, #tpu.memory_space<vmem>>, %arg21: memref<4x16xf32, #tpu.memory_space<vmem>>, %arg22: memref<10240x128xf32, #tpu.memory_space<vmem_shared>>, %arg23: memref<!tpu.dma_semaphore, #tpu.memory_space<semaphore_mem>>, %arg24: memref<!tpu.dma_semaphore, #tpu.memory_space<semaphore_mem>>, %arg25: memref<!tpu.dma_semaphore, #tpu.memory_space<semaphore_mem>>, %arg26: memref<!tpu.dma_semaphore, #tpu.memory_space<semaphore_mem>>, %arg27: memref<!tpu.dma_semaphore, #tpu.memory_space<semaphore_mem>>, %arg28: memref<!tpu.dma_semaphore, #tpu.memory_space<semaphore_mem>>) attributes {dimension_semantics = [#tpu.dimension_semantics<core_parallel>, #tpu.dimension_semantics<subcore_parallel>], iteration_bounds = array<i64: 2, 16>, scalar_prefetch = 0 : i64, scratch_operands = 21 : i64, tpu.core_type = #tpu.core_type<sc_vector_subcore>, window_params = [{transform_indices = #map}, {transform_indices = #map}, {transform_indices = #map1}, {transform_indices = #map1}, {transform_indices = #map}, {transform_indices = #map}]} {
    %mul3A = arith.constant 640 : i32
    %mul3A_0 = arith.muli %arg1, %mul3A : i32
    %broadcast_in_dim3A = arith.constant 0.000000e+00 : f32
    %broadcast_in_dim3A_1 = vector.broadcast %broadcast_in_dim3A : f32 to vector<16xf32>
    %mul3A_2 = arith.constant 64 : i32
    %mul3A_3 = arith.muli %arg0, %mul3A_2 : i32
    %scan3A = arith.constant 0 : i32
    %scan3A_4 = arith.constant 0 : i32
    %scan3A_5 = arith.constant 64 : i32
    %scan3A_6 = arith.addi %scan3A_4, %scan3A_5 : i32
    %scan3A_7 = arith.constant 1 : i32
    scf.for %scan3A_196 = %scan3A_4 to %scan3A_6 step %scan3A_7  : i32 {
      %swap3A_197 = arith.index_cast %scan3A_196 : i32 to index
      %swap3A_198 = arith.constant 0 : index
      %swap3A_199 = tpu.vector_load %arg20[%swap3A_197, %swap3A_198] {strides = array<i32>} : memref<64x128xf32, #tpu.memory_space<vmem>>, vector<1x16xf32>,
      %swap3A_200 = vector.shape_cast %swap3A_199 : vector<1x16xf32> to vector<16xf32>
      %swap3A_201 = vector.shape_cast %broadcast_in_dim3A_1 : vector<16xf32> to vector<1x16xf32>
      tpu.vector_store %arg20[%swap3A_197, %swap3A_198], %swap3A_201 {strides = array<i32>} : memref<64x128xf32, #tpu.memory_space<vmem>>, vector<1x16xf32>,
      %swap3A_202 = arith.index_cast %scan3A_196 : i32 to index
      %swap3A_203 = arith.constant 16 : index
      %swap3A_204 = tpu.vector_load %arg20[%swap3A_202, %swap3A_203] {strides = array<i32>} : memref<64x128xf32, #tpu.memory_space<vmem>>, vector<1x16xf32>,
      %swap3A_205 = vector.shape_cast %swap3A_204 : vector<1x16xf32> to vector<16xf32>
      %swap3A_206 = vector.shape_cast %broadcast_in_dim3A_1 : vector<16xf32> to vector<1x16xf32>
      tpu.vector_store %arg20[%swap3A_202, %swap3A_203], %swap3A_206 {strides = array<i32>} : memref<64x128xf32, #tpu.memory_space<vmem>>, vector<1x16xf32>,
      %swap3A_207 = arith.index_cast %scan3A_196 : i32 to index
      %swap3A_208 = arith.constant 32 : index
      %swap3A_209 = tpu.vector_load %arg20[%swap3A_207, %swap3A_208] {strides = array<i32>} : memref<64x128xf32, #tpu.memory_space<vmem>>, vector<1x16xf32>,
      %swap3A_210 = vector.shape_cast %swap3A_209 : vector<1x16xf32> to vector<16xf32>
      %swap3A_211 = vector.shape_cast %broadcast_in_dim3A_1 : vector<16xf32> to vector<1x16xf32>
      tpu.vector_store %arg20[%swap3A_207, %swap3A_208], %swap3A_211 {strides = array<i32>} : memref<64x128xf32, #tpu.memory_space<vmem>>, vector<1x16xf32>,
      %swap3A_212 = arith.index_cast %scan3A_196 : i32 to index
      %swap3A_213 = arith.constant 48 : index
      %swap3A_214 = tpu.vector_load %arg20[%swap3A_212, %swap3A_213] {strides = array<i32>} : memref<64x128xf32, #tpu.memory_space<vmem>>, vector<1x16xf32>,
      %swap3A_215 = vector.shape_cast %swap3A_214 : vector<1x16xf32> to vector<16xf32>
      %swap3A_216 = vector.shape_cast %broadcast_in_dim3A_1 : vector<16xf32> to vector<1x16xf32>
      tpu.vector_store %arg20[%swap3A_212, %swap3A_213], %swap3A_216 {strides = array<i32>} : memref<64x128xf32, #tpu.memory_space<vmem>>, vector<1x16xf32>,
      %swap3A_217 = arith.index_cast %scan3A_196 : i32 to index
      %swap3A_218 = arith.constant 64 : index
      %swap3A_219 = tpu.vector_load %arg20[%swap3A_217, %swap3A_218] {strides = array<i32>} : memref<64x128xf32, #tpu.memory_space<vmem>>, vector<1x16xf32>,
      %swap3A_220 = vector.shape_cast %swap3A_219 : vector<1x16xf32> to vector<16xf32>
      %swap3A_221 = vector.shape_cast %broadcast_in_dim3A_1 : vector<16xf32> to vector<1x16xf32>
      tpu.vector_store %arg20[%swap3A_217, %swap3A_218], %swap3A_221 {strides = array<i32>} : memref<64x128xf32, #tpu.memory_space<vmem>>, vector<1x16xf32>,
      %swap3A_222 = arith.index_cast %scan3A_196 : i32 to index
      %swap3A_223 = arith.constant 80 : index
      %swap3A_224 = tpu.vector_load %arg20[%swap3A_222, %swap3A_223] {strides = array<i32>} : memref<64x128xf32, #tpu.memory_space<vmem>>, vector<1x16xf32>,
      %swap3A_225 = vector.shape_cast %swap3A_224 : vector<1x16xf32> to vector<16xf32>
      %swap3A_226 = vector.shape_cast %broadcast_in_dim3A_1 : vector<16xf32> to vector<1x16xf32>
      tpu.vector_store %arg20[%swap3A_222, %swap3A_223], %swap3A_226 {strides = array<i32>} : memref<64x128xf32, #tpu.memory_space<vmem>>, vector<1x16xf32>,
      %swap3A_227 = arith.index_cast %scan3A_196 : i32 to index
      %swap3A_228 = arith.constant 96 : index
      %swap3A_229 = tpu.vector_load %arg20[%swap3A_227, %swap3A_228] {strides = array<i32>} : memref<64x128xf32, #tpu.memory_space<vmem>>, vector<1x16xf32>,
      %swap3A_230 = vector.shape_cast %swap3A_229 : vector<1x16xf32> to vector<16xf32>
      %swap3A_231 = vector.shape_cast %broadcast_in_dim3A_1 : vector<16xf32> to vector<1x16xf32>
      tpu.vector_store %arg20[%swap3A_227, %swap3A_228], %swap3A_231 {strides = array<i32>} : memref<64x128xf32, #tpu.memory_space<vmem>>, vector<1x16xf32>,
      %swap3A_232 = arith.index_cast %scan3A_196 : i32 to index
      %swap3A_233 = arith.constant 112 : index
      %swap3A_234 = tpu.vector_load %arg20[%swap3A_232, %swap3A_233] {strides = array<i32>} : memref<64x128xf32, #tpu.memory_space<vmem>>, vector<1x16xf32>,
      %swap3A_235 = vector.shape_cast %swap3A_234 : vector<1x16xf32> to vector<16xf32>
      %swap3A_236 = vector.shape_cast %broadcast_in_dim3A_1 : vector<16xf32> to vector<1x16xf32>
      tpu.vector_store %arg20[%swap3A_232, %swap3A_233], %swap3A_236 {strides = array<i32>} : memref<64x128xf32, #tpu.memory_space<vmem>>, vector<1x16xf32>,
    }
    %scan3A_8 = arith.constant 64 : i32
    %scan3A_9 = arith.constant 0 : i32
    %scan3A_10 = arith.constant 0 : i32
    %scan3A_11 = arith.constant 10 : i32
    %scan3A_12 = arith.addi %scan3A_10, %scan3A_11 : i32
    %scan3A_13 = arith.constant 1 : i32
    scf.for %scan3A_196 = %scan3A_10 to %scan3A_12 step %scan3A_13  : i32 {
      %mul3A_197 = arith.constant 64 : i32
      %mul3A_198 = arith.muli %scan3A_196, %mul3A_197 : i32
      %add3A_199 = arith.addi %mul3A_0, %mul3A_198 : i32
      "tpu.region"() ({
        %run_scoped3A = tpu.sem_alloc : memref<!tpu.dma_semaphore, #tpu.memory_space<semaphore_mem>>
        %dma_start3A_200 = arith.constant 0 : i32
        %dma_start3A_201 = tpu.memref_slice %arg22[%add3A_199, %dma_start3A_200] : memref<10240x128xf32, #tpu.memory_space<vmem_shared>> -> memref<64x128xf32, #tpu.memory_space<vmem_shared>>
        %dma_start3A_202 = arith.constant 0 : i32
        %dma_start3A_203 = tpu.memref_slice %arg22[%add3A_199, %dma_start3A_202] : memref<10240x128xf32, #tpu.memory_space<vmem_shared>> -> memref<64x128xf32, #tpu.memory_space<vmem_shared>>
        tpu.enqueue_dma source(%arg20 : memref<64x128xf32, #tpu.memory_space<vmem>>) target(%dma_start3A_203 : memref<64x128xf32, #tpu.memory_space<vmem_shared>>) target_semaphore(%run_scoped3A : memref<!tpu.dma_semaphore, #tpu.memory_space<semaphore_mem>>)
        %dma_wait3A_204 = arith.constant 0 : i32
        %dma_wait3A_205 = tpu.memref_slice %arg22[%add3A_199, %dma_wait3A_204] : memref<10240x128xf32, #tpu.memory_space<vmem_shared>> -> memref<64x128xf32, #tpu.memory_space<vmem_shared>>
        %dma_wait3A_206 = arith.constant 0 : i32
        %dma_wait3A_207 = tpu.memref_slice %arg22[%add3A_199, %dma_wait3A_206] : memref<10240x128xf32, #tpu.memory_space<vmem_shared>> -> memref<64x128xf32, #tpu.memory_space<vmem_shared>>
        tpu.wait_dma2 semaphore(%run_scoped3A : memref<!tpu.dma_semaphore, #tpu.memory_space<semaphore_mem>>) src(%arg20 : memref<64x128xf32, #tpu.memory_space<vmem>>) dst(%dma_wait3A_207 : memref<64x128xf32, #tpu.memory_space<vmem_shared>>)
        tpu.yield
      }) : () -> ()
    }
    %scan3A_14 = arith.constant 10 : i32
    "tpu.region"() ({
      %run_scoped3A = tpu.sem_alloc : memref<!tpu.dma_semaphore, #tpu.memory_space<semaphore_mem>>
      %dma_start3A_196 = arith.constant 0 : i32
      %dma_start3A_197 = arith.constant 0 : i32
      %dma_start3A_198 = tpu.memref_slice %arg6[%arg0, %dma_start3A_196, %dma_start3A_197] : memref<2x4x16xf32, #tpu.memory_space<hbm>> -> memref<1x4x16xf32, #tpu.memory_space<hbm>>
      %dma_start3A_199 = tpu.memref_squeeze %dma_start3A_198 : memref<1x4x16xf32, #tpu.memory_space<hbm>> -> memref<4x16xf32, #tpu.memory_space<hbm>>
      %dma_start3A_200 = arith.constant 0 : i32
      %dma_start3A_201 = arith.constant 0 : i32
      %dma_start3A_202 = tpu.memref_slice %arg6[%arg0, %dma_start3A_200, %dma_start3A_201] : memref<2x4x16xf32, #tpu.memory_space<hbm>> -> memref<1x4x16xf32, #tpu.memory_space<hbm>>
      %dma_start3A_203 = tpu.memref_squeeze %dma_start3A_202 : memref<1x4x16xf32, #tpu.memory_space<hbm>> -> memref<4x16xf32, #tpu.memory_space<hbm>>
      tpu.enqueue_dma source(%dma_start3A_203 : memref<4x16xf32, #tpu.memory_space<hbm>>) target(%arg21 : memref<4x16xf32, #tpu.memory_space<vmem>>) target_semaphore(%run_scoped3A : memref<!tpu.dma_semaphore, #tpu.memory_space<semaphore_mem>>)
      %dma_wait3A_204 = arith.constant 0 : i32
      %dma_wait3A_205 = arith.constant 0 : i32
      %dma_wait3A_206 = tpu.memref_slice %arg6[%arg0, %dma_wait3A_204, %dma_wait3A_205] : memref<2x4x16xf32, #tpu.memory_space<hbm>> -> memref<1x4x16xf32, #tpu.memory_space<hbm>>
      %dma_wait3A_207 = tpu.memref_squeeze %dma_wait3A_206 : memref<1x4x16xf32, #tpu.memory_space<hbm>> -> memref<4x16xf32, #tpu.memory_space<hbm>>
      %dma_wait3A_208 = arith.constant 0 : i32
      %dma_wait3A_209 = arith.constant 0 : i32
      %dma_wait3A_210 = tpu.memref_slice %arg6[%arg0, %dma_wait3A_208, %dma_wait3A_209] : memref<2x4x16xf32, #tpu.memory_space<hbm>> -> memref<1x4x16xf32, #tpu.memory_space<hbm>>
      %dma_wait3A_211 = tpu.memref_squeeze %dma_wait3A_210 : memref<1x4x16xf32, #tpu.memory_space<hbm>> -> memref<4x16xf32, #tpu.memory_space<hbm>>
      tpu.wait_dma2 semaphore(%run_scoped3A : memref<!tpu.dma_semaphore, #tpu.memory_space<semaphore_mem>>) src(%dma_wait3A_211 : memref<4x16xf32, #tpu.memory_space<hbm>>) dst(%arg21 : memref<4x16xf32, #tpu.memory_space<vmem>>)
      tpu.yield
    }) : () -> ()
    %barrier3A = arith.constant 0 : index
    tpu.barrier barrier_id(%barrier3A)
    %get3A = arith.constant 0 : i32
    %get3A_15 = arith.index_cast %get3A : i32 to index
    %get3A_16 = arith.constant 0 : index
    %get3A_17 = tpu.vector_load %arg21[%get3A_15, %get3A_16] {strides = array<i32>} : memref<4x16xf32, #tpu.memory_space<vmem>>, vector<1x16xf32>,
    %get3A_18 = vector.shape_cast %get3A_17 : vector<1x16xf32> to vector<16xf32>
    %get3A_19 = arith.constant 1 : i32
    %get3A_20 = arith.index_cast %get3A_19 : i32 to index
    %get3A_21 = arith.constant 0 : index
    %get3A_22 = tpu.vector_load %arg21[%get3A_20, %get3A_21] {strides = array<i32>} : memref<4x16xf32, #tpu.memory_space<vmem>>, vector<1x16xf32>,
    %get3A_23 = vector.shape_cast %get3A_22 : vector<1x16xf32> to vector<16xf32>
    %get3A_24 = arith.constant 2 : i32
    %get3A_25 = arith.index_cast %get3A_24 : i32 to index
    %get3A_26 = arith.constant 0 : index
    %get3A_27 = tpu.vector_load %arg21[%get3A_25, %get3A_26] {strides = array<i32>} : memref<4x16xf32, #tpu.memory_space<vmem>>, vector<1x16xf32>,
    %get3A_28 = vector.shape_cast %get3A_27 : vector<1x16xf32> to vector<16xf32>
    %get3A_29 = arith.constant 3 : i32
    %get3A_30 = arith.index_cast %get3A_29 : i32 to index
    %get3A_31 = arith.constant 0 : index
    %get3A_32 = tpu.vector_load %arg21[%get3A_30, %get3A_31] {strides = array<i32>} : memref<4x16xf32, #tpu.memory_space<vmem>>, vector<1x16xf32>,
    %get3A_33 = vector.shape_cast %get3A_32 : vector<1x16xf32> to vector<16xf32>
    %iota3A = tpu.iota {dimensions = array<i32: 0>} : vector<16xi32>
    %eq3A = arith.constant 0 : i32
    %eq3A_34 = vector.broadcast %eq3A : i32 to vector<16xi32>
    %eq3A_35 = arith.cmpi eq, %iota3A, %eq3A_34 : vector<16xi32>
    %jit3A = arith.constant 1.000000e+00 : f32
    %jit3A_36 = arith.constant 0.000000e+00 : f32
    %broadcast_in_dim3A_37 = vector.broadcast %jit3A : f32 to vector<16xf32>
    %broadcast_in_dim3A_38 = vector.broadcast %jit3A_36 : f32 to vector<16xf32>
    %select_n3A = arith.select %eq3A_35, %broadcast_in_dim3A_37, %broadcast_in_dim3A_38 : vector<16xi1>, vector<16xf32>
    %broadcast_in_dim3A_39 = arith.constant 9999 : i32
    %broadcast_in_dim3A_40 = vector.broadcast %broadcast_in_dim3A_39 : i32 to vector<16xi32>
    %xor3A = arith.constant 1 : i32
    %xor3A_41 = vector.broadcast %xor3A : i32 to vector<16xi32>
    %xor3A_42 = arith.xori %iota3A, %xor3A_41 : vector<16xi32>
    %xor3A_43 = arith.constant 2 : i32
    %xor3A_44 = vector.broadcast %xor3A_43 : i32 to vector<16xi32>
    %xor3A_45 = arith.xori %iota3A, %xor3A_44 : vector<16xi32>
    %xor3A_46 = arith.constant 4 : i32
    %xor3A_47 = vector.broadcast %xor3A_46 : i32 to vector<16xi32>
    %xor3A_48 = arith.xori %iota3A, %xor3A_47 : vector<16xi32>
    %xor3A_49 = arith.constant 8 : i32
    %xor3A_50 = vector.broadcast %xor3A_49 : i32 to vector<16xi32>
    %xor3A_51 = arith.xori %iota3A, %xor3A_50 : vector<16xi32>
    %mul3A_52 = arith.constant 314 : i32
    %mul3A_53 = arith.muli %arg1, %mul3A_52 : i32
    "tpu.region"() ({
      %run_scoped3A = tpu.sem_alloc : memref<!tpu.dma_semaphore, #tpu.memory_space<semaphore_mem>>
      %dma_start3A_196 = arith.constant 0 : i32
      %dma_start3A_197 = arith.constant 0 : i32
      %dma_start3A_198 = tpu.memref_slice %arg2[%mul3A_53, %dma_start3A_196, %dma_start3A_197] : memref<5024x1x64xi32, #tpu.memory_space<hbm>> -> memref<1x1x64xi32, #tpu.memory_space<hbm>>
      %dma_start3A_199 = tpu.memref_squeeze %dma_start3A_198 : memref<1x1x64xi32, #tpu.memory_space<hbm>> -> memref<1x64xi32, #tpu.memory_space<hbm>>
      %dma_start3A_200 = arith.constant 0 : i32
      %dma_start3A_201 = arith.constant 0 : i32
      %dma_start3A_202 = tpu.memref_slice %arg2[%mul3A_53, %dma_start3A_200, %dma_start3A_201] : memref<5024x1x64xi32, #tpu.memory_space<hbm>> -> memref<1x1x64xi32, #tpu.memory_space<hbm>>
      %dma_start3A_203 = tpu.memref_squeeze %dma_start3A_202 : memref<1x1x64xi32, #tpu.memory_space<hbm>> -> memref<1x64xi32, #tpu.memory_space<hbm>>
      tpu.enqueue_dma source(%dma_start3A_203 : memref<1x64xi32, #tpu.memory_space<hbm>>) target(%arg8 : memref<1x64xi32, #tpu.memory_space<vmem>>) target_semaphore(%run_scoped3A : memref<!tpu.dma_semaphore, #tpu.memory_space<semaphore_mem>>)
      %dma_wait3A_204 = arith.constant 0 : i32
      %dma_wait3A_205 = arith.constant 0 : i32
      %dma_wait3A_206 = tpu.memref_slice %arg2[%mul3A_53, %dma_wait3A_204, %dma_wait3A_205] : memref<5024x1x64xi32, #tpu.memory_space<hbm>> -> memref<1x1x64xi32, #tpu.memory_space<hbm>>
      %dma_wait3A_207 = tpu.memref_squeeze %dma_wait3A_206 : memref<1x1x64xi32, #tpu.memory_space<hbm>> -> memref<1x64xi32, #tpu.memory_space<hbm>>
      %dma_wait3A_208 = arith.constant 0 : i32
      %dma_wait3A_209 = arith.constant 0 : i32
      %dma_wait3A_210 = tpu.memref_slice %arg2[%mul3A_53, %dma_wait3A_208, %dma_wait3A_209] : memref<5024x1x64xi32, #tpu.memory_space<hbm>> -> memref<1x1x64xi32, #tpu.memory_space<hbm>>
      %dma_wait3A_211 = tpu.memref_squeeze %dma_wait3A_210 : memref<1x1x64xi32, #tpu.memory_space<hbm>> -> memref<1x64xi32, #tpu.memory_space<hbm>>
      tpu.wait_dma2 semaphore(%run_scoped3A : memref<!tpu.dma_semaphore, #tpu.memory_space<semaphore_mem>>) src(%dma_wait3A_211 : memref<1x64xi32, #tpu.memory_space<hbm>>) dst(%arg8 : memref<1x64xi32, #tpu.memory_space<vmem>>)
      tpu.yield
    }) : () -> ()
    %mul3A_54 = arith.constant 314 : i32
    %mul3A_55 = arith.muli %arg1, %mul3A_54 : i32
    "tpu.region"() ({
      %run_scoped3A = tpu.sem_alloc : memref<!tpu.dma_semaphore, #tpu.memory_space<semaphore_mem>>
      %dma_start3A_196 = arith.constant 0 : i32
      %dma_start3A_197 = arith.constant 0 : i32
      %dma_start3A_198 = tpu.memref_slice %arg3[%mul3A_55, %dma_start3A_196, %dma_start3A_197] : memref<5024x1x64xi32, #tpu.memory_space<hbm>> -> memref<1x1x64xi32, #tpu.memory_space<hbm>>
      %dma_start3A_199 = tpu.memref_squeeze %dma_start3A_198 : memref<1x1x64xi32, #tpu.memory_space<hbm>> -> memref<1x64xi32, #tpu.memory_space<hbm>>
      %dma_start3A_200 = arith.constant 0 : i32
      %dma_start3A_201 = arith.constant 0 : i32
      %dma_start3A_202 = tpu.memref_slice %arg3[%mul3A_55, %dma_start3A_200, %dma_start3A_201] : memref<5024x1x64xi32, #tpu.memory_space<hbm>> -> memref<1x1x64xi32, #tpu.memory_space<hbm>>
      %dma_start3A_203 = tpu.memref_squeeze %dma_start3A_202 : memref<1x1x64xi32, #tpu.memory_space<hbm>> -> memref<1x64xi32, #tpu.memory_space<hbm>>
      tpu.enqueue_dma source(%dma_start3A_203 : memref<1x64xi32, #tpu.memory_space<hbm>>) target(%arg9 : memref<1x64xi32, #tpu.memory_space<vmem>>) target_semaphore(%run_scoped3A : memref<!tpu.dma_semaphore, #tpu.memory_space<semaphore_mem>>)
      %dma_wait3A_204 = arith.constant 0 : i32
      %dma_wait3A_205 = arith.constant 0 : i32
      %dma_wait3A_206 = tpu.memref_slice %arg3[%mul3A_55, %dma_wait3A_204, %dma_wait3A_205] : memref<5024x1x64xi32, #tpu.memory_space<hbm>> -> memref<1x1x64xi32, #tpu.memory_space<hbm>>
      %dma_wait3A_207 = tpu.memref_squeeze %dma_wait3A_206 : memref<1x1x64xi32, #tpu.memory_space<hbm>> -> memref<1x64xi32, #tpu.memory_space<hbm>>
      %dma_wait3A_208 = arith.constant 0 : i32
      %dma_wait3A_209 = arith.constant 0 : i32
      %dma_wait3A_210 = tpu.memref_slice %arg3[%mul3A_55, %dma_wait3A_208, %dma_wait3A_209] : memref<5024x1x64xi32, #tpu.memory_space<hbm>> -> memref<1x1x64xi32, #tpu.memory_space<hbm>>
      %dma_wait3A_211 = tpu.memref_squeeze %dma_wait3A_210 : memref<1x1x64xi32, #tpu.memory_space<hbm>> -> memref<1x64xi32, #tpu.memory_space<hbm>>
      tpu.wait_dma2 semaphore(%run_scoped3A : memref<!tpu.dma_semaphore, #tpu.memory_space<semaphore_mem>>) src(%dma_wait3A_211 : memref<1x64xi32, #tpu.memory_space<hbm>>) dst(%arg9 : memref<1x64xi32, #tpu.memory_space<vmem>>)
      tpu.yield
    }) : () -> ()
    %get3A_56 = arith.constant 0 : i32
    %get3A_57 = arith.index_cast %get3A_56 : i32 to index
    %get3A_58 = arith.constant 0 : index
    %get3A_59 = tpu.vector_load %arg9[%get3A_57, %get3A_58] {strides = array<i32>} : memref<1x64xi32, #tpu.memory_space<vmem>>, vector<1x16xi32>,
    %get3A_60 = vector.shape_cast %get3A_59 : vector<1x16xi32> to vector<16xi32>
    %swap3A = arith.constant 0 : i32
    %swap3A_61 = arith.index_cast %swap3A : i32 to index
    %swap3A_62 = arith.constant 0 : index
    %swap3A_63 = tpu.vector_load %arg11[%swap3A_61, %swap3A_62] {strides = array<i32>} : memref<1x64xi32, #tpu.memory_space<vmem>>, vector<1x16xi32>,
    %swap3A_64 = vector.shape_cast %swap3A_63 : vector<1x16xi32> to vector<16xi32>
    %swap3A_65 = vector.shape_cast %get3A_60 : vector<16xi32> to vector<1x16xi32>
    tpu.vector_store %arg11[%swap3A_61, %swap3A_62], %swap3A_65 {strides = array<i32>} : memref<1x64xi32, #tpu.memory_space<vmem>>, vector<1x16xi32>,
    %min3A = arith.minsi %get3A_60, %broadcast_in_dim3A_40 : vector<16xi32>
    %swap3A_66 = arith.constant 0 : i32
    %swap3A_67 = arith.index_cast %swap3A_66 : i32 to index
    %swap3A_68 = arith.constant 0 : index
    %swap3A_69 = tpu.vector_load %arg10[%swap3A_67, %swap3A_68] {strides = array<i32>} : memref<1x64xi32, #tpu.memory_space<vmem>>, vector<1x16xi32>,
    %swap3A_70 = vector.shape_cast %swap3A_69 : vector<1x16xi32> to vector<16xi32>
    %swap3A_71 = vector.shape_cast %min3A : vector<16xi32> to vector<1x16xi32>
    tpu.vector_store %arg10[%swap3A_67, %swap3A_68], %swap3A_71 {strides = array<i32>} : memref<1x64xi32, #tpu.memory_space<vmem>>, vector<1x16xi32>,
    %get3A_72 = arith.constant 0 : i32
    %get3A_73 = arith.index_cast %get3A_72 : i32 to index
    %get3A_74 = arith.constant 16 : index
    %get3A_75 = tpu.vector_load %arg9[%get3A_73, %get3A_74] {strides = array<i32>} : memref<1x64xi32, #tpu.memory_space<vmem>>, vector<1x16xi32>,
    %get3A_76 = vector.shape_cast %get3A_75 : vector<1x16xi32> to vector<16xi32>
    %swap3A_77 = arith.constant 0 : i32
    %swap3A_78 = arith.index_cast %swap3A_77 : i32 to index
    %swap3A_79 = arith.constant 16 : index
    %swap3A_80 = tpu.vector_load %arg11[%swap3A_78, %swap3A_79] {strides = array<i32>} : memref<1x64xi32, #tpu.memory_space<vmem>>, vector<1x16xi32>,
    %swap3A_81 = vector.shape_cast %swap3A_80 : vector<1x16xi32> to vector<16xi32>
    %swap3A_82 = vector.shape_cast %get3A_76 : vector<16xi32> to vector<1x16xi32>
    tpu.vector_store %arg11[%swap3A_78, %swap3A_79], %swap3A_82 {strides = array<i32>} : memref<1x64xi32, #tpu.memory_space<vmem>>, vector<1x16xi32>,
    %min3A_83 = arith.minsi %get3A_76, %broadcast_in_dim3A_40 : vector<16xi32>
    %swap3A_84 = arith.constant 0 : i32
    %swap3A_85 = arith.index_cast %swap3A_84 : i32 to index
    %swap3A_86 = arith.constant 16 : index
    %swap3A_87 = tpu.vector_load %arg10[%swap3A_85, %swap3A_86] {strides = array<i32>} : memref<1x64xi32, #tpu.memory_space<vmem>>, vector<1x16xi32>,
    %swap3A_88 = vector.shape_cast %swap3A_87 : vector<1x16xi32> to vector<16xi32>
    %swap3A_89 = vector.shape_cast %min3A_83 : vector<16xi32> to vector<1x16xi32>
    tpu.vector_store %arg10[%swap3A_85, %swap3A_86], %swap3A_89 {strides = array<i32>} : memref<1x64xi32, #tpu.memory_space<vmem>>, vector<1x16xi32>,
    %get3A_90 = arith.constant 0 : i32
    %get3A_91 = arith.index_cast %get3A_90 : i32 to index
    %get3A_92 = arith.constant 32 : index
    %get3A_93 = tpu.vector_load %arg9[%get3A_91, %get3A_92] {strides = array<i32>} : memref<1x64xi32, #tpu.memory_space<vmem>>, vector<1x16xi32>,
    %get3A_94 = vector.shape_cast %get3A_93 : vector<1x16xi32> to vector<16xi32>
    %swap3A_95 = arith.constant 0 : i32
    %swap3A_96 = arith.index_cast %swap3A_95 : i32 to index
    %swap3A_97 = arith.constant 32 : index
    %swap3A_98 = tpu.vector_load %arg11[%swap3A_96, %swap3A_97] {strides = array<i32>} : memref<1x64xi32, #tpu.memory_space<vmem>>, vector<1x16xi32>,
    %swap3A_99 = vector.shape_cast %swap3A_98 : vector<1x16xi32> to vector<16xi32>
    %swap3A_100 = vector.shape_cast %get3A_94 : vector<16xi32> to vector<1x16xi32>
    tpu.vector_store %arg11[%swap3A_96, %swap3A_97], %swap3A_100 {strides = array<i32>} : memref<1x64xi32, #tpu.memory_space<vmem>>, vector<1x16xi32>,
    %min3A_101 = arith.minsi %get3A_94, %broadcast_in_dim3A_40 : vector<16xi32>
    %swap3A_102 = arith.constant 0 : i32
    %swap3A_103 = arith.index_cast %swap3A_102 : i32 to index
    %swap3A_104 = arith.constant 32 : index
    %swap3A_105 = tpu.vector_load %arg10[%swap3A_103, %swap3A_104] {strides = array<i32>} : memref<1x64xi32, #tpu.memory_space<vmem>>, vector<1x16xi32>,
    %swap3A_106 = vector.shape_cast %swap3A_105 : vector<1x16xi32> to vector<16xi32>
    %swap3A_107 = vector.shape_cast %min3A_101 : vector<16xi32> to vector<1x16xi32>
    tpu.vector_store %arg10[%swap3A_103, %swap3A_104], %swap3A_107 {strides = array<i32>} : memref<1x64xi32, #tpu.memory_space<vmem>>, vector<1x16xi32>,
    %get3A_108 = arith.constant 0 : i32
    %get3A_109 = arith.index_cast %get3A_108 : i32 to index
    %get3A_110 = arith.constant 48 : index
    %get3A_111 = tpu.vector_load %arg9[%get3A_109, %get3A_110] {strides = array<i32>} : memref<1x64xi32, #tpu.memory_space<vmem>>, vector<1x16xi32>,
    %get3A_112 = vector.shape_cast %get3A_111 : vector<1x16xi32> to vector<16xi32>
    %swap3A_113 = arith.constant 0 : i32
    %swap3A_114 = arith.index_cast %swap3A_113 : i32 to index
    %swap3A_115 = arith.constant 48 : index
    %swap3A_116 = tpu.vector_load %arg11[%swap3A_114, %swap3A_115] {strides = array<i32>} : memref<1x64xi32, #tpu.memory_space<vmem>>, vector<1x16xi32>,
    %swap3A_117 = vector.shape_cast %swap3A_116 : vector<1x16xi32> to vector<16xi32>
    %swap3A_118 = vector.shape_cast %get3A_112 : vector<16xi32> to vector<1x16xi32>
    tpu.vector_store %arg11[%swap3A_114, %swap3A_115], %swap3A_118 {strides = array<i32>} : memref<1x64xi32, #tpu.memory_space<vmem>>, vector<1x16xi32>,
    %min3A_119 = arith.minsi %get3A_112, %broadcast_in_dim3A_40 : vector<16xi32>
    %swap3A_120 = arith.constant 0 : i32
    %swap3A_121 = arith.index_cast %swap3A_120 : i32 to index
    %swap3A_122 = arith.constant 48 : index
    %swap3A_123 = tpu.vector_load %arg10[%swap3A_121, %swap3A_122] {strides = array<i32>} : memref<1x64xi32, #tpu.memory_space<vmem>>, vector<1x16xi32>,
    %swap3A_124 = vector.shape_cast %swap3A_123 : vector<1x16xi32> to vector<16xi32>
    %swap3A_125 = vector.shape_cast %min3A_119 : vector<16xi32> to vector<1x16xi32>
    tpu.vector_store %arg10[%swap3A_121, %swap3A_122], %swap3A_125 {strides = array<i32>} : memref<1x64xi32, #tpu.memory_space<vmem>>, vector<1x16xi32>,
    %dma_start3A = arith.constant 0 : i32
    %dma_start3A_126 = arith.constant 0 : i32
    %dma_start3A_127 = tpu.memref_slice %arg8[%dma_start3A, %dma_start3A_126] : memref<1x64xi32, #tpu.memory_space<vmem>> -> memref<1x64xi32, #tpu.memory_space<vmem>>
    %dma_start3A_128 = tpu.memref_squeeze %dma_start3A_127 : memref<1x64xi32, #tpu.memory_space<vmem>> -> memref<64xi32, #tpu.memory_space<vmem>>
    %dma_start3A_129 = arith.constant 0 : i32
    %dma_start3A_130 = arith.constant 0 : i32
    %dma_start3A_131 = tpu.memref_slice %arg4[%dma_start3A_129, %dma_start3A_130] : memref<10000x128xf32, #tpu.memory_space<hbm>> -> memref<10000x128xf32, #tpu.memory_space<hbm>>
    tpu.enqueue_indirect_dma source(%dma_start3A_131 : memref<10000x128xf32, #tpu.memory_space<hbm>>) target(%arg16 : memref<64x128xf32, #tpu.memory_space<vmem>>) offsets(%dma_start3A_128 : memref<64xi32, #tpu.memory_space<vmem>>) semaphore(%arg23 : memref<!tpu.dma_semaphore, #tpu.memory_space<semaphore_mem>>)
    %dma_start3A_132 = arith.constant 0 : i32
    %dma_start3A_133 = arith.constant 0 : i32
    %dma_start3A_134 = tpu.memref_slice %arg10[%dma_start3A_132, %dma_start3A_133] : memref<1x64xi32, #tpu.memory_space<vmem>> -> memref<1x64xi32, #tpu.memory_space<vmem>>
    %dma_start3A_135 = tpu.memref_squeeze %dma_start3A_134 : memref<1x64xi32, #tpu.memory_space<vmem>> -> memref<64xi32, #tpu.memory_space<vmem>>
    %dma_start3A_136 = arith.constant 0 : i32
    %dma_start3A_137 = arith.constant 0 : i32
    %dma_start3A_138 = tpu.memref_slice %arg5[%dma_start3A_136, %dma_start3A_137] : memref<10000x128xf32, #tpu.memory_space<hbm>> -> memref<10000x128xf32, #tpu.memory_space<hbm>>
    tpu.enqueue_indirect_dma source(%dma_start3A_138 : memref<10000x128xf32, #tpu.memory_space<hbm>>) target(%arg17 : memref<64x128xf32, #tpu.memory_space<vmem>>) offsets(%dma_start3A_135 : memref<64xi32, #tpu.memory_space<vmem>>) semaphore(%arg24 : memref<!tpu.dma_semaphore, #tpu.memory_space<semaphore_mem>>)
    %mul3A_139 = arith.constant 314 : i32
    %mul3A_140 = arith.muli %arg1, %mul3A_139 : i32
    %add3A = arith.constant 1 : i32
    %add3A_141 = arith.addi %mul3A_140, %add3A : i32
    %dma_start3A_142 = arith.constant 0 : i32
    %dma_start3A_143 = arith.constant 0 : i32
    %dma_start3A_144 = tpu.memref_slice %arg2[%add3A_141, %dma_start3A_142, %dma_start3A_143] : memref<5024x1x64xi32, #tpu.memory_space<hbm>> -> memref<1x1x64xi32, #tpu.memory_space<hbm>>
    %dma_start3A_145 = tpu.memref_squeeze %dma_start3A_144 : memref<1x1x64xi32, #tpu.memory_space<hbm>> -> memref<1x64xi32, #tpu.memory_space<hbm>>
    %dma_start3A_146 = arith.constant 0 : i32
    %dma_start3A_147 = arith.constant 0 : i32
    %dma_start3A_148 = tpu.memref_slice %arg2[%add3A_141, %dma_start3A_146, %dma_start3A_147] : memref<5024x1x64xi32, #tpu.memory_space<hbm>> -> memref<1x1x64xi32, #tpu.memory_space<hbm>>
    %dma_start3A_149 = tpu.memref_squeeze %dma_start3A_148 : memref<1x1x64xi32, #tpu.memory_space<hbm>> -> memref<1x64xi32, #tpu.memory_space<hbm>>
    tpu.enqueue_dma source(%dma_start3A_149 : memref<1x64xi32, #tpu.memory_space<hbm>>) target(%arg12 : memref<1x64xi32, #tpu.memory_space<vmem>>) target_semaphore(%arg28 : memref<!tpu.dma_semaphore, #tpu.memory_space<semaphore_mem>>)
    %dma_start3A_150 = arith.constant 0 : i32
    %dma_start3A_151 = arith.constant 0 : i32
    %dma_start3A_152 = tpu.memref_slice %arg3[%add3A_141, %dma_start3A_150, %dma_start3A_151] : memref<5024x1x64xi32, #tpu.memory_space<hbm>> -> memref<1x1x64xi32, #tpu.memory_space<hbm>>
    %dma_start3A_153 = tpu.memref_squeeze %dma_start3A_152 : memref<1x1x64xi32, #tpu.memory_space<hbm>> -> memref<1x64xi32, #tpu.memory_space<hbm>>
    %dma_start3A_154 = arith.constant 0 : i32
    %dma_start3A_155 = arith.constant 0 : i32
    %dma_start3A_156 = tpu.memref_slice %arg3[%add3A_141, %dma_start3A_154, %dma_start3A_155] : memref<5024x1x64xi32, #tpu.memory_space<hbm>> -> memref<1x1x64xi32, #tpu.memory_space<hbm>>
    %dma_start3A_157 = tpu.memref_squeeze %dma_start3A_156 : memref<1x1x64xi32, #tpu.memory_space<hbm>> -> memref<1x64xi32, #tpu.memory_space<hbm>>
    tpu.enqueue_dma source(%dma_start3A_157 : memref<1x64xi32, #tpu.memory_space<hbm>>) target(%arg13 : memref<1x64xi32, #tpu.memory_space<vmem>>) target_semaphore(%arg28 : memref<!tpu.dma_semaphore, #tpu.memory_space<semaphore_mem>>)
    %scan3A_158 = arith.constant 0 : i32
    %scan3A_159 = arith.constant 0 : i32
    %scan3A_160 = arith.constant 157 : i32
    %scan3A_161 = arith.addi %scan3A_159, %scan3A_160 : i32
    %scan3A_162 = arith.constant 1 : i32
    scf.for %scan3A_196 = %scan3A_159 to %scan3A_161 step %scan3A_162  : i32 {
      %mul3A_197 = arith.constant 314 : i32
      %mul3A_198 = arith.muli %arg1, %mul3A_197 : i32
      %mul3A_199 = arith.constant 2 : i32
      %mul3A_200 = arith.muli %mul3A_199, %scan3A_196 : i32
      %add3A_201 = arith.addi %mul3A_198, %mul3A_200 : i32
      %add3A_202 = arith.constant 1 : i32
      %add3A_203 = arith.addi %add3A_201, %add3A_202 : i32
      %dma_wait3A_204 = arith.constant 0 : i32
      %dma_wait3A_205 = arith.constant 0 : i32
      %dma_wait3A_206 = tpu.memref_slice %arg2[%add3A_203, %dma_wait3A_204, %dma_wait3A_205] : memref<5024x1x64xi32, #tpu.memory_space<hbm>> -> memref<1x1x64xi32, #tpu.memory_space<hbm>>
      %dma_wait3A_207 = tpu.memref_squeeze %dma_wait3A_206 : memref<1x1x64xi32, #tpu.memory_space<hbm>> -> memref<1x64xi32, #tpu.memory_space<hbm>>
      %dma_wait3A_208 = arith.constant 0 : i32
      %dma_wait3A_209 = arith.constant 0 : i32
      %dma_wait3A_210 = tpu.memref_slice %arg2[%add3A_203, %dma_wait3A_208, %dma_wait3A_209] : memref<5024x1x64xi32, #tpu.memory_space<hbm>> -> memref<1x1x64xi32, #tpu.memory_space<hbm>>
      %dma_wait3A_211 = tpu.memref_squeeze %dma_wait3A_210 : memref<1x1x64xi32, #tpu.memory_space<hbm>> -> memref<1x64xi32, #tpu.memory_space<hbm>>
      tpu.wait_dma2 semaphore(%arg28 : memref<!tpu.dma_semaphore, #tpu.memory_space<semaphore_mem>>) src(%dma_wait3A_211 : memref<1x64xi32, #tpu.memory_space<hbm>>) dst(%arg12 : memref<1x64xi32, #tpu.memory_space<vmem>>)
      %dma_wait3A_212 = arith.constant 0 : i32
      %dma_wait3A_213 = arith.constant 0 : i32
      %dma_wait3A_214 = tpu.memref_slice %arg3[%add3A_203, %dma_wait3A_212, %dma_wait3A_213] : memref<5024x1x64xi32, #tpu.memory_space<hbm>> -> memref<1x1x64xi32, #tpu.memory_space<hbm>>
      %dma_wait3A_215 = tpu.memref_squeeze %dma_wait3A_214 : memref<1x1x64xi32, #tpu.memory_space<hbm>> -> memref<1x64xi32, #tpu.memory_space<hbm>>
      %dma_wait3A_216 = arith.constant 0 : i32
      %dma_wait3A_217 = arith.constant 0 : i32
      %dma_wait3A_218 = tpu.memref_slice %arg3[%add3A_203, %dma_wait3A_216, %dma_wait3A_217] : memref<5024x1x64xi32, #tpu.memory_space<hbm>> -> memref<1x1x64xi32, #tpu.memory_space<hbm>>
      %dma_wait3A_219 = tpu.memref_squeeze %dma_wait3A_218 : memref<1x1x64xi32, #tpu.memory_space<hbm>> -> memref<1x64xi32, #tpu.memory_space<hbm>>
      tpu.wait_dma2 semaphore(%arg28 : memref<!tpu.dma_semaphore, #tpu.memory_space<semaphore_mem>>) src(%dma_wait3A_219 : memref<1x64xi32, #tpu.memory_space<hbm>>) dst(%arg13 : memref<1x64xi32, #tpu.memory_space<vmem>>)
      %get3A_220 = arith.constant 0 : i32
      %get3A_221 = arith.index_cast %get3A_220 : i32 to index
      %get3A_222 = arith.constant 0 : index
      %get3A_223 = tpu.vector_load %arg13[%get3A_221, %get3A_222] {strides = array<i32>} : memref<1x64xi32, #tpu.memory_space<vmem>>, vector<1x16xi32>,
      %get3A_224 = vector.shape_cast %get3A_223 : vector<1x16xi32> to vector<16xi32>
      %swap3A_225 = arith.constant 0 : i32
      %swap3A_226 = arith.index_cast %swap3A_225 : i32 to index
      %swap3A_227 = arith.constant 0 : index
      %swap3A_228 = tpu.vector_load %arg15[%swap3A_226, %swap3A_227] {strides = array<i32>} : memref<1x64xi32, #tpu.memory_space<vmem>>, vector<1x16xi32>,
      %swap3A_229 = vector.shape_cast %swap3A_228 : vector<1x16xi32> to vector<16xi32>
      %swap3A_230 = vector.shape_cast %get3A_224 : vector<16xi32> to vector<1x16xi32>
      tpu.vector_store %arg15[%swap3A_226, %swap3A_227], %swap3A_230 {strides = array<i32>} : memref<1x64xi32, #tpu.memory_space<vmem>>, vector<1x16xi32>,
      %min3A_231 = arith.minsi %get3A_224, %broadcast_in_dim3A_40 : vector<16xi32>
      %swap3A_232 = arith.constant 0 : i32
      %swap3A_233 = arith.index_cast %swap3A_232 : i32 to index
      %swap3A_234 = arith.constant 0 : index
      %swap3A_235 = tpu.vector_load %arg14[%swap3A_233, %swap3A_234] {strides = array<i32>} : memref<1x64xi32, #tpu.memory_space<vmem>>, vector<1x16xi32>,
      %swap3A_236 = vector.shape_cast %swap3A_235 : vector<1x16xi32> to vector<16xi32>
      %swap3A_237 = vector.shape_cast %min3A_231 : vector<16xi32> to vector<1x16xi32>
      tpu.vector_store %arg14[%swap3A_233, %swap3A_234], %swap3A_237 {strides = array<i32>} : memref<1x64xi32, #tpu.memory_space<vmem>>, vector<1x16xi32>,
      %get3A_238 = arith.constant 0 : i32
      %get3A_239 = arith.index_cast %get3A_238 : i32 to index
      %get3A_240 = arith.constant 16 : index
      %get3A_241 = tpu.vector_load %arg13[%get3A_239, %get3A_240] {strides = array<i32>} : memref<1x64xi32, #tpu.memory_space<vmem>>, vector<1x16xi32>,
      %get3A_242 = vector.shape_cast %get3A_241 : vector<1x16xi32> to vector<16xi32>
      %swap3A_243 = arith.constant 0 : i32
      %swap3A_244 = arith.index_cast %swap3A_243 : i32 to index
      %swap3A_245 = arith.constant 16 : index
      %swap3A_246 = tpu.vector_load %arg15[%swap3A_244, %swap3A_245] {strides = array<i32>} : memref<1x64xi32, #tpu.memory_space<vmem>>, vector<1x16xi32>,
      %swap3A_247 = vector.shape_cast %swap3A_246 : vector<1x16xi32> to vector<16xi32>
      %swap3A_248 = vector.shape_cast %get3A_242 : vector<16xi32> to vector<1x16xi32>
      tpu.vector_store %arg15[%swap3A_244, %swap3A_245], %swap3A_248 {strides = array<i32>} : memref<1x64xi32, #tpu.memory_space<vmem>>, vector<1x16xi32>,
      %min3A_249 = arith.minsi %get3A_242, %broadcast_in_dim3A_40 : vector<16xi32>
      %swap3A_250 = arith.constant 0 : i32
      %swap3A_251 = arith.index_cast %swap3A_250 : i32 to index
      %swap3A_252 = arith.constant 16 : index
      %swap3A_253 = tpu.vector_load %arg14[%swap3A_251, %swap3A_252] {strides = array<i32>} : memref<1x64xi32, #tpu.memory_space<vmem>>, vector<1x16xi32>,
      %swap3A_254 = vector.shape_cast %swap3A_253 : vector<1x16xi32> to vector<16xi32>
      %swap3A_255 = vector.shape_cast %min3A_249 : vector<16xi32> to vector<1x16xi32>
      tpu.vector_store %arg14[%swap3A_251, %swap3A_252], %swap3A_255 {strides = array<i32>} : memref<1x64xi32, #tpu.memory_space<vmem>>, vector<1x16xi32>,
      %get3A_256 = arith.constant 0 : i32
      %get3A_257 = arith.index_cast %get3A_256 : i32 to index
      %get3A_258 = arith.constant 32 : index
      %get3A_259 = tpu.vector_load %arg13[%get3A_257, %get3A_258] {strides = array<i32>} : memref<1x64xi32, #tpu.memory_space<vmem>>, vector<1x16xi32>,
      %get3A_260 = vector.shape_cast %get3A_259 : vector<1x16xi32> to vector<16xi32>
      %swap3A_261 = arith.constant 0 : i32
      %swap3A_262 = arith.index_cast %swap3A_261 : i32 to index
      %swap3A_263 = arith.constant 32 : index
      %swap3A_264 = tpu.vector_load %arg15[%swap3A_262, %swap3A_263] {strides = array<i32>} : memref<1x64xi32, #tpu.memory_space<vmem>>, vector<1x16xi32>,
      %swap3A_265 = vector.shape_cast %swap3A_264 : vector<1x16xi32> to vector<16xi32>
      %swap3A_266 = vector.shape_cast %get3A_260 : vector<16xi32> to vector<1x16xi32>
      tpu.vector_store %arg15[%swap3A_262, %swap3A_263], %swap3A_266 {strides = array<i32>} : memref<1x64xi32, #tpu.memory_space<vmem>>, vector<1x16xi32>,
      %min3A_267 = arith.minsi %get3A_260, %broadcast_in_dim3A_40 : vector<16xi32>
      %swap3A_268 = arith.constant 0 : i32
      %swap3A_269 = arith.index_cast %swap3A_268 : i32 to index
      %swap3A_270 = arith.constant 32 : index
      %swap3A_271 = tpu.vector_load %arg14[%swap3A_269, %swap3A_270] {strides = array<i32>} : memref<1x64xi32, #tpu.memory_space<vmem>>, vector<1x16xi32>,
      %swap3A_272 = vector.shape_cast %swap3A_271 : vector<1x16xi32> to vector<16xi32>
      %swap3A_273 = vector.shape_cast %min3A_267 : vector<16xi32> to vector<1x16xi32>
      tpu.vector_store %arg14[%swap3A_269, %swap3A_270], %swap3A_273 {strides = array<i32>} : memref<1x64xi32, #tpu.memory_space<vmem>>, vector<1x16xi32>,
      %get3A_274 = arith.constant 0 : i32
      %get3A_275 = arith.index_cast %get3A_274 : i32 to index
      %get3A_276 = arith.constant 48 : index
      %get3A_277 = tpu.vector_load %arg13[%get3A_275, %get3A_276] {strides = array<i32>} : memref<1x64xi32, #tpu.memory_space<vmem>>, vector<1x16xi32>,
      %get3A_278 = vector.shape_cast %get3A_277 : vector<1x16xi32> to vector<16xi32>
      %swap3A_279 = arith.constant 0 : i32
      %swap3A_280 = arith.index_cast %swap3A_279 : i32 to index
      %swap3A_281 = arith.constant 48 : index
      %swap3A_282 = tpu.vector_load %arg15[%swap3A_280, %swap3A_281] {strides = array<i32>} : memref<1x64xi32, #tpu.memory_space<vmem>>, vector<1x16xi32>,
      %swap3A_283 = vector.shape_cast %swap3A_282 : vector<1x16xi32> to vector<16xi32>
      %swap3A_284 = vector.shape_cast %get3A_278 : vector<16xi32> to vector<1x16xi32>
      tpu.vector_store %arg15[%swap3A_280, %swap3A_281], %swap3A_284 {strides = array<i32>} : memref<1x64xi32, #tpu.memory_space<vmem>>, vector<1x16xi32>,
      %min3A_285 = arith.minsi %get3A_278, %broadcast_in_dim3A_40 : vector<16xi32>
      %swap3A_286 = arith.constant 0 : i32
      %swap3A_287 = arith.index_cast %swap3A_286 : i32 to index
      %swap3A_288 = arith.constant 48 : index
      %swap3A_289 = tpu.vector_load %arg14[%swap3A_287, %swap3A_288] {strides = array<i32>} : memref<1x64xi32, #tpu.memory_space<vmem>>, vector<1x16xi32>,
      %swap3A_290 = vector.shape_cast %swap3A_289 : vector<1x16xi32> to vector<16xi32>
      %swap3A_291 = vector.shape_cast %min3A_285 : vector<16xi32> to vector<1x16xi32>
      tpu.vector_store %arg14[%swap3A_287, %swap3A_288], %swap3A_291 {strides = array<i32>} : memref<1x64xi32, #tpu.memory_space<vmem>>, vector<1x16xi32>,
      %dma_start3A_292 = arith.constant 0 : i32
      %dma_start3A_293 = arith.constant 0 : i32
      %dma_start3A_294 = tpu.memref_slice %arg12[%dma_start3A_292, %dma_start3A_293] : memref<1x64xi32, #tpu.memory_space<vmem>> -> memref<1x64xi32, #tpu.memory_space<vmem>>
      %dma_start3A_295 = tpu.memref_squeeze %dma_start3A_294 : memref<1x64xi32, #tpu.memory_space<vmem>> -> memref<64xi32, #tpu.memory_space<vmem>>
      %dma_start3A_296 = arith.constant 0 : i32
      %dma_start3A_297 = arith.constant 0 : i32
      %dma_start3A_298 = tpu.memref_slice %arg4[%dma_start3A_296, %dma_start3A_297] : memref<10000x128xf32, #tpu.memory_space<hbm>> -> memref<10000x128xf32, #tpu.memory_space<hbm>>
      tpu.enqueue_indirect_dma source(%dma_start3A_298 : memref<10000x128xf32, #tpu.memory_space<hbm>>) target(%arg18 : memref<64x128xf32, #tpu.memory_space<vmem>>) offsets(%dma_start3A_295 : memref<64xi32, #tpu.memory_space<vmem>>) semaphore(%arg25 : memref<!tpu.dma_semaphore, #tpu.memory_space<semaphore_mem>>)
      %dma_start3A_299 = arith.constant 0 : i32
      %dma_start3A_300 = arith.constant 0 : i32
      %dma_start3A_301 = tpu.memref_slice %arg14[%dma_start3A_299, %dma_start3A_300] : memref<1x64xi32, #tpu.memory_space<vmem>> -> memref<1x64xi32, #tpu.memory_space<vmem>>
      %dma_start3A_302 = tpu.memref_squeeze %dma_start3A_301 : memref<1x64xi32, #tpu.memory_space<vmem>> -> memref<64xi32, #tpu.memory_space<vmem>>
      %dma_start3A_303 = arith.constant 0 : i32
      %dma_start3A_304 = arith.constant 0 : i32
      %dma_start3A_305 = tpu.memref_slice %arg5[%dma_start3A_303, %dma_start3A_304] : memref<10000x128xf32, #tpu.memory_space<hbm>> -> memref<10000x128xf32, #tpu.memory_space<hbm>>
      tpu.enqueue_indirect_dma source(%dma_start3A_305 : memref<10000x128xf32, #tpu.memory_space<hbm>>) target(%arg19 : memref<64x128xf32, #tpu.memory_space<vmem>>) offsets(%dma_start3A_302 : memref<64xi32, #tpu.memory_space<vmem>>) semaphore(%arg26 : memref<!tpu.dma_semaphore, #tpu.memory_space<semaphore_mem>>)
      %dma_wait3A_306 = arith.constant 0 : i32
      %dma_wait3A_307 = arith.constant 0 : i32
      %dma_wait3A_308 = tpu.memref_slice %arg8[%dma_wait3A_306, %dma_wait3A_307] : memref<1x64xi32, #tpu.memory_space<vmem>> -> memref<1x64xi32, #tpu.memory_space<vmem>>
      %dma_wait3A_309 = tpu.memref_squeeze %dma_wait3A_308 : memref<1x64xi32, #tpu.memory_space<vmem>> -> memref<64xi32, #tpu.memory_space<vmem>>
      %dma_wait3A_310 = arith.constant 0 : i32
      %dma_wait3A_311 = arith.constant 0 : i32
      %dma_wait3A_312 = tpu.memref_slice %arg4[%dma_wait3A_310, %dma_wait3A_311] : memref<10000x128xf32, #tpu.memory_space<hbm>> -> memref<10000x128xf32, #tpu.memory_space<hbm>>
      tpu.wait_indirect_dma semaphore(%arg23 : memref<!tpu.dma_semaphore, #tpu.memory_space<semaphore_mem>>) src(%dma_wait3A_312 : memref<10000x128xf32, #tpu.memory_space<hbm>>) dst(%arg16 : memref<64x128xf32, #tpu.memory_space<vmem>>)
      %dma_wait3A_313 = arith.constant 0 : i32
      %dma_wait3A_314 = arith.constant 0 : i32
      %dma_wait3A_315 = tpu.memref_slice %arg10[%dma_wait3A_313, %dma_wait3A_314] : memref<1x64xi32, #tpu.memory_space<vmem>> -> memref<1x64xi32, #tpu.memory_space<vmem>>
      %dma_wait3A_316 = tpu.memref_squeeze %dma_wait3A_315 : memref<1x64xi32, #tpu.memory_space<vmem>> -> memref<64xi32, #tpu.memory_space<vmem>>
      %dma_wait3A_317 = arith.constant 0 : i32
      %dma_wait3A_318 = arith.constant 0 : i32
      %dma_wait3A_319 = tpu.memref_slice %arg5[%dma_wait3A_317, %dma_wait3A_318] : memref<10000x128xf32, #tpu.memory_space<hbm>> -> memref<10000x128xf32, #tpu.memory_space<hbm>>
      tpu.wait_indirect_dma semaphore(%arg24 : memref<!tpu.dma_semaphore, #tpu.memory_space<semaphore_mem>>) src(%dma_wait3A_319 : memref<10000x128xf32, #tpu.memory_space<hbm>>) dst(%arg17 : memref<64x128xf32, #tpu.memory_space<vmem>>)
      %add3A_320 = arith.constant 2 : i32
      %add3A_321 = arith.addi %add3A_201, %add3A_320 : i32
      %mul3A_322 = arith.constant 314 : i32
      %mul3A_323 = arith.muli %arg1, %mul3A_322 : i32
      %add3A_324 = arith.constant 314 : i32
      %add3A_325 = arith.addi %mul3A_323, %add3A_324 : i32
      %sub3A = arith.constant 1 : i32
      %sub3A_326 = arith.subi %add3A_325, %sub3A : i32
      %min3A_327 = arith.minsi %add3A_321, %sub3A_326 : i32
      %dma_start3A_328 = arith.constant 0 : i32
      %dma_start3A_329 = arith.constant 0 : i32
      %dma_start3A_330 = tpu.memref_slice %arg2[%min3A_327, %dma_start3A_328, %dma_start3A_329] : memref<5024x1x64xi32, #tpu.memory_space<hbm>> -> memref<1x1x64xi32, #tpu.memory_space<hbm>>
      %dma_start3A_331 = tpu.memref_squeeze %dma_start3A_330 : memref<1x1x64xi32, #tpu.memory_space<hbm>> -> memref<1x64xi32, #tpu.memory_space<hbm>>
      %dma_start3A_332 = arith.constant 0 : i32
      %dma_start3A_333 = arith.constant 0 : i32
      %dma_start3A_334 = tpu.memref_slice %arg2[%min3A_327, %dma_start3A_332, %dma_start3A_333] : memref<5024x1x64xi32, #tpu.memory_space<hbm>> -> memref<1x1x64xi32, #tpu.memory_space<hbm>>
      %dma_start3A_335 = tpu.memref_squeeze %dma_start3A_334 : memref<1x1x64xi32, #tpu.memory_space<hbm>> -> memref<1x64xi32, #tpu.memory_space<hbm>>
      tpu.enqueue_dma source(%dma_start3A_335 : memref<1x64xi32, #tpu.memory_space<hbm>>) target(%arg8 : memref<1x64xi32, #tpu.memory_space<vmem>>) target_semaphore(%arg27 : memref<!tpu.dma_semaphore, #tpu.memory_space<semaphore_mem>>)
      %dma_start3A_336 = arith.constant 0 : i32
      %dma_start3A_337 = arith.constant 0 : i32
      %dma_start3A_338 = tpu.memref_slice %arg3[%min3A_327, %dma_start3A_336, %dma_start3A_337] : memref<5024x1x64xi32, #tpu.memory_space<hbm>> -> memref<1x1x64xi32, #tpu.memory_space<hbm>>
      %dma_start3A_339 = tpu.memref_squeeze %dma_start3A_338 : memref<1x1x64xi32, #tpu.memory_space<hbm>> -> memref<1x64xi32, #tpu.memory_space<hbm>>
      %dma_start3A_340 = arith.constant 0 : i32
      %dma_start3A_341 = arith.constant 0 : i32
      %dma_start3A_342 = tpu.memref_slice %arg3[%min3A_327, %dma_start3A_340, %dma_start3A_341] : memref<5024x1x64xi32, #tpu.memory_space<hbm>> -> memref<1x1x64xi32, #tpu.memory_space<hbm>>
      %dma_start3A_343 = tpu.memref_squeeze %dma_start3A_342 : memref<1x1x64xi32, #tpu.memory_space<hbm>> -> memref<1x64xi32, #tpu.memory_space<hbm>>
      tpu.enqueue_dma source(%dma_start3A_343 : memref<1x64xi32, #tpu.memory_space<hbm>>) target(%arg9 : memref<1x64xi32, #tpu.memory_space<vmem>>) target_semaphore(%arg27 : memref<!tpu.dma_semaphore, #tpu.memory_space<semaphore_mem>>)
      %scan3A_344 = arith.constant 0 : i32
      %scan3A_345 = arith.constant 0 : i32
      %scan3A_346 = arith.constant 64 : i32
      %scan3A_347 = arith.addi %scan3A_345, %scan3A_346 : i32
      %scan3A_348 = arith.constant 1 : i32
      scf.for %scan3A_498 = %scan3A_345 to %scan3A_347 step %scan3A_348  : i32 {
        %add3A_499 = arith.constant 0 : i32
        %add3A_500 = arith.addi %mul3A_3, %add3A_499 : i32
        %get3A_501 = arith.index_cast %scan3A_498 : i32 to index
        %get3A_502 = arith.index_cast %add3A_500 : i32 to index
        %get3A_503 = tpu.vector_load %arg16[%get3A_501, %get3A_502] {strides = array<i32>} : memref<64x128xf32, #tpu.memory_space<vmem>>, vector<1x16xf32>,
        %get3A_504 = vector.shape_cast %get3A_503 : vector<1x16xf32> to vector<16xf32>
        %add3A_505 = arith.constant 16 : i32
        %add3A_506 = arith.addi %mul3A_3, %add3A_505 : i32
        %get3A_507 = arith.index_cast %scan3A_498 : i32 to index
        %get3A_508 = arith.index_cast %add3A_506 : i32 to index
        %get3A_509 = tpu.vector_load %arg16[%get3A_507, %get3A_508] {strides = array<i32>} : memref<64x128xf32, #tpu.memory_space<vmem>>, vector<1x16xf32>,
        %get3A_510 = vector.shape_cast %get3A_509 : vector<1x16xf32> to vector<16xf32>
        %add3A_511 = arith.constant 32 : i32
        %add3A_512 = arith.addi %mul3A_3, %add3A_511 : i32
        %get3A_513 = arith.index_cast %scan3A_498 : i32 to index
        %get3A_514 = arith.index_cast %add3A_512 : i32 to index
        %get3A_515 = tpu.vector_load %arg16[%get3A_513, %get3A_514] {strides = array<i32>} : memref<64x128xf32, #tpu.memory_space<vmem>>, vector<1x16xf32>,
        %get3A_516 = vector.shape_cast %get3A_515 : vector<1x16xf32> to vector<16xf32>
        %add3A_517 = arith.constant 48 : i32
        %add3A_518 = arith.addi %mul3A_3, %add3A_517 : i32
        %get3A_519 = arith.index_cast %scan3A_498 : i32 to index
        %get3A_520 = arith.index_cast %add3A_518 : i32 to index
        %get3A_521 = tpu.vector_load %arg16[%get3A_519, %get3A_520] {strides = array<i32>} : memref<64x128xf32, #tpu.memory_space<vmem>>, vector<1x16xf32>,
        %get3A_522 = vector.shape_cast %get3A_521 : vector<1x16xf32> to vector<16xf32>
        %add3A_523 = arith.constant 0 : i32
        %add3A_524 = arith.addi %mul3A_3, %add3A_523 : i32
        %get3A_525 = arith.index_cast %scan3A_498 : i32 to index
        %get3A_526 = arith.index_cast %add3A_524 : i32 to index
        %get3A_527 = tpu.vector_load %arg17[%get3A_525, %get3A_526] {strides = array<i32>} : memref<64x128xf32, #tpu.memory_space<vmem>>, vector<1x16xf32>,
        %get3A_528 = vector.shape_cast %get3A_527 : vector<1x16xf32> to vector<16xf32>
        %add3A_529 = arith.constant 16 : i32
        %add3A_530 = arith.addi %mul3A_3, %add3A_529 : i32
        %get3A_531 = arith.index_cast %scan3A_498 : i32 to index
        %get3A_532 = arith.index_cast %add3A_530 : i32 to index
        %get3A_533 = tpu.vector_load %arg17[%get3A_531, %get3A_532] {strides = array<i32>} : memref<64x128xf32, #tpu.memory_space<vmem>>, vector<1x16xf32>,
        %get3A_534 = vector.shape_cast %get3A_533 : vector<1x16xf32> to vector<16xf32>
        %add3A_535 = arith.constant 32 : i32
        %add3A_536 = arith.addi %mul3A_3, %add3A_535 : i32
        %get3A_537 = arith.index_cast %scan3A_498 : i32 to index
        %get3A_538 = arith.index_cast %add3A_536 : i32 to index
        %get3A_539 = tpu.vector_load %arg17[%get3A_537, %get3A_538] {strides = array<i32>} : memref<64x128xf32, #tpu.memory_space<vmem>>, vector<1x16xf32>,
        %get3A_540 = vector.shape_cast %get3A_539 : vector<1x16xf32> to vector<16xf32>
        %add3A_541 = arith.constant 48 : i32
        %add3A_542 = arith.addi %mul3A_3, %add3A_541 : i32
        %get3A_543 = arith.index_cast %scan3A_498 : i32 to index
        %get3A_544 = arith.index_cast %add3A_542 : i32 to index
        %get3A_545 = tpu.vector_load %arg17[%get3A_543, %get3A_544] {strides = array<i32>} : memref<64x128xf32, #tpu.memory_space<vmem>>, vector<1x16xf32>,
        %get3A_546 = vector.shape_cast %get3A_545 : vector<1x16xf32> to vector<16xf32>
        %add3A_547 = arith.addf %get3A_528, %get3A_504 : vector<16xf32>
        %mul3A_548 = arith.constant 2.000000e-01 : f32
        %mul3A_549 = vector.broadcast %mul3A_548 : f32 to vector<16xf32>
        %mul3A_550 = arith.mulf %mul3A_549, %add3A_547 : vector<16xf32>
        %max3A = arith.maximumf %add3A_547, %mul3A_550 : vector<16xf32>
        %mul3A_551 = arith.mulf %get3A_18, %max3A : vector<16xf32>
        %add3A_552 = arith.addf %get3A_534, %get3A_510 : vector<16xf32>
        %mul3A_553 = arith.constant 2.000000e-01 : f32
        %mul3A_554 = vector.broadcast %mul3A_553 : f32 to vector<16xf32>
        %mul3A_555 = arith.mulf %mul3A_554, %add3A_552 : vector<16xf32>
        %max3A_556 = arith.maximumf %add3A_552, %mul3A_555 : vector<16xf32>
        %mul3A_557 = arith.mulf %get3A_23, %max3A_556 : vector<16xf32>
        %add3A_558 = arith.addf %mul3A_551, %mul3A_557 : vector<16xf32>
        %add3A_559 = arith.addf %get3A_540, %get3A_516 : vector<16xf32>
        %mul3A_560 = arith.constant 2.000000e-01 : f32
        %mul3A_561 = vector.broadcast %mul3A_560 : f32 to vector<16xf32>
        %mul3A_562 = arith.mulf %mul3A_561, %add3A_559 : vector<16xf32>
        %max3A_563 = arith.maximumf %add3A_559, %mul3A_562 : vector<16xf32>
        %mul3A_564 = arith.mulf %get3A_28, %max3A_563 : vector<16xf32>
        %add3A_565 = arith.addf %add3A_558, %mul3A_564 : vector<16xf32>
        %add3A_566 = arith.addf %get3A_546, %get3A_522 : vector<16xf32>
        %mul3A_567 = arith.constant 2.000000e-01 : f32
        %mul3A_568 = vector.broadcast %mul3A_567 : f32 to vector<16xf32>
        %mul3A_569 = arith.mulf %mul3A_568, %add3A_566 : vector<16xf32>
        %max3A_570 = arith.maximumf %add3A_566, %mul3A_569 : vector<16xf32>
        %mul3A_571 = arith.mulf %get3A_33, %max3A_570 : vector<16xf32>
        %add3A_572 = arith.addf %add3A_565, %mul3A_571 : vector<16xf32>
        %broadcast_in_dim3A_573 = vector.shape_cast %xor3A_42 : vector<16xi32> to vector<16x1xi32>
        %gather3A = vector.shape_cast %broadcast_in_dim3A_573 : vector<16x1xi32> to vector<16xi32>
        %gather3A_574 = tpu.dynamic_gather %add3A_572[%gather3A] in [0] : vector<16xf32>, vector<16xi32> -> vector<16xf32>
        %add3A_575 = arith.addf %add3A_572, %gather3A_574 : vector<16xf32>
        %broadcast_in_dim3A_576 = vector.shape_cast %xor3A_45 : vector<16xi32> to vector<16x1xi32>
        %gather3A_577 = vector.shape_cast %broadcast_in_dim3A_576 : vector<16x1xi32> to vector<16xi32>
        %gather3A_578 = tpu.dynamic_gather %add3A_575[%gather3A_577] in [0] : vector<16xf32>, vector<16xi32> -> vector<16xf32>
        %add3A_579 = arith.addf %add3A_575, %gather3A_578 : vector<16xf32>
        %broadcast_in_dim3A_580 = vector.shape_cast %xor3A_48 : vector<16xi32> to vector<16x1xi32>
        %gather3A_581 = vector.shape_cast %broadcast_in_dim3A_580 : vector<16x1xi32> to vector<16xi32>
        %gather3A_582 = tpu.dynamic_gather %add3A_579[%gather3A_581] in [0] : vector<16xf32>, vector<16xi32> -> vector<16xf32>
        %add3A_583 = arith.addf %add3A_579, %gather3A_582 : vector<16xf32>
        %broadcast_in_dim3A_584 = vector.shape_cast %xor3A_51 : vector<16xi32> to vector<16x1xi32>
        %gather3A_585 = vector.shape_cast %broadcast_in_dim3A_584 : vector<16x1xi32> to vector<16xi32>
        %gather3A_586 = tpu.dynamic_gather %add3A_583[%gather3A_585] in [0] : vector<16xf32>, vector<16xi32> -> vector<16xf32>
        %add3A_587 = arith.addf %add3A_583, %gather3A_586 : vector<16xf32>
        %exp3A = math.exp %add3A_587 : vector<16xf32>
        %mul3A_588 = arith.mulf %exp3A, %get3A_504 : vector<16xf32>
        %swap3A_589 = arith.index_cast %scan3A_498 : i32 to index
        %swap3A_590 = arith.constant 0 : index
        %swap3A_591 = tpu.vector_load %arg20[%swap3A_589, %swap3A_590] {strides = array<i32>} : memref<64x128xf32, #tpu.memory_space<vmem>>, vector<1x16xf32>,
        %swap3A_592 = vector.shape_cast %swap3A_591 : vector<1x16xf32> to vector<16xf32>
        %swap3A_593 = vector.shape_cast %mul3A_588 : vector<16xf32> to vector<1x16xf32>
        tpu.vector_store %arg20[%swap3A_589, %swap3A_590], %swap3A_593 {strides = array<i32>} : memref<64x128xf32, #tpu.memory_space<vmem>>, vector<1x16xf32>,
        %mul3A_594 = arith.mulf %exp3A, %get3A_510 : vector<16xf32>
        %swap3A_595 = arith.index_cast %scan3A_498 : i32 to index
        %swap3A_596 = arith.constant 16 : index
        %swap3A_597 = tpu.vector_load %arg20[%swap3A_595, %swap3A_596] {strides = array<i32>} : memref<64x128xf32, #tpu.memory_space<vmem>>, vector<1x16xf32>,
        %swap3A_598 = vector.shape_cast %swap3A_597 : vector<1x16xf32> to vector<16xf32>
        %swap3A_599 = vector.shape_cast %mul3A_594 : vector<16xf32> to vector<1x16xf32>
        tpu.vector_store %arg20[%swap3A_595, %swap3A_596], %swap3A_599 {strides = array<i32>} : memref<64x128xf32, #tpu.memory_space<vmem>>, vector<1x16xf32>,
        %mul3A_600 = arith.mulf %exp3A, %get3A_516 : vector<16xf32>
        %swap3A_601 = arith.index_cast %scan3A_498 : i32 to index
        %swap3A_602 = arith.constant 32 : index
        %swap3A_603 = tpu.vector_load %arg20[%swap3A_601, %swap3A_602] {strides = array<i32>} : memref<64x128xf32, #tpu.memory_space<vmem>>, vector<1x16xf32>,
        %swap3A_604 = vector.shape_cast %swap3A_603 : vector<1x16xf32> to vector<16xf32>
        %swap3A_605 = vector.shape_cast %mul3A_600 : vector<16xf32> to vector<1x16xf32>
        tpu.vector_store %arg20[%swap3A_601, %swap3A_602], %swap3A_605 {strides = array<i32>} : memref<64x128xf32, #tpu.memory_space<vmem>>, vector<1x16xf32>,
        %mul3A_606 = arith.mulf %exp3A, %get3A_522 : vector<16xf32>
        %swap3A_607 = arith.index_cast %scan3A_498 : i32 to index
        %swap3A_608 = arith.constant 48 : index
        %swap3A_609 = tpu.vector_load %arg20[%swap3A_607, %swap3A_608] {strides = array<i32>} : memref<64x128xf32, #tpu.memory_space<vmem>>, vector<1x16xf32>,
        %swap3A_610 = vector.shape_cast %swap3A_609 : vector<1x16xf32> to vector<16xf32>
        %swap3A_611 = vector.shape_cast %mul3A_606 : vector<16xf32> to vector<1x16xf32>
        tpu.vector_store %arg20[%swap3A_607, %swap3A_608], %swap3A_611 {strides = array<i32>} : memref<64x128xf32, #tpu.memory_space<vmem>>, vector<1x16xf32>,
        %mul3A_612 = arith.mulf %exp3A, %select_n3A : vector<16xf32>
        %swap3A_613 = arith.index_cast %scan3A_498 : i32 to index
        %swap3A_614 = arith.constant 64 : index
        %swap3A_615 = tpu.vector_load %arg20[%swap3A_613, %swap3A_614] {strides = array<i32>} : memref<64x128xf32, #tpu.memory_space<vmem>>, vector<1x16xf32>,
        %swap3A_616 = vector.shape_cast %swap3A_615 : vector<1x16xf32> to vector<16xf32>
        %swap3A_617 = vector.shape_cast %mul3A_612 : vector<16xf32> to vector<1x16xf32>
        tpu.vector_store %arg20[%swap3A_613, %swap3A_614], %swap3A_617 {strides = array<i32>} : memref<64x128xf32, #tpu.memory_space<vmem>>, vector<1x16xf32>,
      }
      %scan3A_349 = arith.constant 64 : i32
      %run_scoped3A = arith.constant 0 : i32
      "tpu.region"() ({
        %run_scoped3A_498 = tpu.sem_alloc : memref<!tpu.dma_semaphore, #tpu.memory_space<semaphore_mem>>
        %dma_start3A_499 = arith.constant 0 : i32
        %dma_start3A_500 = tpu.memref_slice %arg11[%run_scoped3A, %dma_start3A_499] : memref<1x64xi32, #tpu.memory_space<vmem>> -> memref<1x64xi32, #tpu.memory_space<vmem>>
        %dma_start3A_501 = tpu.memref_squeeze %dma_start3A_500 : memref<1x64xi32, #tpu.memory_space<vmem>> -> memref<64xi32, #tpu.memory_space<vmem>>
        %dma_start3A_502 = arith.constant 0 : i32
        %dma_start3A_503 = arith.constant 0 : i32
        %dma_start3A_504 = tpu.memref_slice %arg22[%dma_start3A_502, %dma_start3A_503] : memref<10240x128xf32, #tpu.memory_space<vmem_shared>> -> memref<10240x128xf32, #tpu.memory_space<vmem_shared>>
        tpu.enqueue_indirect_dma source(%arg20 : memref<64x128xf32, #tpu.memory_space<vmem>>) target(%dma_start3A_504 : memref<10240x128xf32, #tpu.memory_space<vmem_shared>>) offsets(%dma_start3A_501 : memref<64xi32, #tpu.memory_space<vmem>>) semaphore(%run_scoped3A_498 : memref<!tpu.dma_semaphore, #tpu.memory_space<semaphore_mem>>) {add = true}
        %dma_wait3A_505 = arith.constant 0 : i32
        %dma_wait3A_506 = tpu.memref_slice %arg11[%run_scoped3A, %dma_wait3A_505] : memref<1x64xi32, #tpu.memory_space<vmem>> -> memref<1x64xi32, #tpu.memory_space<vmem>>
        %dma_wait3A_507 = tpu.memref_squeeze %dma_wait3A_506 : memref<1x64xi32, #tpu.memory_space<vmem>> -> memref<64xi32, #tpu.memory_space<vmem>>
        %dma_wait3A_508 = arith.constant 0 : i32
        %dma_wait3A_509 = arith.constant 0 : i32
        %dma_wait3A_510 = tpu.memref_slice %arg22[%dma_wait3A_508, %dma_wait3A_509] : memref<10240x128xf32, #tpu.memory_space<vmem_shared>> -> memref<10240x128xf32, #tpu.memory_space<vmem_shared>>
        tpu.wait_indirect_dma semaphore(%run_scoped3A_498 : memref<!tpu.dma_semaphore, #tpu.memory_space<semaphore_mem>>) src(%arg20 : memref<64x128xf32, #tpu.memory_space<vmem>>) dst(%dma_wait3A_510 : memref<10240x128xf32, #tpu.memory_space<vmem_shared>>)
        tpu.yield
      }) : () -> ()
      %dma_wait3A_350 = arith.constant 0 : i32
      %dma_wait3A_351 = arith.constant 0 : i32
      %dma_wait3A_352 = tpu.memref_slice %arg2[%add3A_201, %dma_wait3A_350, %dma_wait3A_351] : memref<5024x1x64xi32, #tpu.memory_space<hbm>> -> memref<1x1x64xi32, #tpu.memory_space<hbm>>
      %dma_wait3A_353 = tpu.memref_squeeze %dma_wait3A_352 : memref<1x1x64xi32, #tpu.memory_space<hbm>> -> memref<1x64xi32, #tpu.memory_space<hbm>>
      %dma_wait3A_354 = arith.constant 0 : i32
      %dma_wait3A_355 = arith.constant 0 : i32
      %dma_wait3A_356 = tpu.memref_slice %arg2[%add3A_201, %dma_wait3A_354, %dma_wait3A_355] : memref<5024x1x64xi32, #tpu.memory_space<hbm>> -> memref<1x1x64xi32, #tpu.memory_space<hbm>>
      %dma_wait3A_357 = tpu.memref_squeeze %dma_wait3A_356 : memref<1x1x64xi32, #tpu.memory_space<hbm>> -> memref<1x64xi32, #tpu.memory_space<hbm>>
      tpu.wait_dma2 semaphore(%arg27 : memref<!tpu.dma_semaphore, #tpu.memory_space<semaphore_mem>>) src(%dma_wait3A_357 : memref<1x64xi32, #tpu.memory_space<hbm>>) dst(%arg8 : memref<1x64xi32, #tpu.memory_space<vmem>>)
      %dma_wait3A_358 = arith.constant 0 : i32
      %dma_wait3A_359 = arith.constant 0 : i32
      %dma_wait3A_360 = tpu.memref_slice %arg3[%add3A_201, %dma_wait3A_358, %dma_wait3A_359] : memref<5024x1x64xi32, #tpu.memory_space<hbm>> -> memref<1x1x64xi32, #tpu.memory_space<hbm>>
      %dma_wait3A_361 = tpu.memref_squeeze %dma_wait3A_360 : memref<1x1x64xi32, #tpu.memory_space<hbm>> -> memref<1x64xi32, #tpu.memory_space<hbm>>
      %dma_wait3A_362 = arith.constant 0 : i32
      %dma_wait3A_363 = arith.constant 0 : i32
      %dma_wait3A_364 = tpu.memref_slice %arg3[%add3A_201, %dma_wait3A_362, %dma_wait3A_363] : memref<5024x1x64xi32, #tpu.memory_space<hbm>> -> memref<1x1x64xi32, #tpu.memory_space<hbm>>
      %dma_wait3A_365 = tpu.memref_squeeze %dma_wait3A_364 : memref<1x1x64xi32, #tpu.memory_space<hbm>> -> memref<1x64xi32, #tpu.memory_space<hbm>>
      tpu.wait_dma2 semaphore(%arg27 : memref<!tpu.dma_semaphore, #tpu.memory_space<semaphore_mem>>) src(%dma_wait3A_365 : memref<1x64xi32, #tpu.memory_space<hbm>>) dst(%arg9 : memref<1x64xi32, #tpu.memory_space<vmem>>)
      %get3A_366 = arith.constant 0 : i32
      %get3A_367 = arith.index_cast %get3A_366 : i32 to index
      %get3A_368 = arith.constant 0 : index
      %get3A_369 = tpu.vector_load %arg9[%get3A_367, %get3A_368] {strides = array<i32>} : memref<1x64xi32, #tpu.memory_space<vmem>>, vector<1x16xi32>,
      %get3A_370 = vector.shape_cast %get3A_369 : vector<1x16xi32> to vector<16xi32>
      %swap3A_371 = arith.constant 0 : i32
      %swap3A_372 = arith.index_cast %swap3A_371 : i32 to index
      %swap3A_373 = arith.constant 0 : index
      %swap3A_374 = tpu.vector_load %arg11[%swap3A_372, %swap3A_373] {strides = array<i32>} : memref<1x64xi32, #tpu.memory_space<vmem>>, vector<1x16xi32>,
      %swap3A_375 = vector.shape_cast %swap3A_374 : vector<1x16xi32> to vector<16xi32>
      %swap3A_376 = vector.shape_cast %get3A_370 : vector<16xi32> to vector<1x16xi32>
      tpu.vector_store %arg11[%swap3A_372, %swap3A_373], %swap3A_376 {strides = array<i32>} : memref<1x64xi32, #tpu.memory_space<vmem>>, vector<1x16xi32>,
      %min3A_377 = arith.minsi %get3A_370, %broadcast_in_dim3A_40 : vector<16xi32>
      %swap3A_378 = arith.constant 0 : i32
      %swap3A_379 = arith.index_cast %swap3A_378 : i32 to index
      %swap3A_380 = arith.constant 0 : index
      %swap3A_381 = tpu.vector_load %arg10[%swap3A_379, %swap3A_380] {strides = array<i32>} : memref<1x64xi32, #tpu.memory_space<vmem>>, vector<1x16xi32>,
      %swap3A_382 = vector.shape_cast %swap3A_381 : vector<1x16xi32> to vector<16xi32>
      %swap3A_383 = vector.shape_cast %min3A_377 : vector<16xi32> to vector<1x16xi32>
      tpu.vector_store %arg10[%swap3A_379, %swap3A_380], %swap3A_383 {strides = array<i32>} : memref<1x64xi32, #tpu.memory_space<vmem>>, vector<1x16xi32>,
      %get3A_384 = arith.constant 0 : i32
      %get3A_385 = arith.index_cast %get3A_384 : i32 to index
      %get3A_386 = arith.constant 16 : index
      %get3A_387 = tpu.vector_load %arg9[%get3A_385, %get3A_386] {strides = array<i32>} : memref<1x64xi32, #tpu.memory_space<vmem>>, vector<1x16xi32>,
      %get3A_388 = vector.shape_cast %get3A_387 : vector<1x16xi32> to vector<16xi32>
      %swap3A_389 = arith.constant 0 : i32
      %swap3A_390 = arith.index_cast %swap3A_389 : i32 to index
      %swap3A_391 = arith.constant 16 : index
      %swap3A_392 = tpu.vector_load %arg11[%swap3A_390, %swap3A_391] {strides = array<i32>} : memref<1x64xi32, #tpu.memory_space<vmem>>, vector<1x16xi32>,
      %swap3A_393 = vector.shape_cast %swap3A_392 : vector<1x16xi32> to vector<16xi32>
      %swap3A_394 = vector.shape_cast %get3A_388 : vector<16xi32> to vector<1x16xi32>
      tpu.vector_store %arg11[%swap3A_390, %swap3A_391], %swap3A_394 {strides = array<i32>} : memref<1x64xi32, #tpu.memory_space<vmem>>, vector<1x16xi32>,
      %min3A_395 = arith.minsi %get3A_388, %broadcast_in_dim3A_40 : vector<16xi32>
      %swap3A_396 = arith.constant 0 : i32
      %swap3A_397 = arith.index_cast %swap3A_396 : i32 to index
      %swap3A_398 = arith.constant 16 : index
      %swap3A_399 = tpu.vector_load %arg10[%swap3A_397, %swap3A_398] {strides = array<i32>} : memref<1x64xi32, #tpu.memory_space<vmem>>, vector<1x16xi32>,
      %swap3A_400 = vector.shape_cast %swap3A_399 : vector<1x16xi32> to vector<16xi32>
      %swap3A_401 = vector.shape_cast %min3A_395 : vector<16xi32> to vector<1x16xi32>
      tpu.vector_store %arg10[%swap3A_397, %swap3A_398], %swap3A_401 {strides = array<i32>} : memref<1x64xi32, #tpu.memory_space<vmem>>, vector<1x16xi32>,
      %get3A_402 = arith.constant 0 : i32
      %get3A_403 = arith.index_cast %get3A_402 : i32 to index
      %get3A_404 = arith.constant 32 : index
      %get3A_405 = tpu.vector_load %arg9[%get3A_403, %get3A_404] {strides = array<i32>} : memref<1x64xi32, #tpu.memory_space<vmem>>, vector<1x16xi32>,
      %get3A_406 = vector.shape_cast %get3A_405 : vector<1x16xi32> to vector<16xi32>
      %swap3A_407 = arith.constant 0 : i32
      %swap3A_408 = arith.index_cast %swap3A_407 : i32 to index
      %swap3A_409 = arith.constant 32 : index
      %swap3A_410 = tpu.vector_load %arg11[%swap3A_408, %swap3A_409] {strides = array<i32>} : memref<1x64xi32, #tpu.memory_space<vmem>>, vector<1x16xi32>,
      %swap3A_411 = vector.shape_cast %swap3A_410 : vector<1x16xi32> to vector<16xi32>
      %swap3A_412 = vector.shape_cast %get3A_406 : vector<16xi32> to vector<1x16xi32>
      tpu.vector_store %arg11[%swap3A_408, %swap3A_409], %swap3A_412 {strides = array<i32>} : memref<1x64xi32, #tpu.memory_space<vmem>>, vector<1x16xi32>,
      %min3A_413 = arith.minsi %get3A_406, %broadcast_in_dim3A_40 : vector<16xi32>
      %swap3A_414 = arith.constant 0 : i32
      %swap3A_415 = arith.index_cast %swap3A_414 : i32 to index
      %swap3A_416 = arith.constant 32 : index
      %swap3A_417 = tpu.vector_load %arg10[%swap3A_415, %swap3A_416] {strides = array<i32>} : memref<1x64xi32, #tpu.memory_space<vmem>>, vector<1x16xi32>,
      %swap3A_418 = vector.shape_cast %swap3A_417 : vector<1x16xi32> to vector<16xi32>
      %swap3A_419 = vector.shape_cast %min3A_413 : vector<16xi32> to vector<1x16xi32>
      tpu.vector_store %arg10[%swap3A_415, %swap3A_416], %swap3A_419 {strides = array<i32>} : memref<1x64xi32, #tpu.memory_space<vmem>>, vector<1x16xi32>,
      %get3A_420 = arith.constant 0 : i32
      %get3A_421 = arith.index_cast %get3A_420 : i32 to index
      %get3A_422 = arith.constant 48 : index
      %get3A_423 = tpu.vector_load %arg9[%get3A_421, %get3A_422] {strides = array<i32>} : memref<1x64xi32, #tpu.memory_space<vmem>>, vector<1x16xi32>,
      %get3A_424 = vector.shape_cast %get3A_423 : vector<1x16xi32> to vector<16xi32>
      %swap3A_425 = arith.constant 0 : i32
      %swap3A_426 = arith.index_cast %swap3A_425 : i32 to index
      %swap3A_427 = arith.constant 48 : index
      %swap3A_428 = tpu.vector_load %arg11[%swap3A_426, %swap3A_427] {strides = array<i32>} : memref<1x64xi32, #tpu.memory_space<vmem>>, vector<1x16xi32>,
      %swap3A_429 = vector.shape_cast %swap3A_428 : vector<1x16xi32> to vector<16xi32>
      %swap3A_430 = vector.shape_cast %get3A_424 : vector<16xi32> to vector<1x16xi32>
      tpu.vector_store %arg11[%swap3A_426, %swap3A_427], %swap3A_430 {strides = array<i32>} : memref<1x64xi32, #tpu.memory_space<vmem>>, vector<1x16xi32>,
      %min3A_431 = arith.minsi %get3A_424, %broadcast_in_dim3A_40 : vector<16xi32>
      %swap3A_432 = arith.constant 0 : i32
      %swap3A_433 = arith.index_cast %swap3A_432 : i32 to index
      %swap3A_434 = arith.constant 48 : index
      %swap3A_435 = tpu.vector_load %arg10[%swap3A_433, %swap3A_434] {strides = array<i32>} : memref<1x64xi32, #tpu.memory_space<vmem>>, vector<1x16xi32>,
      %swap3A_436 = vector.shape_cast %swap3A_435 : vector<1x16xi32> to vector<16xi32>
      %swap3A_437 = vector.shape_cast %min3A_431 : vector<16xi32> to vector<1x16xi32>
      tpu.vector_store %arg10[%swap3A_433, %swap3A_434], %swap3A_437 {strides = array<i32>} : memref<1x64xi32, #tpu.memory_space<vmem>>, vector<1x16xi32>,
      %dma_start3A_438 = arith.constant 0 : i32
      %dma_start3A_439 = arith.constant 0 : i32
      %dma_start3A_440 = tpu.memref_slice %arg8[%dma_start3A_438, %dma_start3A_439] : memref<1x64xi32, #tpu.memory_space<vmem>> -> memref<1x64xi32, #tpu.memory_space<vmem>>
      %dma_start3A_441 = tpu.memref_squeeze %dma_start3A_440 : memref<1x64xi32, #tpu.memory_space<vmem>> -> memref<64xi32, #tpu.memory_space<vmem>>
      %dma_start3A_442 = arith.constant 0 : i32
      %dma_start3A_443 = arith.constant 0 : i32
      %dma_start3A_444 = tpu.memref_slice %arg4[%dma_start3A_442, %dma_start3A_443] : memref<10000x128xf32, #tpu.memory_space<hbm>> -> memref<10000x128xf32, #tpu.memory_space<hbm>>
      tpu.enqueue_indirect_dma source(%dma_start3A_444 : memref<10000x128xf32, #tpu.memory_space<hbm>>) target(%arg16 : memref<64x128xf32, #tpu.memory_space<vmem>>) offsets(%dma_start3A_441 : memref<64xi32, #tpu.memory_space<vmem>>) semaphore(%arg23 : memref<!tpu.dma_semaphore, #tpu.memory_space<semaphore_mem>>)
      %dma_start3A_445 = arith.constant 0 : i32
      %dma_start3A_446 = arith.constant 0 : i32
      %dma_start3A_447 = tpu.memref_slice %arg10[%dma_start3A_445, %dma_start3A_446] : memref<1x64xi32, #tpu.memory_space<vmem>> -> memref<1x64xi32, #tpu.memory_space<vmem>>
      %dma_start3A_448 = tpu.memref_squeeze %dma_start3A_447 : memref<1x64xi32, #tpu.memory_space<vmem>> -> memref<64xi32, #tpu.memory_space<vmem>>
      %dma_start3A_449 = arith.constant 0 : i32
      %dma_start3A_450 = arith.constant 0 : i32
      %dma_start3A_451 = tpu.memref_slice %arg5[%dma_start3A_449, %dma_start3A_450] : memref<10000x128xf32, #tpu.memory_space<hbm>> -> memref<10000x128xf32, #tpu.memory_space<hbm>>
      tpu.enqueue_indirect_dma source(%dma_start3A_451 : memref<10000x128xf32, #tpu.memory_space<hbm>>) target(%arg17 : memref<64x128xf32, #tpu.memory_space<vmem>>) offsets(%dma_start3A_448 : memref<64xi32, #tpu.memory_space<vmem>>) semaphore(%arg24 : memref<!tpu.dma_semaphore, #tpu.memory_space<semaphore_mem>>)
      %dma_wait3A_452 = arith.constant 0 : i32
      %dma_wait3A_453 = arith.constant 0 : i32
      %dma_wait3A_454 = tpu.memref_slice %arg12[%dma_wait3A_452, %dma_wait3A_453] : memref<1x64xi32, #tpu.memory_space<vmem>> -> memref<1x64xi32, #tpu.memory_space<vmem>>
      %dma_wait3A_455 = tpu.memref_squeeze %dma_wait3A_454 : memref<1x64xi32, #tpu.memory_space<vmem>> -> memref<64xi32, #tpu.memory_space<vmem>>
      %dma_wait3A_456 = arith.constant 0 : i32
      %dma_wait3A_457 = arith.constant 0 : i32
      %dma_wait3A_458 = tpu.memref_slice %arg4[%dma_wait3A_456, %dma_wait3A_457] : memref<10000x128xf32, #tpu.memory_space<hbm>> -> memref<10000x128xf32, #tpu.memory_space<hbm>>
      tpu.wait_indirect_dma semaphore(%arg25 : memref<!tpu.dma_semaphore, #tpu.memory_space<semaphore_mem>>) src(%dma_wait3A_458 : memref<10000x128xf32, #tpu.memory_space<hbm>>) dst(%arg18 : memref<64x128xf32, #tpu.memory_space<vmem>>)
      %dma_wait3A_459 = arith.constant 0 : i32
      %dma_wait3A_460 = arith.constant 0 : i32
      %dma_wait3A_461 = tpu.memref_slice %arg14[%dma_wait3A_459, %dma_wait3A_460] : memref<1x64xi32, #tpu.memory_space<vmem>> -> memref<1x64xi32, #tpu.memory_space<vmem>>
      %dma_wait3A_462 = tpu.memref_squeeze %dma_wait3A_461 : memref<1x64xi32, #tpu.memory_space<vmem>> -> memref<64xi32, #tpu.memory_space<vmem>>
      %dma_wait3A_463 = arith.constant 0 : i32
      %dma_wait3A_464 = arith.constant 0 : i32
      %dma_wait3A_465 = tpu.memref_slice %arg5[%dma_wait3A_463, %dma_wait3A_464] : memref<10000x128xf32, #tpu.memory_space<hbm>> -> memref<10000x128xf32, #tpu.memory_space<hbm>>
      tpu.wait_indirect_dma semaphore(%arg26 : memref<!tpu.dma_semaphore, #tpu.memory_space<semaphore_mem>>) src(%dma_wait3A_465 : memref<10000x128xf32, #tpu.memory_space<hbm>>) dst(%arg19 : memref<64x128xf32, #tpu.memory_space<vmem>>)
      %add3A_466 = arith.constant 3 : i32
      %add3A_467 = arith.addi %add3A_201, %add3A_466 : i32
      %mul3A_468 = arith.constant 314 : i32
      %mul3A_469 = arith.muli %arg1, %mul3A_468 : i32
      %add3A_470 = arith.constant 314 : i32
      %add3A_471 = arith.addi %mul3A_469, %add3A_470 : i32
      %sub3A_472 = arith.constant 1 : i32
      %sub3A_473 = arith.subi %add3A_471, %sub3A_472 : i32
      %min3A_474 = arith.minsi %add3A_467, %sub3A_473 : i32
      %dma_start3A_475 = arith.constant 0 : i32
      %dma_start3A_476 = arith.constant 0 : i32
      %dma_start3A_477 = tpu.memref_slice %arg2[%min3A_474, %dma_start3A_475, %dma_start3A_476] : memref<5024x1x64xi32, #tpu.memory_space<hbm>> -> memref<1x1x64xi32, #tpu.memory_space<hbm>>
      %dma_start3A_478 = tpu.memref_squeeze %dma_start3A_477 : memref<1x1x64xi32, #tpu.memory_space<hbm>> -> memref<1x64xi32, #tpu.memory_space<hbm>>
      %dma_start3A_479 = arith.constant 0 : i32
      %dma_start3A_480 = arith.constant 0 : i32
      %dma_start3A_481 = tpu.memref_slice %arg2[%min3A_474, %dma_start3A_479, %dma_start3A_480] : memref<5024x1x64xi32, #tpu.memory_space<hbm>> -> memref<1x1x64xi32, #tpu.memory_space<hbm>>
      %dma_start3A_482 = tpu.memref_squeeze %dma_start3A_481 : memref<1x1x64xi32, #tpu.memory_space<hbm>> -> memref<1x64xi32, #tpu.memory_space<hbm>>
      tpu.enqueue_dma source(%dma_start3A_482 : memref<1x64xi32, #tpu.memory_space<hbm>>) target(%arg12 : memref<1x64xi32, #tpu.memory_space<vmem>>) target_semaphore(%arg28 : memref<!tpu.dma_semaphore, #tpu.memory_space<semaphore_mem>>)
      %dma_start3A_483 = arith.constant 0 : i32
      %dma_start3A_484 = arith.constant 0 : i32
      %dma_start3A_485 = tpu.memref_slice %arg3[%min3A_474, %dma_start3A_483, %dma_start3A_484] : memref<5024x1x64xi32, #tpu.memory_space<hbm>> -> memref<1x1x64xi32, #tpu.memory_space<hbm>>
      %dma_start3A_486 = tpu.memref_squeeze %dma_start3A_485 : memref<1x1x64xi32, #tpu.memory_space<hbm>> -> memref<1x64xi32, #tpu.memory_space<hbm>>
      %dma_start3A_487 = arith.constant 0 : i32
      %dma_start3A_488 = arith.constant 0 : i32
      %dma_start3A_489 = tpu.memref_slice %arg3[%min3A_474, %dma_start3A_487, %dma_start3A_488] : memref<5024x1x64xi32, #tpu.memory_space<hbm>> -> memref<1x1x64xi32, #tpu.memory_space<hbm>>
      %dma_start3A_490 = tpu.memref_squeeze %dma_start3A_489 : memref<1x1x64xi32, #tpu.memory_space<hbm>> -> memref<1x64xi32, #tpu.memory_space<hbm>>
      tpu.enqueue_dma source(%dma_start3A_490 : memref<1x64xi32, #tpu.memory_space<hbm>>) target(%arg13 : memref<1x64xi32, #tpu.memory_space<vmem>>) target_semaphore(%arg28 : memref<!tpu.dma_semaphore, #tpu.memory_space<semaphore_mem>>)
      %scan3A_491 = arith.constant 0 : i32
      %scan3A_492 = arith.constant 0 : i32
      %scan3A_493 = arith.constant 64 : i32
      %scan3A_494 = arith.addi %scan3A_492, %scan3A_493 : i32
      %scan3A_495 = arith.constant 1 : i32
      scf.for %scan3A_498 = %scan3A_492 to %scan3A_494 step %scan3A_495  : i32 {
        %add3A_499 = arith.constant 0 : i32
        %add3A_500 = arith.addi %mul3A_3, %add3A_499 : i32
        %get3A_501 = arith.index_cast %scan3A_498 : i32 to index
        %get3A_502 = arith.index_cast %add3A_500 : i32 to index
        %get3A_503 = tpu.vector_load %arg18[%get3A_501, %get3A_502] {strides = array<i32>} : memref<64x128xf32, #tpu.memory_space<vmem>>, vector<1x16xf32>,
        %get3A_504 = vector.shape_cast %get3A_503 : vector<1x16xf32> to vector<16xf32>
        %add3A_505 = arith.constant 16 : i32
        %add3A_506 = arith.addi %mul3A_3, %add3A_505 : i32
        %get3A_507 = arith.index_cast %scan3A_498 : i32 to index
        %get3A_508 = arith.index_cast %add3A_506 : i32 to index
        %get3A_509 = tpu.vector_load %arg18[%get3A_507, %get3A_508] {strides = array<i32>} : memref<64x128xf32, #tpu.memory_space<vmem>>, vector<1x16xf32>,
        %get3A_510 = vector.shape_cast %get3A_509 : vector<1x16xf32> to vector<16xf32>
        %add3A_511 = arith.constant 32 : i32
        %add3A_512 = arith.addi %mul3A_3, %add3A_511 : i32
        %get3A_513 = arith.index_cast %scan3A_498 : i32 to index
        %get3A_514 = arith.index_cast %add3A_512 : i32 to index
        %get3A_515 = tpu.vector_load %arg18[%get3A_513, %get3A_514] {strides = array<i32>} : memref<64x128xf32, #tpu.memory_space<vmem>>, vector<1x16xf32>,
        %get3A_516 = vector.shape_cast %get3A_515 : vector<1x16xf32> to vector<16xf32>
        %add3A_517 = arith.constant 48 : i32
        %add3A_518 = arith.addi %mul3A_3, %add3A_517 : i32
        %get3A_519 = arith.index_cast %scan3A_498 : i32 to index
        %get3A_520 = arith.index_cast %add3A_518 : i32 to index
        %get3A_521 = tpu.vector_load %arg18[%get3A_519, %get3A_520] {strides = array<i32>} : memref<64x128xf32, #tpu.memory_space<vmem>>, vector<1x16xf32>,
        %get3A_522 = vector.shape_cast %get3A_521 : vector<1x16xf32> to vector<16xf32>
        %add3A_523 = arith.constant 0 : i32
        %add3A_524 = arith.addi %mul3A_3, %add3A_523 : i32
        %get3A_525 = arith.index_cast %scan3A_498 : i32 to index
        %get3A_526 = arith.index_cast %add3A_524 : i32 to index
        %get3A_527 = tpu.vector_load %arg19[%get3A_525, %get3A_526] {strides = array<i32>} : memref<64x128xf32, #tpu.memory_space<vmem>>, vector<1x16xf32>,
        %get3A_528 = vector.shape_cast %get3A_527 : vector<1x16xf32> to vector<16xf32>
        %add3A_529 = arith.constant 16 : i32
        %add3A_530 = arith.addi %mul3A_3, %add3A_529 : i32
        %get3A_531 = arith.index_cast %scan3A_498 : i32 to index
        %get3A_532 = arith.index_cast %add3A_530 : i32 to index
        %get3A_533 = tpu.vector_load %arg19[%get3A_531, %get3A_532] {strides = array<i32>} : memref<64x128xf32, #tpu.memory_space<vmem>>, vector<1x16xf32>,
        %get3A_534 = vector.shape_cast %get3A_533 : vector<1x16xf32> to vector<16xf32>
        %add3A_535 = arith.constant 32 : i32
        %add3A_536 = arith.addi %mul3A_3, %add3A_535 : i32
        %get3A_537 = arith.index_cast %scan3A_498 : i32 to index
        %get3A_538 = arith.index_cast %add3A_536 : i32 to index
        %get3A_539 = tpu.vector_load %arg19[%get3A_537, %get3A_538] {strides = array<i32>} : memref<64x128xf32, #tpu.memory_space<vmem>>, vector<1x16xf32>,
        %get3A_540 = vector.shape_cast %get3A_539 : vector<1x16xf32> to vector<16xf32>
        %add3A_541 = arith.constant 48 : i32
        %add3A_542 = arith.addi %mul3A_3, %add3A_541 : i32
        %get3A_543 = arith.index_cast %scan3A_498 : i32 to index
        %get3A_544 = arith.index_cast %add3A_542 : i32 to index
        %get3A_545 = tpu.vector_load %arg19[%get3A_543, %get3A_544] {strides = array<i32>} : memref<64x128xf32, #tpu.memory_space<vmem>>, vector<1x16xf32>,
        %get3A_546 = vector.shape_cast %get3A_545 : vector<1x16xf32> to vector<16xf32>
        %add3A_547 = arith.addf %get3A_528, %get3A_504 : vector<16xf32>
        %mul3A_548 = arith.constant 2.000000e-01 : f32
        %mul3A_549 = vector.broadcast %mul3A_548 : f32 to vector<16xf32>
        %mul3A_550 = arith.mulf %mul3A_549, %add3A_547 : vector<16xf32>
        %max3A = arith.maximumf %add3A_547, %mul3A_550 : vector<16xf32>
        %mul3A_551 = arith.mulf %get3A_18, %max3A : vector<16xf32>
        %add3A_552 = arith.addf %get3A_534, %get3A_510 : vector<16xf32>
        %mul3A_553 = arith.constant 2.000000e-01 : f32
        %mul3A_554 = vector.broadcast %mul3A_553 : f32 to vector<16xf32>
        %mul3A_555 = arith.mulf %mul3A_554, %add3A_552 : vector<16xf32>
        %max3A_556 = arith.maximumf %add3A_552, %mul3A_555 : vector<16xf32>
        %mul3A_557 = arith.mulf %get3A_23, %max3A_556 : vector<16xf32>
        %add3A_558 = arith.addf %mul3A_551, %mul3A_557 : vector<16xf32>
        %add3A_559 = arith.addf %get3A_540, %get3A_516 : vector<16xf32>
        %mul3A_560 = arith.constant 2.000000e-01 : f32
        %mul3A_561 = vector.broadcast %mul3A_560 : f32 to vector<16xf32>
        %mul3A_562 = arith.mulf %mul3A_561, %add3A_559 : vector<16xf32>
        %max3A_563 = arith.maximumf %add3A_559, %mul3A_562 : vector<16xf32>
        %mul3A_564 = arith.mulf %get3A_28, %max3A_563 : vector<16xf32>
        %add3A_565 = arith.addf %add3A_558, %mul3A_564 : vector<16xf32>
        %add3A_566 = arith.addf %get3A_546, %get3A_522 : vector<16xf32>
        %mul3A_567 = arith.constant 2.000000e-01 : f32
        %mul3A_568 = vector.broadcast %mul3A_567 : f32 to vector<16xf32>
        %mul3A_569 = arith.mulf %mul3A_568, %add3A_566 : vector<16xf32>
        %max3A_570 = arith.maximumf %add3A_566, %mul3A_569 : vector<16xf32>
        %mul3A_571 = arith.mulf %get3A_33, %max3A_570 : vector<16xf32>
        %add3A_572 = arith.addf %add3A_565, %mul3A_571 : vector<16xf32>
        %broadcast_in_dim3A_573 = vector.shape_cast %xor3A_42 : vector<16xi32> to vector<16x1xi32>
        %gather3A = vector.shape_cast %broadcast_in_dim3A_573 : vector<16x1xi32> to vector<16xi32>
        %gather3A_574 = tpu.dynamic_gather %add3A_572[%gather3A] in [0] : vector<16xf32>, vector<16xi32> -> vector<16xf32>
        %add3A_575 = arith.addf %add3A_572, %gather3A_574 : vector<16xf32>
        %broadcast_in_dim3A_576 = vector.shape_cast %xor3A_45 : vector<16xi32> to vector<16x1xi32>
        %gather3A_577 = vector.shape_cast %broadcast_in_dim3A_576 : vector<16x1xi32> to vector<16xi32>
        %gather3A_578 = tpu.dynamic_gather %add3A_575[%gather3A_577] in [0] : vector<16xf32>, vector<16xi32> -> vector<16xf32>
        %add3A_579 = arith.addf %add3A_575, %gather3A_578 : vector<16xf32>
        %broadcast_in_dim3A_580 = vector.shape_cast %xor3A_48 : vector<16xi32> to vector<16x1xi32>
        %gather3A_581 = vector.shape_cast %broadcast_in_dim3A_580 : vector<16x1xi32> to vector<16xi32>
        %gather3A_582 = tpu.dynamic_gather %add3A_579[%gather3A_581] in [0] : vector<16xf32>, vector<16xi32> -> vector<16xf32>
        %add3A_583 = arith.addf %add3A_579, %gather3A_582 : vector<16xf32>
        %broadcast_in_dim3A_584 = vector.shape_cast %xor3A_51 : vector<16xi32> to vector<16x1xi32>
        %gather3A_585 = vector.shape_cast %broadcast_in_dim3A_584 : vector<16x1xi32> to vector<16xi32>
        %gather3A_586 = tpu.dynamic_gather %add3A_583[%gather3A_585] in [0] : vector<16xf32>, vector<16xi32> -> vector<16xf32>
        %add3A_587 = arith.addf %add3A_583, %gather3A_586 : vector<16xf32>
        %exp3A = math.exp %add3A_587 : vector<16xf32>
        %mul3A_588 = arith.mulf %exp3A, %get3A_504 : vector<16xf32>
        %swap3A_589 = arith.index_cast %scan3A_498 : i32 to index
        %swap3A_590 = arith.constant 0 : index
        %swap3A_591 = tpu.vector_load %arg20[%swap3A_589, %swap3A_590] {strides = array<i32>} : memref<64x128xf32, #tpu.memory_space<vmem>>, vector<1x16xf32>,
        %swap3A_592 = vector.shape_cast %swap3A_591 : vector<1x16xf32> to vector<16xf32>
        %swap3A_593 = vector.shape_cast %mul3A_588 : vector<16xf32> to vector<1x16xf32>
        tpu.vector_store %arg20[%swap3A_589, %swap3A_590], %swap3A_593 {strides = array<i32>} : memref<64x128xf32, #tpu.memory_space<vmem>>, vector<1x16xf32>,
        %mul3A_594 = arith.mulf %exp3A, %get3A_510 : vector<16xf32>
        %swap3A_595 = arith.index_cast %scan3A_498 : i32 to index
        %swap3A_596 = arith.constant 16 : index
        %swap3A_597 = tpu.vector_load %arg20[%swap3A_595, %swap3A_596] {strides = array<i32>} : memref<64x128xf32, #tpu.memory_space<vmem>>, vector<1x16xf32>,
        %swap3A_598 = vector.shape_cast %swap3A_597 : vector<1x16xf32> to vector<16xf32>
        %swap3A_599 = vector.shape_cast %mul3A_594 : vector<16xf32> to vector<1x16xf32>
        tpu.vector_store %arg20[%swap3A_595, %swap3A_596], %swap3A_599 {strides = array<i32>} : memref<64x128xf32, #tpu.memory_space<vmem>>, vector<1x16xf32>,
        %mul3A_600 = arith.mulf %exp3A, %get3A_516 : vector<16xf32>
        %swap3A_601 = arith.index_cast %scan3A_498 : i32 to index
        %swap3A_602 = arith.constant 32 : index
        %swap3A_603 = tpu.vector_load %arg20[%swap3A_601, %swap3A_602] {strides = array<i32>} : memref<64x128xf32, #tpu.memory_space<vmem>>, vector<1x16xf32>,
        %swap3A_604 = vector.shape_cast %swap3A_603 : vector<1x16xf32> to vector<16xf32>
        %swap3A_605 = vector.shape_cast %mul3A_600 : vector<16xf32> to vector<1x16xf32>
        tpu.vector_store %arg20[%swap3A_601, %swap3A_602], %swap3A_605 {strides = array<i32>} : memref<64x128xf32, #tpu.memory_space<vmem>>, vector<1x16xf32>,
        %mul3A_606 = arith.mulf %exp3A, %get3A_522 : vector<16xf32>
        %swap3A_607 = arith.index_cast %scan3A_498 : i32 to index
        %swap3A_608 = arith.constant 48 : index
        %swap3A_609 = tpu.vector_load %arg20[%swap3A_607, %swap3A_608] {strides = array<i32>} : memref<64x128xf32, #tpu.memory_space<vmem>>, vector<1x16xf32>,
        %swap3A_610 = vector.shape_cast %swap3A_609 : vector<1x16xf32> to vector<16xf32>
        %swap3A_611 = vector.shape_cast %mul3A_606 : vector<16xf32> to vector<1x16xf32>
        tpu.vector_store %arg20[%swap3A_607, %swap3A_608], %swap3A_611 {strides = array<i32>} : memref<64x128xf32, #tpu.memory_space<vmem>>, vector<1x16xf32>,
        %mul3A_612 = arith.mulf %exp3A, %select_n3A : vector<16xf32>
        %swap3A_613 = arith.index_cast %scan3A_498 : i32 to index
        %swap3A_614 = arith.constant 64 : index
        %swap3A_615 = tpu.vector_load %arg20[%swap3A_613, %swap3A_614] {strides = array<i32>} : memref<64x128xf32, #tpu.memory_space<vmem>>, vector<1x16xf32>,
        %swap3A_616 = vector.shape_cast %swap3A_615 : vector<1x16xf32> to vector<16xf32>
        %swap3A_617 = vector.shape_cast %mul3A_612 : vector<16xf32> to vector<1x16xf32>
        tpu.vector_store %arg20[%swap3A_613, %swap3A_614], %swap3A_617 {strides = array<i32>} : memref<64x128xf32, #tpu.memory_space<vmem>>, vector<1x16xf32>,
      }
      %scan3A_496 = arith.constant 64 : i32
      %run_scoped3A_497 = arith.constant 0 : i32
      "tpu.region"() ({
        %run_scoped3A_498 = tpu.sem_alloc : memref<!tpu.dma_semaphore, #tpu.memory_space<semaphore_mem>>
        %dma_start3A_499 = arith.constant 0 : i32
        %dma_start3A_500 = tpu.memref_slice %arg15[%run_scoped3A_497, %dma_start3A_499] : memref<1x64xi32, #tpu.memory_space<vmem>> -> memref<1x64xi32, #tpu.memory_space<vmem>>
        %dma_start3A_501 = tpu.memref_squeeze %dma_start3A_500 : memref<1x64xi32, #tpu.memory_space<vmem>> -> memref<64xi32, #tpu.memory_space<vmem>>
        %dma_start3A_502 = arith.constant 0 : i32
        %dma_start3A_503 = arith.constant 0 : i32
        %dma_start3A_504 = tpu.memref_slice %arg22[%dma_start3A_502, %dma_start3A_503] : memref<10240x128xf32, #tpu.memory_space<vmem_shared>> -> memref<10240x128xf32, #tpu.memory_space<vmem_shared>>
        tpu.enqueue_indirect_dma source(%arg20 : memref<64x128xf32, #tpu.memory_space<vmem>>) target(%dma_start3A_504 : memref<10240x128xf32, #tpu.memory_space<vmem_shared>>) offsets(%dma_start3A_501 : memref<64xi32, #tpu.memory_space<vmem>>) semaphore(%run_scoped3A_498 : memref<!tpu.dma_semaphore, #tpu.memory_space<semaphore_mem>>) {add = true}
        %dma_wait3A_505 = arith.constant 0 : i32
        %dma_wait3A_506 = tpu.memref_slice %arg15[%run_scoped3A_497, %dma_wait3A_505] : memref<1x64xi32, #tpu.memory_space<vmem>> -> memref<1x64xi32, #tpu.memory_space<vmem>>
        %dma_wait3A_507 = tpu.memref_squeeze %dma_wait3A_506 : memref<1x64xi32, #tpu.memory_space<vmem>> -> memref<64xi32, #tpu.memory_space<vmem>>
        %dma_wait3A_508 = arith.constant 0 : i32
        %dma_wait3A_509 = arith.constant 0 : i32
        %dma_wait3A_510 = tpu.memref_slice %arg22[%dma_wait3A_508, %dma_wait3A_509] : memref<10240x128xf32, #tpu.memory_space<vmem_shared>> -> memref<10240x128xf32, #tpu.memory_space<vmem_shared>>
        tpu.wait_indirect_dma semaphore(%run_scoped3A_498 : memref<!tpu.dma_semaphore, #tpu.memory_space<semaphore_mem>>) src(%arg20 : memref<64x128xf32, #tpu.memory_space<vmem>>) dst(%dma_wait3A_510 : memref<10240x128xf32, #tpu.memory_space<vmem_shared>>)
        tpu.yield
      }) : () -> ()
    }
    %scan3A_163 = arith.constant 157 : i32
    %dma_wait3A = arith.constant 0 : i32
    %dma_wait3A_164 = arith.constant 0 : i32
    %dma_wait3A_165 = tpu.memref_slice %arg8[%dma_wait3A, %dma_wait3A_164] : memref<1x64xi32, #tpu.memory_space<vmem>> -> memref<1x64xi32, #tpu.memory_space<vmem>>
    %dma_wait3A_166 = tpu.memref_squeeze %dma_wait3A_165 : memref<1x64xi32, #tpu.memory_space<vmem>> -> memref<64xi32, #tpu.memory_space<vmem>>
    %dma_wait3A_167 = arith.constant 0 : i32
    %dma_wait3A_168 = arith.constant 0 : i32
    %dma_wait3A_169 = tpu.memref_slice %arg4[%dma_wait3A_167, %dma_wait3A_168] : memref<10000x128xf32, #tpu.memory_space<hbm>> -> memref<10000x128xf32, #tpu.memory_space<hbm>>
    tpu.wait_indirect_dma semaphore(%arg23 : memref<!tpu.dma_semaphore, #tpu.memory_space<semaphore_mem>>) src(%dma_wait3A_169 : memref<10000x128xf32, #tpu.memory_space<hbm>>) dst(%arg16 : memref<64x128xf32, #tpu.memory_space<vmem>>)
    %dma_wait3A_170 = arith.constant 0 : i32
    %dma_wait3A_171 = arith.constant 0 : i32
    %dma_wait3A_172 = tpu.memref_slice %arg10[%dma_wait3A_170, %dma_wait3A_171] : memref<1x64xi32, #tpu.memory_space<vmem>> -> memref<1x64xi32, #tpu.memory_space<vmem>>
    %dma_wait3A_173 = tpu.memref_squeeze %dma_wait3A_172 : memref<1x64xi32, #tpu.memory_space<vmem>> -> memref<64xi32, #tpu.memory_space<vmem>>
    %dma_wait3A_174 = arith.constant 0 : i32
    %dma_wait3A_175 = arith.constant 0 : i32
    %dma_wait3A_176 = tpu.memref_slice %arg5[%dma_wait3A_174, %dma_wait3A_175] : memref<10000x128xf32, #tpu.memory_space<hbm>> -> memref<10000x128xf32, #tpu.memory_space<hbm>>
    tpu.wait_indirect_dma semaphore(%arg24 : memref<!tpu.dma_semaphore, #tpu.memory_space<semaphore_mem>>) src(%dma_wait3A_176 : memref<10000x128xf32, #tpu.memory_space<hbm>>) dst(%arg17 : memref<64x128xf32, #tpu.memory_space<vmem>>)
    %dma_wait3A_177 = arith.constant 0 : i32
    %dma_wait3A_178 = arith.constant 0 : i32
    %dma_wait3A_179 = arith.constant 0 : i32
    %dma_wait3A_180 = tpu.memref_slice %arg2[%dma_wait3A_177, %dma_wait3A_178, %dma_wait3A_179] : memref<5024x1x64xi32, #tpu.memory_space<hbm>> -> memref<1x1x64xi32, #tpu.memory_space<hbm>>
    %dma_wait3A_181 = tpu.memref_squeeze %dma_wait3A_180 : memref<1x1x64xi32, #tpu.memory_space<hbm>> -> memref<1x64xi32, #tpu.memory_space<hbm>>
    %dma_wait3A_182 = arith.constant 0 : i32
    %dma_wait3A_183 = arith.constant 0 : i32
    %dma_wait3A_184 = tpu.memref_slice %arg2[%dma_wait3A_177, %dma_wait3A_182, %dma_wait3A_183] : memref<5024x1x64xi32, #tpu.memory_space<hbm>> -> memref<1x1x64xi32, #tpu.memory_space<hbm>>
    %dma_wait3A_185 = tpu.memref_squeeze %dma_wait3A_184 : memref<1x1x64xi32, #tpu.memory_space<hbm>> -> memref<1x64xi32, #tpu.memory_space<hbm>>
    tpu.wait_dma2 semaphore(%arg28 : memref<!tpu.dma_semaphore, #tpu.memory_space<semaphore_mem>>) src(%dma_wait3A_185 : memref<1x64xi32, #tpu.memory_space<hbm>>) dst(%arg12 : memref<1x64xi32, #tpu.memory_space<vmem>>)
    %dma_wait3A_186 = arith.constant 0 : i32
    %dma_wait3A_187 = arith.constant 0 : i32
    %dma_wait3A_188 = arith.constant 0 : i32
    %dma_wait3A_189 = tpu.memref_slice %arg3[%dma_wait3A_186, %dma_wait3A_187, %dma_wait3A_188] : memref<5024x1x64xi32, #tpu.memory_space<hbm>> -> memref<1x1x64xi32, #tpu.memory_space<hbm>>
    %dma_wait3A_190 = tpu.memref_squeeze %dma_wait3A_189 : memref<1x1x64xi32, #tpu.memory_space<hbm>> -> memref<1x64xi32, #tpu.memory_space<hbm>>
    %dma_wait3A_191 = arith.constant 0 : i32
    %dma_wait3A_192 = arith.constant 0 : i32
    %dma_wait3A_193 = tpu.memref_slice %arg3[%dma_wait3A_186, %dma_wait3A_191, %dma_wait3A_192] : memref<5024x1x64xi32, #tpu.memory_space<hbm>> -> memref<1x1x64xi32, #tpu.memory_space<hbm>>
    %dma_wait3A_194 = tpu.memref_squeeze %dma_wait3A_193 : memref<1x1x64xi32, #tpu.memory_space<hbm>> -> memref<1x64xi32, #tpu.memory_space<hbm>>
    tpu.wait_dma2 semaphore(%arg28 : memref<!tpu.dma_semaphore, #tpu.memory_space<semaphore_mem>>) src(%dma_wait3A_194 : memref<1x64xi32, #tpu.memory_space<hbm>>) dst(%arg13 : memref<1x64xi32, #tpu.memory_space<vmem>>)
    %barrier3A_195 = arith.constant 0 : index
    tpu.barrier barrier_id(%barrier3A_195)
    "tpu.region"() ({
      %run_scoped3A = tpu.sem_alloc : memref<!tpu.dma_semaphore, #tpu.memory_space<semaphore_mem>>
      %dma_start3A_196 = arith.constant 0 : i32
      %dma_start3A_197 = tpu.memref_slice %arg7[%arg0, %mul3A_0, %dma_start3A_196] : memref<2x10240x128xf32, #tpu.memory_space<hbm>> -> memref<1x640x128xf32, #tpu.memory_space<hbm>>
      %dma_start3A_198 = tpu.memref_squeeze %dma_start3A_197 : memref<1x640x128xf32, #tpu.memory_space<hbm>> -> memref<640x128xf32, #tpu.memory_space<hbm>>
      %dma_start3A_199 = arith.constant 0 : i32
      %dma_start3A_200 = tpu.memref_slice %arg22[%mul3A_0, %dma_start3A_199] : memref<10240x128xf32, #tpu.memory_space<vmem_shared>> -> memref<640x128xf32, #tpu.memory_space<vmem_shared>>
      tpu.enqueue_dma source(%dma_start3A_200 : memref<640x128xf32, #tpu.memory_space<vmem_shared>>) target(%dma_start3A_198 : memref<640x128xf32, #tpu.memory_space<hbm>>) target_semaphore(%run_scoped3A : memref<!tpu.dma_semaphore, #tpu.memory_space<semaphore_mem>>)
      %dma_wait3A_201 = arith.constant 0 : i32
      %dma_wait3A_202 = tpu.memref_slice %arg7[%arg0, %mul3A_0, %dma_wait3A_201] : memref<2x10240x128xf32, #tpu.memory_space<hbm>> -> memref<1x640x128xf32, #tpu.memory_space<hbm>>
      %dma_wait3A_203 = tpu.memref_squeeze %dma_wait3A_202 : memref<1x640x128xf32, #tpu.memory_space<hbm>> -> memref<640x128xf32, #tpu.memory_space<hbm>>
      %dma_wait3A_204 = arith.constant 0 : i32
      %dma_wait3A_205 = tpu.memref_slice %arg22[%mul3A_0, %dma_wait3A_204] : memref<10240x128xf32, #tpu.memory_space<vmem_shared>> -> memref<640x128xf32, #tpu.memory_space<vmem_shared>>
      tpu.wait_dma2 semaphore(%run_scoped3A : memref<!tpu.dma_semaphore, #tpu.memory_space<semaphore_mem>>) src(%dma_wait3A_205 : memref<640x128xf32, #tpu.memory_space<vmem_shared>>) dst(%dma_wait3A_203 : memref<640x128xf32, #tpu.memory_space<hbm>>)
      tpu.yield
    }) : () -> ()
    return
  }
}

#map = affine_map<(d0, d1) -> (0, 0, 0)>
#map1 = affine_map<(d0, d1) -> (0, 0)>
module attributes {stable_mosaic.version = 14 : i64} {
  func.func @k(%arg0: i32, %arg1: i32, %arg2: memref<5024x1x64xi32, #tpu.memory_space<hbm>>, %arg3: memref<5024x1x64xi32, #tpu.memory_space<hbm>>, %arg4: memref<10240x128xf32, #tpu.memory_space<hbm>>, %arg5: memref<10240x128xf32, #tpu.memory_space<hbm>>, %arg6: memref<1x16xf32, #tpu.memory_space<hbm>>, %arg7: memref<2x10240x128xf32, #tpu.memory_space<hbm>>, %arg8: memref<1x64xi32, #tpu.memory_space<vmem>>, %arg9: memref<1x64xi32, #tpu.memory_space<vmem>>, %arg10: memref<1x64xi32, #tpu.memory_space<vmem>>, %arg11: memref<1x64xi32, #tpu.memory_space<vmem>>, %arg12: memref<1x64xi32, #tpu.memory_space<vmem>>, %arg13: memref<1x64xi32, #tpu.memory_space<vmem>>, %arg14: memref<64x128xf32, #tpu.memory_space<vmem>>, %arg15: memref<64x128xf32, #tpu.memory_space<vmem>>, %arg16: memref<64x128xf32, #tpu.memory_space<vmem>>, %arg17: memref<64x128xf32, #tpu.memory_space<vmem>>, %arg18: memref<64x128xf32, #tpu.memory_space<vmem>>, %arg19: memref<1x16xf32, #tpu.memory_space<vmem>>, %arg20: memref<10240x128xf32, #tpu.memory_space<vmem_shared>>, %arg21: memref<!tpu.dma_semaphore, #tpu.memory_space<semaphore_mem>>, %arg22: memref<!tpu.dma_semaphore, #tpu.memory_space<semaphore_mem>>, %arg23: memref<!tpu.dma_semaphore, #tpu.memory_space<semaphore_mem>>, %arg24: memref<!tpu.dma_semaphore, #tpu.memory_space<semaphore_mem>>, %arg25: memref<!tpu.dma_semaphore, #tpu.memory_space<semaphore_mem>>, %arg26: memref<!tpu.dma_semaphore, #tpu.memory_space<semaphore_mem>>) attributes {dimension_semantics = [#tpu.dimension_semantics<core_parallel>, #tpu.dimension_semantics<subcore_parallel>], iteration_bounds = array<i64: 2, 16>, scalar_prefetch = 0 : i64, scratch_operands = 19 : i64, tpu.core_type = #tpu.core_type<sc_vector_subcore>, window_params = [{transform_indices = #map}, {transform_indices = #map}, {transform_indices = #map1}, {transform_indices = #map1}, {transform_indices = #map1}, {transform_indices = #map}]} {
    %mul3A = arith.constant 16 : i32
    %mul3A_0 = arith.muli %arg0, %mul3A : i32
    %add3A = arith.addi %mul3A_0, %arg1 : i32
    %mul3A_1 = arith.constant 640 : i32
    %mul3A_2 = arith.muli %arg1, %mul3A_1 : i32
    %broadcast_in_dim3A = arith.constant 0.000000e+00 : f32
    %broadcast_in_dim3A_3 = vector.broadcast %broadcast_in_dim3A : f32 to vector<16xf32>
    %scan3A = arith.constant 0 : i32
    %scan3A_4 = arith.constant 0 : i32
    %scan3A_5 = arith.constant 64 : i32
    %scan3A_6 = arith.addi %scan3A_4, %scan3A_5 : i32
    %scan3A_7 = arith.constant 1 : i32
    scf.for %scan3A_158 = %scan3A_4 to %scan3A_6 step %scan3A_7  : i32 {
      %swap3A_159 = arith.index_cast %scan3A_158 : i32 to index
      %swap3A_160 = arith.constant 0 : index
      %swap3A_161 = tpu.vector_load %arg18[%swap3A_159, %swap3A_160] {strides = array<i32>} : memref<64x128xf32, #tpu.memory_space<vmem>>, vector<1x16xf32>,
      %swap3A_162 = vector.shape_cast %swap3A_161 : vector<1x16xf32> to vector<16xf32>
      %swap3A_163 = vector.shape_cast %broadcast_in_dim3A_3 : vector<16xf32> to vector<1x16xf32>
      tpu.vector_store %arg18[%swap3A_159, %swap3A_160], %swap3A_163 {strides = array<i32>} : memref<64x128xf32, #tpu.memory_space<vmem>>, vector<1x16xf32>,
      %swap3A_164 = arith.index_cast %scan3A_158 : i32 to index
      %swap3A_165 = arith.constant 16 : index
      %swap3A_166 = tpu.vector_load %arg18[%swap3A_164, %swap3A_165] {strides = array<i32>} : memref<64x128xf32, #tpu.memory_space<vmem>>, vector<1x16xf32>,
      %swap3A_167 = vector.shape_cast %swap3A_166 : vector<1x16xf32> to vector<16xf32>
      %swap3A_168 = vector.shape_cast %broadcast_in_dim3A_3 : vector<16xf32> to vector<1x16xf32>
      tpu.vector_store %arg18[%swap3A_164, %swap3A_165], %swap3A_168 {strides = array<i32>} : memref<64x128xf32, #tpu.memory_space<vmem>>, vector<1x16xf32>,
      %swap3A_169 = arith.index_cast %scan3A_158 : i32 to index
      %swap3A_170 = arith.constant 32 : index
      %swap3A_171 = tpu.vector_load %arg18[%swap3A_169, %swap3A_170] {strides = array<i32>} : memref<64x128xf32, #tpu.memory_space<vmem>>, vector<1x16xf32>,
      %swap3A_172 = vector.shape_cast %swap3A_171 : vector<1x16xf32> to vector<16xf32>
      %swap3A_173 = vector.shape_cast %broadcast_in_dim3A_3 : vector<16xf32> to vector<1x16xf32>
      tpu.vector_store %arg18[%swap3A_169, %swap3A_170], %swap3A_173 {strides = array<i32>} : memref<64x128xf32, #tpu.memory_space<vmem>>, vector<1x16xf32>,
      %swap3A_174 = arith.index_cast %scan3A_158 : i32 to index
      %swap3A_175 = arith.constant 48 : index
      %swap3A_176 = tpu.vector_load %arg18[%swap3A_174, %swap3A_175] {strides = array<i32>} : memref<64x128xf32, #tpu.memory_space<vmem>>, vector<1x16xf32>,
      %swap3A_177 = vector.shape_cast %swap3A_176 : vector<1x16xf32> to vector<16xf32>
      %swap3A_178 = vector.shape_cast %broadcast_in_dim3A_3 : vector<16xf32> to vector<1x16xf32>
      tpu.vector_store %arg18[%swap3A_174, %swap3A_175], %swap3A_178 {strides = array<i32>} : memref<64x128xf32, #tpu.memory_space<vmem>>, vector<1x16xf32>,
      %swap3A_179 = arith.index_cast %scan3A_158 : i32 to index
      %swap3A_180 = arith.constant 64 : index
      %swap3A_181 = tpu.vector_load %arg18[%swap3A_179, %swap3A_180] {strides = array<i32>} : memref<64x128xf32, #tpu.memory_space<vmem>>, vector<1x16xf32>,
      %swap3A_182 = vector.shape_cast %swap3A_181 : vector<1x16xf32> to vector<16xf32>
      %swap3A_183 = vector.shape_cast %broadcast_in_dim3A_3 : vector<16xf32> to vector<1x16xf32>
      tpu.vector_store %arg18[%swap3A_179, %swap3A_180], %swap3A_183 {strides = array<i32>} : memref<64x128xf32, #tpu.memory_space<vmem>>, vector<1x16xf32>,
      %swap3A_184 = arith.index_cast %scan3A_158 : i32 to index
      %swap3A_185 = arith.constant 80 : index
      %swap3A_186 = tpu.vector_load %arg18[%swap3A_184, %swap3A_185] {strides = array<i32>} : memref<64x128xf32, #tpu.memory_space<vmem>>, vector<1x16xf32>,
      %swap3A_187 = vector.shape_cast %swap3A_186 : vector<1x16xf32> to vector<16xf32>
      %swap3A_188 = vector.shape_cast %broadcast_in_dim3A_3 : vector<16xf32> to vector<1x16xf32>
      tpu.vector_store %arg18[%swap3A_184, %swap3A_185], %swap3A_188 {strides = array<i32>} : memref<64x128xf32, #tpu.memory_space<vmem>>, vector<1x16xf32>,
      %swap3A_189 = arith.index_cast %scan3A_158 : i32 to index
      %swap3A_190 = arith.constant 96 : index
      %swap3A_191 = tpu.vector_load %arg18[%swap3A_189, %swap3A_190] {strides = array<i32>} : memref<64x128xf32, #tpu.memory_space<vmem>>, vector<1x16xf32>,
      %swap3A_192 = vector.shape_cast %swap3A_191 : vector<1x16xf32> to vector<16xf32>
      %swap3A_193 = vector.shape_cast %broadcast_in_dim3A_3 : vector<16xf32> to vector<1x16xf32>
      tpu.vector_store %arg18[%swap3A_189, %swap3A_190], %swap3A_193 {strides = array<i32>} : memref<64x128xf32, #tpu.memory_space<vmem>>, vector<1x16xf32>,
      %swap3A_194 = arith.index_cast %scan3A_158 : i32 to index
      %swap3A_195 = arith.constant 112 : index
      %swap3A_196 = tpu.vector_load %arg18[%swap3A_194, %swap3A_195] {strides = array<i32>} : memref<64x128xf32, #tpu.memory_space<vmem>>, vector<1x16xf32>,
      %swap3A_197 = vector.shape_cast %swap3A_196 : vector<1x16xf32> to vector<16xf32>
      %swap3A_198 = vector.shape_cast %broadcast_in_dim3A_3 : vector<16xf32> to vector<1x16xf32>
      tpu.vector_store %arg18[%swap3A_194, %swap3A_195], %swap3A_198 {strides = array<i32>} : memref<64x128xf32, #tpu.memory_space<vmem>>, vector<1x16xf32>,
    }
    %scan3A_8 = arith.constant 64 : i32
    %scan3A_9 = arith.constant 0 : i32
    %scan3A_10 = arith.constant 0 : i32
    %scan3A_11 = arith.constant 10 : i32
    %scan3A_12 = arith.addi %scan3A_10, %scan3A_11 : i32
    %scan3A_13 = arith.constant 1 : i32
    scf.for %scan3A_158 = %scan3A_10 to %scan3A_12 step %scan3A_13  : i32 {
      %mul3A_159 = arith.constant 64 : i32
      %mul3A_160 = arith.muli %scan3A_158, %mul3A_159 : i32
      %add3A_161 = arith.addi %mul3A_2, %mul3A_160 : i32
      "tpu.region"() ({
        %run_scoped3A_162 = tpu.sem_alloc : memref<!tpu.dma_semaphore, #tpu.memory_space<semaphore_mem>>
        %dma_start3A_163 = arith.constant 0 : i32
        %dma_start3A_164 = tpu.memref_slice %arg20[%add3A_161, %dma_start3A_163] : memref<10240x128xf32, #tpu.memory_space<vmem_shared>> -> memref<64x128xf32, #tpu.memory_space<vmem_shared>>
        %dma_start3A_165 = arith.constant 0 : i32
        %dma_start3A_166 = tpu.memref_slice %arg20[%add3A_161, %dma_start3A_165] : memref<10240x128xf32, #tpu.memory_space<vmem_shared>> -> memref<64x128xf32, #tpu.memory_space<vmem_shared>>
        tpu.enqueue_dma source(%arg18 : memref<64x128xf32, #tpu.memory_space<vmem>>) target(%dma_start3A_166 : memref<64x128xf32, #tpu.memory_space<vmem_shared>>) target_semaphore(%run_scoped3A_162 : memref<!tpu.dma_semaphore, #tpu.memory_space<semaphore_mem>>)
        %dma_wait3A_167 = arith.constant 0 : i32
        %dma_wait3A_168 = tpu.memref_slice %arg20[%add3A_161, %dma_wait3A_167] : memref<10240x128xf32, #tpu.memory_space<vmem_shared>> -> memref<64x128xf32, #tpu.memory_space<vmem_shared>>
        %dma_wait3A_169 = arith.constant 0 : i32
        %dma_wait3A_170 = tpu.memref_slice %arg20[%add3A_161, %dma_wait3A_169] : memref<10240x128xf32, #tpu.memory_space<vmem_shared>> -> memref<64x128xf32, #tpu.memory_space<vmem_shared>>
        tpu.wait_dma2 semaphore(%run_scoped3A_162 : memref<!tpu.dma_semaphore, #tpu.memory_space<semaphore_mem>>) src(%arg18 : memref<64x128xf32, #tpu.memory_space<vmem>>) dst(%dma_wait3A_170 : memref<64x128xf32, #tpu.memory_space<vmem_shared>>)
        tpu.yield
      }) : () -> ()
    }
    %scan3A_14 = arith.constant 10 : i32
    "tpu.region"() ({
      %run_scoped3A_158 = tpu.sem_alloc : memref<!tpu.dma_semaphore, #tpu.memory_space<semaphore_mem>>
      tpu.enqueue_dma source(%arg6 : memref<1x16xf32, #tpu.memory_space<hbm>>) target(%arg19 : memref<1x16xf32, #tpu.memory_space<vmem>>) target_semaphore(%run_scoped3A_158 : memref<!tpu.dma_semaphore, #tpu.memory_space<semaphore_mem>>)
      tpu.wait_dma2 semaphore(%run_scoped3A_158 : memref<!tpu.dma_semaphore, #tpu.memory_space<semaphore_mem>>) src(%arg6 : memref<1x16xf32, #tpu.memory_space<hbm>>) dst(%arg19 : memref<1x16xf32, #tpu.memory_space<vmem>>)
      tpu.yield
    }) : () -> ()
    %barrier3A = arith.constant 0 : index
    tpu.barrier barrier_id(%barrier3A)
    %get3A = arith.constant 0 : i32
    %get3A_15 = arith.index_cast %get3A : i32 to index
    %get3A_16 = arith.constant 0 : index
    %get3A_17 = tpu.vector_load %arg19[%get3A_15, %get3A_16] {strides = array<i32>} : memref<1x16xf32, #tpu.memory_space<vmem>>, vector<1x16xf32>,
    %get3A_18 = vector.shape_cast %get3A_17 : vector<1x16xf32> to vector<16xf32>
    %iota3A = tpu.iota {dimensions = array<i32: 0>} : vector<16xi32>
    %eq3A = arith.constant 3 : i32
    %eq3A_19 = vector.broadcast %eq3A : i32 to vector<16xi32>
    %eq3A_20 = arith.cmpi eq, %iota3A, %eq3A_19 : vector<16xi32>
    %jit3A = arith.constant 1.000000e+00 : f32
    %jit3A_21 = arith.constant 0.000000e+00 : f32
    %broadcast_in_dim3A_22 = vector.broadcast %jit3A : f32 to vector<16xf32>
    %broadcast_in_dim3A_23 = vector.broadcast %jit3A_21 : f32 to vector<16xf32>
    %select_n3A = arith.select %eq3A_20, %broadcast_in_dim3A_22, %broadcast_in_dim3A_23 : vector<16xi1>, vector<16xf32>
    %xor3A = arith.constant 1 : i32
    %xor3A_24 = vector.broadcast %xor3A : i32 to vector<16xi32>
    %xor3A_25 = arith.xori %iota3A, %xor3A_24 : vector<16xi32>
    %xor3A_26 = arith.constant 2 : i32
    %xor3A_27 = vector.broadcast %xor3A_26 : i32 to vector<16xi32>
    %xor3A_28 = arith.xori %iota3A, %xor3A_27 : vector<16xi32>
    %xor3A_29 = arith.constant 4 : i32
    %xor3A_30 = vector.broadcast %xor3A_29 : i32 to vector<16xi32>
    %xor3A_31 = arith.xori %iota3A, %xor3A_30 : vector<16xi32>
    %xor3A_32 = arith.constant 8 : i32
    %xor3A_33 = vector.broadcast %xor3A_32 : i32 to vector<16xi32>
    %xor3A_34 = arith.xori %iota3A, %xor3A_33 : vector<16xi32>
    %mul3A_35 = arith.constant 157 : i32
    %mul3A_36 = arith.muli %add3A, %mul3A_35 : i32
    %add3A_37 = arith.constant 157 : i32
    %add3A_38 = arith.addi %mul3A_36, %add3A_37 : i32
    %sub3A = arith.constant 1 : i32
    %sub3A_39 = arith.subi %add3A_38, %sub3A : i32
    "tpu.region"() ({
      %run_scoped3A_158 = tpu.sem_alloc : memref<!tpu.dma_semaphore, #tpu.memory_space<semaphore_mem>>
      %dma_start3A_159 = arith.constant 0 : i32
      %dma_start3A_160 = arith.constant 0 : i32
      %dma_start3A_161 = tpu.memref_slice %arg2[%mul3A_36, %dma_start3A_159, %dma_start3A_160] : memref<5024x1x64xi32, #tpu.memory_space<hbm>> -> memref<1x1x64xi32, #tpu.memory_space<hbm>>
      %dma_start3A_162 = tpu.memref_squeeze %dma_start3A_161 : memref<1x1x64xi32, #tpu.memory_space<hbm>> -> memref<1x64xi32, #tpu.memory_space<hbm>>
      %dma_start3A_163 = arith.constant 0 : i32
      %dma_start3A_164 = arith.constant 0 : i32
      %dma_start3A_165 = tpu.memref_slice %arg2[%mul3A_36, %dma_start3A_163, %dma_start3A_164] : memref<5024x1x64xi32, #tpu.memory_space<hbm>> -> memref<1x1x64xi32, #tpu.memory_space<hbm>>
      %dma_start3A_166 = tpu.memref_squeeze %dma_start3A_165 : memref<1x1x64xi32, #tpu.memory_space<hbm>> -> memref<1x64xi32, #tpu.memory_space<hbm>>
      tpu.enqueue_dma source(%dma_start3A_166 : memref<1x64xi32, #tpu.memory_space<hbm>>) target(%arg8 : memref<1x64xi32, #tpu.memory_space<vmem>>) target_semaphore(%run_scoped3A_158 : memref<!tpu.dma_semaphore, #tpu.memory_space<semaphore_mem>>)
      %dma_wait3A_167 = arith.constant 0 : i32
      %dma_wait3A_168 = arith.constant 0 : i32
      %dma_wait3A_169 = tpu.memref_slice %arg2[%mul3A_36, %dma_wait3A_167, %dma_wait3A_168] : memref<5024x1x64xi32, #tpu.memory_space<hbm>> -> memref<1x1x64xi32, #tpu.memory_space<hbm>>
      %dma_wait3A_170 = tpu.memref_squeeze %dma_wait3A_169 : memref<1x1x64xi32, #tpu.memory_space<hbm>> -> memref<1x64xi32, #tpu.memory_space<hbm>>
      %dma_wait3A_171 = arith.constant 0 : i32
      %dma_wait3A_172 = arith.constant 0 : i32
      %dma_wait3A_173 = tpu.memref_slice %arg2[%mul3A_36, %dma_wait3A_171, %dma_wait3A_172] : memref<5024x1x64xi32, #tpu.memory_space<hbm>> -> memref<1x1x64xi32, #tpu.memory_space<hbm>>
      %dma_wait3A_174 = tpu.memref_squeeze %dma_wait3A_173 : memref<1x1x64xi32, #tpu.memory_space<hbm>> -> memref<1x64xi32, #tpu.memory_space<hbm>>
      tpu.wait_dma2 semaphore(%run_scoped3A_158 : memref<!tpu.dma_semaphore, #tpu.memory_space<semaphore_mem>>) src(%dma_wait3A_174 : memref<1x64xi32, #tpu.memory_space<hbm>>) dst(%arg8 : memref<1x64xi32, #tpu.memory_space<vmem>>)
      tpu.yield
    }) : () -> ()
    "tpu.region"() ({
      %run_scoped3A_158 = tpu.sem_alloc : memref<!tpu.dma_semaphore, #tpu.memory_space<semaphore_mem>>
      %dma_start3A_159 = arith.constant 0 : i32
      %dma_start3A_160 = arith.constant 0 : i32
      %dma_start3A_161 = tpu.memref_slice %arg3[%mul3A_36, %dma_start3A_159, %dma_start3A_160] : memref<5024x1x64xi32, #tpu.memory_space<hbm>> -> memref<1x1x64xi32, #tpu.memory_space<hbm>>
      %dma_start3A_162 = tpu.memref_squeeze %dma_start3A_161 : memref<1x1x64xi32, #tpu.memory_space<hbm>> -> memref<1x64xi32, #tpu.memory_space<hbm>>
      %dma_start3A_163 = arith.constant 0 : i32
      %dma_start3A_164 = arith.constant 0 : i32
      %dma_start3A_165 = tpu.memref_slice %arg3[%mul3A_36, %dma_start3A_163, %dma_start3A_164] : memref<5024x1x64xi32, #tpu.memory_space<hbm>> -> memref<1x1x64xi32, #tpu.memory_space<hbm>>
      %dma_start3A_166 = tpu.memref_squeeze %dma_start3A_165 : memref<1x1x64xi32, #tpu.memory_space<hbm>> -> memref<1x64xi32, #tpu.memory_space<hbm>>
      tpu.enqueue_dma source(%dma_start3A_166 : memref<1x64xi32, #tpu.memory_space<hbm>>) target(%arg9 : memref<1x64xi32, #tpu.memory_space<vmem>>) target_semaphore(%run_scoped3A_158 : memref<!tpu.dma_semaphore, #tpu.memory_space<semaphore_mem>>)
      %dma_wait3A_167 = arith.constant 0 : i32
      %dma_wait3A_168 = arith.constant 0 : i32
      %dma_wait3A_169 = tpu.memref_slice %arg3[%mul3A_36, %dma_wait3A_167, %dma_wait3A_168] : memref<5024x1x64xi32, #tpu.memory_space<hbm>> -> memref<1x1x64xi32, #tpu.memory_space<hbm>>
      %dma_wait3A_170 = tpu.memref_squeeze %dma_wait3A_169 : memref<1x1x64xi32, #tpu.memory_space<hbm>> -> memref<1x64xi32, #tpu.memory_space<hbm>>
      %dma_wait3A_171 = arith.constant 0 : i32
      %dma_wait3A_172 = arith.constant 0 : i32
      %dma_wait3A_173 = tpu.memref_slice %arg3[%mul3A_36, %dma_wait3A_171, %dma_wait3A_172] : memref<5024x1x64xi32, #tpu.memory_space<hbm>> -> memref<1x1x64xi32, #tpu.memory_space<hbm>>
      %dma_wait3A_174 = tpu.memref_squeeze %dma_wait3A_173 : memref<1x1x64xi32, #tpu.memory_space<hbm>> -> memref<1x64xi32, #tpu.memory_space<hbm>>
      tpu.wait_dma2 semaphore(%run_scoped3A_158 : memref<!tpu.dma_semaphore, #tpu.memory_space<semaphore_mem>>) src(%dma_wait3A_174 : memref<1x64xi32, #tpu.memory_space<hbm>>) dst(%arg9 : memref<1x64xi32, #tpu.memory_space<vmem>>)
      tpu.yield
    }) : () -> ()
    %get3A_40 = arith.constant 0 : i32
    %get3A_41 = arith.index_cast %get3A_40 : i32 to index
    %get3A_42 = arith.constant 0 : index
    %get3A_43 = tpu.vector_load %arg9[%get3A_41, %get3A_42] {strides = array<i32>} : memref<1x64xi32, #tpu.memory_space<vmem>>, vector<1x16xi32>,
    %get3A_44 = vector.shape_cast %get3A_43 : vector<1x16xi32> to vector<16xi32>
    %swap3A = arith.constant 0 : i32
    %swap3A_45 = arith.index_cast %swap3A : i32 to index
    %swap3A_46 = arith.constant 0 : index
    %swap3A_47 = tpu.vector_load %arg10[%swap3A_45, %swap3A_46] {strides = array<i32>} : memref<1x64xi32, #tpu.memory_space<vmem>>, vector<1x16xi32>,
    %swap3A_48 = vector.shape_cast %swap3A_47 : vector<1x16xi32> to vector<16xi32>
    %swap3A_49 = vector.shape_cast %get3A_44 : vector<16xi32> to vector<1x16xi32>
    tpu.vector_store %arg10[%swap3A_45, %swap3A_46], %swap3A_49 {strides = array<i32>} : memref<1x64xi32, #tpu.memory_space<vmem>>, vector<1x16xi32>,
    %get3A_50 = arith.constant 0 : i32
    %get3A_51 = arith.index_cast %get3A_50 : i32 to index
    %get3A_52 = arith.constant 16 : index
    %get3A_53 = tpu.vector_load %arg9[%get3A_51, %get3A_52] {strides = array<i32>} : memref<1x64xi32, #tpu.memory_space<vmem>>, vector<1x16xi32>,
    %get3A_54 = vector.shape_cast %get3A_53 : vector<1x16xi32> to vector<16xi32>
    %swap3A_55 = arith.constant 0 : i32
    %swap3A_56 = arith.index_cast %swap3A_55 : i32 to index
    %swap3A_57 = arith.constant 16 : index
    %swap3A_58 = tpu.vector_load %arg10[%swap3A_56, %swap3A_57] {strides = array<i32>} : memref<1x64xi32, #tpu.memory_space<vmem>>, vector<1x16xi32>,
    %swap3A_59 = vector.shape_cast %swap3A_58 : vector<1x16xi32> to vector<16xi32>
    %swap3A_60 = vector.shape_cast %get3A_54 : vector<16xi32> to vector<1x16xi32>
    tpu.vector_store %arg10[%swap3A_56, %swap3A_57], %swap3A_60 {strides = array<i32>} : memref<1x64xi32, #tpu.memory_space<vmem>>, vector<1x16xi32>,
    %get3A_61 = arith.constant 0 : i32
    %get3A_62 = arith.index_cast %get3A_61 : i32 to index
    %get3A_63 = arith.constant 32 : index
    %get3A_64 = tpu.vector_load %arg9[%get3A_62, %get3A_63] {strides = array<i32>} : memref<1x64xi32, #tpu.memory_space<vmem>>, vector<1x16xi32>,
    %get3A_65 = vector.shape_cast %get3A_64 : vector<1x16xi32> to vector<16xi32>
    %swap3A_66 = arith.constant 0 : i32
    %swap3A_67 = arith.index_cast %swap3A_66 : i32 to index
    %swap3A_68 = arith.constant 32 : index
    %swap3A_69 = tpu.vector_load %arg10[%swap3A_67, %swap3A_68] {strides = array<i32>} : memref<1x64xi32, #tpu.memory_space<vmem>>, vector<1x16xi32>,
    %swap3A_70 = vector.shape_cast %swap3A_69 : vector<1x16xi32> to vector<16xi32>
    %swap3A_71 = vector.shape_cast %get3A_65 : vector<16xi32> to vector<1x16xi32>
    tpu.vector_store %arg10[%swap3A_67, %swap3A_68], %swap3A_71 {strides = array<i32>} : memref<1x64xi32, #tpu.memory_space<vmem>>, vector<1x16xi32>,
    %get3A_72 = arith.constant 0 : i32
    %get3A_73 = arith.index_cast %get3A_72 : i32 to index
    %get3A_74 = arith.constant 48 : index
    %get3A_75 = tpu.vector_load %arg9[%get3A_73, %get3A_74] {strides = array<i32>} : memref<1x64xi32, #tpu.memory_space<vmem>>, vector<1x16xi32>,
    %get3A_76 = vector.shape_cast %get3A_75 : vector<1x16xi32> to vector<16xi32>
    %swap3A_77 = arith.constant 0 : i32
    %swap3A_78 = arith.index_cast %swap3A_77 : i32 to index
    %swap3A_79 = arith.constant 48 : index
    %swap3A_80 = tpu.vector_load %arg10[%swap3A_78, %swap3A_79] {strides = array<i32>} : memref<1x64xi32, #tpu.memory_space<vmem>>, vector<1x16xi32>,
    %swap3A_81 = vector.shape_cast %swap3A_80 : vector<1x16xi32> to vector<16xi32>
    %swap3A_82 = vector.shape_cast %get3A_76 : vector<16xi32> to vector<1x16xi32>
    tpu.vector_store %arg10[%swap3A_78, %swap3A_79], %swap3A_82 {strides = array<i32>} : memref<1x64xi32, #tpu.memory_space<vmem>>, vector<1x16xi32>,
    %dma_start3A = arith.constant 0 : i32
    %dma_start3A_83 = arith.constant 0 : i32
    %dma_start3A_84 = tpu.memref_slice %arg8[%dma_start3A, %dma_start3A_83] : memref<1x64xi32, #tpu.memory_space<vmem>> -> memref<1x64xi32, #tpu.memory_space<vmem>>
    %dma_start3A_85 = tpu.memref_squeeze %dma_start3A_84 : memref<1x64xi32, #tpu.memory_space<vmem>> -> memref<64xi32, #tpu.memory_space<vmem>>
    %dma_start3A_86 = arith.constant 0 : i32
    %dma_start3A_87 = arith.constant 0 : i32
    %dma_start3A_88 = tpu.memref_slice %arg4[%dma_start3A_86, %dma_start3A_87] : memref<10240x128xf32, #tpu.memory_space<hbm>> -> memref<10240x128xf32, #tpu.memory_space<hbm>>
    tpu.enqueue_indirect_dma source(%dma_start3A_88 : memref<10240x128xf32, #tpu.memory_space<hbm>>) target(%arg14 : memref<64x128xf32, #tpu.memory_space<vmem>>) offsets(%dma_start3A_85 : memref<64xi32, #tpu.memory_space<vmem>>) semaphore(%arg21 : memref<!tpu.dma_semaphore, #tpu.memory_space<semaphore_mem>>)
    %dma_start3A_89 = arith.constant 0 : i32
    %dma_start3A_90 = arith.constant 0 : i32
    %dma_start3A_91 = tpu.memref_slice %arg9[%dma_start3A_89, %dma_start3A_90] : memref<1x64xi32, #tpu.memory_space<vmem>> -> memref<1x64xi32, #tpu.memory_space<vmem>>
    %dma_start3A_92 = tpu.memref_squeeze %dma_start3A_91 : memref<1x64xi32, #tpu.memory_space<vmem>> -> memref<64xi32, #tpu.memory_space<vmem>>
    %dma_start3A_93 = arith.constant 0 : i32
    %dma_start3A_94 = arith.constant 0 : i32
    %dma_start3A_95 = tpu.memref_slice %arg5[%dma_start3A_93, %dma_start3A_94] : memref<10240x128xf32, #tpu.memory_space<hbm>> -> memref<10240x128xf32, #tpu.memory_space<hbm>>
    tpu.enqueue_indirect_dma source(%dma_start3A_95 : memref<10240x128xf32, #tpu.memory_space<hbm>>) target(%arg15 : memref<64x128xf32, #tpu.memory_space<vmem>>) offsets(%dma_start3A_92 : memref<64xi32, #tpu.memory_space<vmem>>) semaphore(%arg22 : memref<!tpu.dma_semaphore, #tpu.memory_space<semaphore_mem>>)
    %add3A_96 = arith.constant 1 : i32
    %add3A_97 = arith.addi %mul3A_36, %add3A_96 : i32
    %dma_start3A_98 = arith.constant 0 : i32
    %dma_start3A_99 = arith.constant 0 : i32
    %dma_start3A_100 = tpu.memref_slice %arg2[%add3A_97, %dma_start3A_98, %dma_start3A_99] : memref<5024x1x64xi32, #tpu.memory_space<hbm>> -> memref<1x1x64xi32, #tpu.memory_space<hbm>>
    %dma_start3A_101 = tpu.memref_squeeze %dma_start3A_100 : memref<1x1x64xi32, #tpu.memory_space<hbm>> -> memref<1x64xi32, #tpu.memory_space<hbm>>
    %dma_start3A_102 = arith.constant 0 : i32
    %dma_start3A_103 = arith.constant 0 : i32
    %dma_start3A_104 = tpu.memref_slice %arg2[%add3A_97, %dma_start3A_102, %dma_start3A_103] : memref<5024x1x64xi32, #tpu.memory_space<hbm>> -> memref<1x1x64xi32, #tpu.memory_space<hbm>>
    %dma_start3A_105 = tpu.memref_squeeze %dma_start3A_104 : memref<1x1x64xi32, #tpu.memory_space<hbm>> -> memref<1x64xi32, #tpu.memory_space<hbm>>
    tpu.enqueue_dma source(%dma_start3A_105 : memref<1x64xi32, #tpu.memory_space<hbm>>) target(%arg11 : memref<1x64xi32, #tpu.memory_space<vmem>>) target_semaphore(%arg26 : memref<!tpu.dma_semaphore, #tpu.memory_space<semaphore_mem>>)
    %dma_start3A_106 = arith.constant 0 : i32
    %dma_start3A_107 = arith.constant 0 : i32
    %dma_start3A_108 = tpu.memref_slice %arg3[%add3A_97, %dma_start3A_106, %dma_start3A_107] : memref<5024x1x64xi32, #tpu.memory_space<hbm>> -> memref<1x1x64xi32, #tpu.memory_space<hbm>>
    %dma_start3A_109 = tpu.memref_squeeze %dma_start3A_108 : memref<1x1x64xi32, #tpu.memory_space<hbm>> -> memref<1x64xi32, #tpu.memory_space<hbm>>
    %dma_start3A_110 = arith.constant 0 : i32
    %dma_start3A_111 = arith.constant 0 : i32
    %dma_start3A_112 = tpu.memref_slice %arg3[%add3A_97, %dma_start3A_110, %dma_start3A_111] : memref<5024x1x64xi32, #tpu.memory_space<hbm>> -> memref<1x1x64xi32, #tpu.memory_space<hbm>>
    %dma_start3A_113 = tpu.memref_squeeze %dma_start3A_112 : memref<1x1x64xi32, #tpu.memory_space<hbm>> -> memref<1x64xi32, #tpu.memory_space<hbm>>
    tpu.enqueue_dma source(%dma_start3A_113 : memref<1x64xi32, #tpu.memory_space<hbm>>) target(%arg12 : memref<1x64xi32, #tpu.memory_space<vmem>>) target_semaphore(%arg26 : memref<!tpu.dma_semaphore, #tpu.memory_space<semaphore_mem>>)
    %scan3A_114 = arith.constant 0 : i32
    %scan3A_115 = arith.constant 0 : i32
    %scan3A_116 = arith.constant 78 : i32
    %scan3A_117 = arith.addi %scan3A_115, %scan3A_116 : i32
    %scan3A_118 = arith.constant 1 : i32
    scf.for %scan3A_158 = %scan3A_115 to %scan3A_117 step %scan3A_118  : i32 {
      %mul3A_159 = arith.constant 2 : i32
      %mul3A_160 = arith.muli %mul3A_159, %scan3A_158 : i32
      %add3A_161 = arith.addi %mul3A_36, %mul3A_160 : i32
      %add3A_162 = arith.constant 1 : i32
      %add3A_163 = arith.addi %add3A_161, %add3A_162 : i32
      %dma_wait3A_164 = arith.constant 0 : i32
      %dma_wait3A_165 = arith.constant 0 : i32
      %dma_wait3A_166 = tpu.memref_slice %arg2[%add3A_163, %dma_wait3A_164, %dma_wait3A_165] : memref<5024x1x64xi32, #tpu.memory_space<hbm>> -> memref<1x1x64xi32, #tpu.memory_space<hbm>>
      %dma_wait3A_167 = tpu.memref_squeeze %dma_wait3A_166 : memref<1x1x64xi32, #tpu.memory_space<hbm>> -> memref<1x64xi32, #tpu.memory_space<hbm>>
      %dma_wait3A_168 = arith.constant 0 : i32
      %dma_wait3A_169 = arith.constant 0 : i32
      %dma_wait3A_170 = tpu.memref_slice %arg2[%add3A_163, %dma_wait3A_168, %dma_wait3A_169] : memref<5024x1x64xi32, #tpu.memory_space<hbm>> -> memref<1x1x64xi32, #tpu.memory_space<hbm>>
      %dma_wait3A_171 = tpu.memref_squeeze %dma_wait3A_170 : memref<1x1x64xi32, #tpu.memory_space<hbm>> -> memref<1x64xi32, #tpu.memory_space<hbm>>
      tpu.wait_dma2 semaphore(%arg26 : memref<!tpu.dma_semaphore, #tpu.memory_space<semaphore_mem>>) src(%dma_wait3A_171 : memref<1x64xi32, #tpu.memory_space<hbm>>) dst(%arg11 : memref<1x64xi32, #tpu.memory_space<vmem>>)
      %dma_wait3A_172 = arith.constant 0 : i32
      %dma_wait3A_173 = arith.constant 0 : i32
      %dma_wait3A_174 = tpu.memref_slice %arg3[%add3A_163, %dma_wait3A_172, %dma_wait3A_173] : memref<5024x1x64xi32, #tpu.memory_space<hbm>> -> memref<1x1x64xi32, #tpu.memory_space<hbm>>
      %dma_wait3A_175 = tpu.memref_squeeze %dma_wait3A_174 : memref<1x1x64xi32, #tpu.memory_space<hbm>> -> memref<1x64xi32, #tpu.memory_space<hbm>>
      %dma_wait3A_176 = arith.constant 0 : i32
      %dma_wait3A_177 = arith.constant 0 : i32
      %dma_wait3A_178 = tpu.memref_slice %arg3[%add3A_163, %dma_wait3A_176, %dma_wait3A_177] : memref<5024x1x64xi32, #tpu.memory_space<hbm>> -> memref<1x1x64xi32, #tpu.memory_space<hbm>>
      %dma_wait3A_179 = tpu.memref_squeeze %dma_wait3A_178 : memref<1x1x64xi32, #tpu.memory_space<hbm>> -> memref<1x64xi32, #tpu.memory_space<hbm>>
      tpu.wait_dma2 semaphore(%arg26 : memref<!tpu.dma_semaphore, #tpu.memory_space<semaphore_mem>>) src(%dma_wait3A_179 : memref<1x64xi32, #tpu.memory_space<hbm>>) dst(%arg12 : memref<1x64xi32, #tpu.memory_space<vmem>>)
      %get3A_180 = arith.constant 0 : i32
      %get3A_181 = arith.index_cast %get3A_180 : i32 to index
      %get3A_182 = arith.constant 0 : index
      %get3A_183 = tpu.vector_load %arg12[%get3A_181, %get3A_182] {strides = array<i32>} : memref<1x64xi32, #tpu.memory_space<vmem>>, vector<1x16xi32>,
      %get3A_184 = vector.shape_cast %get3A_183 : vector<1x16xi32> to vector<16xi32>
      %swap3A_185 = arith.constant 0 : i32
      %swap3A_186 = arith.index_cast %swap3A_185 : i32 to index
      %swap3A_187 = arith.constant 0 : index
      %swap3A_188 = tpu.vector_load %arg13[%swap3A_186, %swap3A_187] {strides = array<i32>} : memref<1x64xi32, #tpu.memory_space<vmem>>, vector<1x16xi32>,
      %swap3A_189 = vector.shape_cast %swap3A_188 : vector<1x16xi32> to vector<16xi32>
      %swap3A_190 = vector.shape_cast %get3A_184 : vector<16xi32> to vector<1x16xi32>
      tpu.vector_store %arg13[%swap3A_186, %swap3A_187], %swap3A_190 {strides = array<i32>} : memref<1x64xi32, #tpu.memory_space<vmem>>, vector<1x16xi32>,
      %get3A_191 = arith.constant 0 : i32
      %get3A_192 = arith.index_cast %get3A_191 : i32 to index
      %get3A_193 = arith.constant 16 : index
      %get3A_194 = tpu.vector_load %arg12[%get3A_192, %get3A_193] {strides = array<i32>} : memref<1x64xi32, #tpu.memory_space<vmem>>, vector<1x16xi32>,
      %get3A_195 = vector.shape_cast %get3A_194 : vector<1x16xi32> to vector<16xi32>
      %swap3A_196 = arith.constant 0 : i32
      %swap3A_197 = arith.index_cast %swap3A_196 : i32 to index
      %swap3A_198 = arith.constant 16 : index
      %swap3A_199 = tpu.vector_load %arg13[%swap3A_197, %swap3A_198] {strides = array<i32>} : memref<1x64xi32, #tpu.memory_space<vmem>>, vector<1x16xi32>,
      %swap3A_200 = vector.shape_cast %swap3A_199 : vector<1x16xi32> to vector<16xi32>
      %swap3A_201 = vector.shape_cast %get3A_195 : vector<16xi32> to vector<1x16xi32>
      tpu.vector_store %arg13[%swap3A_197, %swap3A_198], %swap3A_201 {strides = array<i32>} : memref<1x64xi32, #tpu.memory_space<vmem>>, vector<1x16xi32>,
      %get3A_202 = arith.constant 0 : i32
      %get3A_203 = arith.index_cast %get3A_202 : i32 to index
      %get3A_204 = arith.constant 32 : index
      %get3A_205 = tpu.vector_load %arg12[%get3A_203, %get3A_204] {strides = array<i32>} : memref<1x64xi32, #tpu.memory_space<vmem>>, vector<1x16xi32>,
      %get3A_206 = vector.shape_cast %get3A_205 : vector<1x16xi32> to vector<16xi32>
      %swap3A_207 = arith.constant 0 : i32
      %swap3A_208 = arith.index_cast %swap3A_207 : i32 to index
      %swap3A_209 = arith.constant 32 : index
      %swap3A_210 = tpu.vector_load %arg13[%swap3A_208, %swap3A_209] {strides = array<i32>} : memref<1x64xi32, #tpu.memory_space<vmem>>, vector<1x16xi32>,
      %swap3A_211 = vector.shape_cast %swap3A_210 : vector<1x16xi32> to vector<16xi32>
      %swap3A_212 = vector.shape_cast %get3A_206 : vector<16xi32> to vector<1x16xi32>
      tpu.vector_store %arg13[%swap3A_208, %swap3A_209], %swap3A_212 {strides = array<i32>} : memref<1x64xi32, #tpu.memory_space<vmem>>, vector<1x16xi32>,
      %get3A_213 = arith.constant 0 : i32
      %get3A_214 = arith.index_cast %get3A_213 : i32 to index
      %get3A_215 = arith.constant 48 : index
      %get3A_216 = tpu.vector_load %arg12[%get3A_214, %get3A_215] {strides = array<i32>} : memref<1x64xi32, #tpu.memory_space<vmem>>, vector<1x16xi32>,
      %get3A_217 = vector.shape_cast %get3A_216 : vector<1x16xi32> to vector<16xi32>
      %swap3A_218 = arith.constant 0 : i32
      %swap3A_219 = arith.index_cast %swap3A_218 : i32 to index
      %swap3A_220 = arith.constant 48 : index
      %swap3A_221 = tpu.vector_load %arg13[%swap3A_219, %swap3A_220] {strides = array<i32>} : memref<1x64xi32, #tpu.memory_space<vmem>>, vector<1x16xi32>,
      %swap3A_222 = vector.shape_cast %swap3A_221 : vector<1x16xi32> to vector<16xi32>
      %swap3A_223 = vector.shape_cast %get3A_217 : vector<16xi32> to vector<1x16xi32>
      tpu.vector_store %arg13[%swap3A_219, %swap3A_220], %swap3A_223 {strides = array<i32>} : memref<1x64xi32, #tpu.memory_space<vmem>>, vector<1x16xi32>,
      %dma_start3A_224 = arith.constant 0 : i32
      %dma_start3A_225 = arith.constant 0 : i32
      %dma_start3A_226 = tpu.memref_slice %arg11[%dma_start3A_224, %dma_start3A_225] : memref<1x64xi32, #tpu.memory_space<vmem>> -> memref<1x64xi32, #tpu.memory_space<vmem>>
      %dma_start3A_227 = tpu.memref_squeeze %dma_start3A_226 : memref<1x64xi32, #tpu.memory_space<vmem>> -> memref<64xi32, #tpu.memory_space<vmem>>
      %dma_start3A_228 = arith.constant 0 : i32
      %dma_start3A_229 = arith.constant 0 : i32
      %dma_start3A_230 = tpu.memref_slice %arg4[%dma_start3A_228, %dma_start3A_229] : memref<10240x128xf32, #tpu.memory_space<hbm>> -> memref<10240x128xf32, #tpu.memory_space<hbm>>
      tpu.enqueue_indirect_dma source(%dma_start3A_230 : memref<10240x128xf32, #tpu.memory_space<hbm>>) target(%arg16 : memref<64x128xf32, #tpu.memory_space<vmem>>) offsets(%dma_start3A_227 : memref<64xi32, #tpu.memory_space<vmem>>) semaphore(%arg23 : memref<!tpu.dma_semaphore, #tpu.memory_space<semaphore_mem>>)
      %dma_start3A_231 = arith.constant 0 : i32
      %dma_start3A_232 = arith.constant 0 : i32
      %dma_start3A_233 = tpu.memref_slice %arg12[%dma_start3A_231, %dma_start3A_232] : memref<1x64xi32, #tpu.memory_space<vmem>> -> memref<1x64xi32, #tpu.memory_space<vmem>>
      %dma_start3A_234 = tpu.memref_squeeze %dma_start3A_233 : memref<1x64xi32, #tpu.memory_space<vmem>> -> memref<64xi32, #tpu.memory_space<vmem>>
      %dma_start3A_235 = arith.constant 0 : i32
      %dma_start3A_236 = arith.constant 0 : i32
      %dma_start3A_237 = tpu.memref_slice %arg5[%dma_start3A_235, %dma_start3A_236] : memref<10240x128xf32, #tpu.memory_space<hbm>> -> memref<10240x128xf32, #tpu.memory_space<hbm>>
      tpu.enqueue_indirect_dma source(%dma_start3A_237 : memref<10240x128xf32, #tpu.memory_space<hbm>>) target(%arg17 : memref<64x128xf32, #tpu.memory_space<vmem>>) offsets(%dma_start3A_234 : memref<64xi32, #tpu.memory_space<vmem>>) semaphore(%arg24 : memref<!tpu.dma_semaphore, #tpu.memory_space<semaphore_mem>>)
      %dma_wait3A_238 = arith.constant 0 : i32
      %dma_wait3A_239 = arith.constant 0 : i32
      %dma_wait3A_240 = tpu.memref_slice %arg8[%dma_wait3A_238, %dma_wait3A_239] : memref<1x64xi32, #tpu.memory_space<vmem>> -> memref<1x64xi32, #tpu.memory_space<vmem>>
      %dma_wait3A_241 = tpu.memref_squeeze %dma_wait3A_240 : memref<1x64xi32, #tpu.memory_space<vmem>> -> memref<64xi32, #tpu.memory_space<vmem>>
      %dma_wait3A_242 = arith.constant 0 : i32
      %dma_wait3A_243 = arith.constant 0 : i32
      %dma_wait3A_244 = tpu.memref_slice %arg4[%dma_wait3A_242, %dma_wait3A_243] : memref<10240x128xf32, #tpu.memory_space<hbm>> -> memref<10240x128xf32, #tpu.memory_space<hbm>>
      tpu.wait_indirect_dma semaphore(%arg21 : memref<!tpu.dma_semaphore, #tpu.memory_space<semaphore_mem>>) src(%dma_wait3A_244 : memref<10240x128xf32, #tpu.memory_space<hbm>>) dst(%arg14 : memref<64x128xf32, #tpu.memory_space<vmem>>)
      %dma_wait3A_245 = arith.constant 0 : i32
      %dma_wait3A_246 = arith.constant 0 : i32
      %dma_wait3A_247 = tpu.memref_slice %arg9[%dma_wait3A_245, %dma_wait3A_246] : memref<1x64xi32, #tpu.memory_space<vmem>> -> memref<1x64xi32, #tpu.memory_space<vmem>>
      %dma_wait3A_248 = tpu.memref_squeeze %dma_wait3A_247 : memref<1x64xi32, #tpu.memory_space<vmem>> -> memref<64xi32, #tpu.memory_space<vmem>>
      %dma_wait3A_249 = arith.constant 0 : i32
      %dma_wait3A_250 = arith.constant 0 : i32
      %dma_wait3A_251 = tpu.memref_slice %arg5[%dma_wait3A_249, %dma_wait3A_250] : memref<10240x128xf32, #tpu.memory_space<hbm>> -> memref<10240x128xf32, #tpu.memory_space<hbm>>
      tpu.wait_indirect_dma semaphore(%arg22 : memref<!tpu.dma_semaphore, #tpu.memory_space<semaphore_mem>>) src(%dma_wait3A_251 : memref<10240x128xf32, #tpu.memory_space<hbm>>) dst(%arg15 : memref<64x128xf32, #tpu.memory_space<vmem>>)
      %add3A_252 = arith.constant 2 : i32
      %add3A_253 = arith.addi %add3A_161, %add3A_252 : i32
      %min3A = arith.minsi %add3A_253, %sub3A_39 : i32
      %dma_start3A_254 = arith.constant 0 : i32
      %dma_start3A_255 = arith.constant 0 : i32
      %dma_start3A_256 = tpu.memref_slice %arg2[%min3A, %dma_start3A_254, %dma_start3A_255] : memref<5024x1x64xi32, #tpu.memory_space<hbm>> -> memref<1x1x64xi32, #tpu.memory_space<hbm>>
      %dma_start3A_257 = tpu.memref_squeeze %dma_start3A_256 : memref<1x1x64xi32, #tpu.memory_space<hbm>> -> memref<1x64xi32, #tpu.memory_space<hbm>>
      %dma_start3A_258 = arith.constant 0 : i32
      %dma_start3A_259 = arith.constant 0 : i32
      %dma_start3A_260 = tpu.memref_slice %arg2[%min3A, %dma_start3A_258, %dma_start3A_259] : memref<5024x1x64xi32, #tpu.memory_space<hbm>> -> memref<1x1x64xi32, #tpu.memory_space<hbm>>
      %dma_start3A_261 = tpu.memref_squeeze %dma_start3A_260 : memref<1x1x64xi32, #tpu.memory_space<hbm>> -> memref<1x64xi32, #tpu.memory_space<hbm>>
      tpu.enqueue_dma source(%dma_start3A_261 : memref<1x64xi32, #tpu.memory_space<hbm>>) target(%arg8 : memref<1x64xi32, #tpu.memory_space<vmem>>) target_semaphore(%arg25 : memref<!tpu.dma_semaphore, #tpu.memory_space<semaphore_mem>>)
      %dma_start3A_262 = arith.constant 0 : i32
      %dma_start3A_263 = arith.constant 0 : i32
      %dma_start3A_264 = tpu.memref_slice %arg3[%min3A, %dma_start3A_262, %dma_start3A_263] : memref<5024x1x64xi32, #tpu.memory_space<hbm>> -> memref<1x1x64xi32, #tpu.memory_space<hbm>>
      %dma_start3A_265 = tpu.memref_squeeze %dma_start3A_264 : memref<1x1x64xi32, #tpu.memory_space<hbm>> -> memref<1x64xi32, #tpu.memory_space<hbm>>
      %dma_start3A_266 = arith.constant 0 : i32
      %dma_start3A_267 = arith.constant 0 : i32
      %dma_start3A_268 = tpu.memref_slice %arg3[%min3A, %dma_start3A_266, %dma_start3A_267] : memref<5024x1x64xi32, #tpu.memory_space<hbm>> -> memref<1x1x64xi32, #tpu.memory_space<hbm>>
      %dma_start3A_269 = tpu.memref_squeeze %dma_start3A_268 : memref<1x1x64xi32, #tpu.memory_space<hbm>> -> memref<1x64xi32, #tpu.memory_space<hbm>>
      tpu.enqueue_dma source(%dma_start3A_269 : memref<1x64xi32, #tpu.memory_space<hbm>>) target(%arg9 : memref<1x64xi32, #tpu.memory_space<vmem>>) target_semaphore(%arg25 : memref<!tpu.dma_semaphore, #tpu.memory_space<semaphore_mem>>)
      %scan3A_270 = arith.constant 0 : i32
      %scan3A_271 = arith.constant 0 : i32
      %scan3A_272 = arith.constant 64 : i32
      %scan3A_273 = arith.addi %scan3A_271, %scan3A_272 : i32
      %scan3A_274 = arith.constant 1 : i32
      scf.for %scan3A_391 = %scan3A_271 to %scan3A_273 step %scan3A_274  : i32 {
        %get3A_392 = arith.index_cast %scan3A_391 : i32 to index
        %get3A_393 = arith.constant 0 : index
        %get3A_394 = tpu.vector_load %arg14[%get3A_392, %get3A_393] {strides = array<i32>} : memref<64x128xf32, #tpu.memory_space<vmem>>, vector<1x16xf32>,
        %get3A_395 = vector.shape_cast %get3A_394 : vector<1x16xf32> to vector<16xf32>
        %get3A_396 = arith.index_cast %scan3A_391 : i32 to index
        %get3A_397 = arith.constant 0 : index
        %get3A_398 = tpu.vector_load %arg15[%get3A_396, %get3A_397] {strides = array<i32>} : memref<64x128xf32, #tpu.memory_space<vmem>>, vector<1x16xf32>,
        %get3A_399 = vector.shape_cast %get3A_398 : vector<1x16xf32> to vector<16xf32>
        %add3A_400 = arith.addf %get3A_399, %get3A_395 : vector<16xf32>
        %mul3A_401 = arith.constant 2.000000e-01 : f32
        %mul3A_402 = vector.broadcast %mul3A_401 : f32 to vector<16xf32>
        %mul3A_403 = arith.mulf %mul3A_402, %add3A_400 : vector<16xf32>
        %max3A = arith.maximumf %add3A_400, %mul3A_403 : vector<16xf32>
        %mul3A_404 = arith.mulf %get3A_18, %max3A : vector<16xf32>
        %broadcast_in_dim3A_405 = vector.shape_cast %xor3A_25 : vector<16xi32> to vector<16x1xi32>
        %gather3A = vector.shape_cast %broadcast_in_dim3A_405 : vector<16x1xi32> to vector<16xi32>
        %gather3A_406 = tpu.dynamic_gather %mul3A_404[%gather3A] in [0] : vector<16xf32>, vector<16xi32> -> vector<16xf32>
        %add3A_407 = arith.addf %mul3A_404, %gather3A_406 : vector<16xf32>
        %broadcast_in_dim3A_408 = vector.shape_cast %xor3A_28 : vector<16xi32> to vector<16x1xi32>
        %gather3A_409 = vector.shape_cast %broadcast_in_dim3A_408 : vector<16x1xi32> to vector<16xi32>
        %gather3A_410 = tpu.dynamic_gather %add3A_407[%gather3A_409] in [0] : vector<16xf32>, vector<16xi32> -> vector<16xf32>
        %add3A_411 = arith.addf %add3A_407, %gather3A_410 : vector<16xf32>
        %broadcast_in_dim3A_412 = vector.shape_cast %xor3A_31 : vector<16xi32> to vector<16x1xi32>
        %gather3A_413 = vector.shape_cast %broadcast_in_dim3A_412 : vector<16x1xi32> to vector<16xi32>
        %gather3A_414 = tpu.dynamic_gather %add3A_411[%gather3A_413] in [0] : vector<16xf32>, vector<16xi32> -> vector<16xf32>
        %add3A_415 = arith.addf %add3A_411, %gather3A_414 : vector<16xf32>
        %broadcast_in_dim3A_416 = vector.shape_cast %xor3A_34 : vector<16xi32> to vector<16x1xi32>
        %gather3A_417 = vector.shape_cast %broadcast_in_dim3A_416 : vector<16x1xi32> to vector<16xi32>
        %gather3A_418 = tpu.dynamic_gather %add3A_415[%gather3A_417] in [0] : vector<16xf32>, vector<16xi32> -> vector<16xf32>
        %add3A_419 = arith.addf %add3A_415, %gather3A_418 : vector<16xf32>
        %exp3A = math.exp %add3A_419 : vector<16xf32>
        %add3A_420 = arith.addf %get3A_395, %select_n3A : vector<16xf32>
        %mul3A_421 = arith.mulf %exp3A, %add3A_420 : vector<16xf32>
        %swap3A_422 = arith.index_cast %scan3A_391 : i32 to index
        %swap3A_423 = arith.constant 0 : index
        %swap3A_424 = tpu.vector_load %arg18[%swap3A_422, %swap3A_423] {strides = array<i32>} : memref<64x128xf32, #tpu.memory_space<vmem>>, vector<1x16xf32>,
        %swap3A_425 = vector.shape_cast %swap3A_424 : vector<1x16xf32> to vector<16xf32>
        %swap3A_426 = vector.shape_cast %mul3A_421 : vector<16xf32> to vector<1x16xf32>
        tpu.vector_store %arg18[%swap3A_422, %swap3A_423], %swap3A_426 {strides = array<i32>} : memref<64x128xf32, #tpu.memory_space<vmem>>, vector<1x16xf32>,
      }
      %scan3A_275 = arith.constant 64 : i32
      %run_scoped3A_276 = arith.constant 0 : i32
      "tpu.region"() ({
        %run_scoped3A_391 = tpu.sem_alloc : memref<!tpu.dma_semaphore, #tpu.memory_space<semaphore_mem>>
        %dma_start3A_392 = arith.constant 0 : i32
        %dma_start3A_393 = tpu.memref_slice %arg10[%run_scoped3A_276, %dma_start3A_392] : memref<1x64xi32, #tpu.memory_space<vmem>> -> memref<1x64xi32, #tpu.memory_space<vmem>>
        %dma_start3A_394 = tpu.memref_squeeze %dma_start3A_393 : memref<1x64xi32, #tpu.memory_space<vmem>> -> memref<64xi32, #tpu.memory_space<vmem>>
        %dma_start3A_395 = arith.constant 0 : i32
        %dma_start3A_396 = arith.constant 0 : i32
        %dma_start3A_397 = tpu.memref_slice %arg20[%dma_start3A_395, %dma_start3A_396] : memref<10240x128xf32, #tpu.memory_space<vmem_shared>> -> memref<10240x128xf32, #tpu.memory_space<vmem_shared>>
        tpu.enqueue_indirect_dma source(%arg18 : memref<64x128xf32, #tpu.memory_space<vmem>>) target(%dma_start3A_397 : memref<10240x128xf32, #tpu.memory_space<vmem_shared>>) offsets(%dma_start3A_394 : memref<64xi32, #tpu.memory_space<vmem>>) semaphore(%run_scoped3A_391 : memref<!tpu.dma_semaphore, #tpu.memory_space<semaphore_mem>>) {add = true}
        %dma_wait3A_398 = arith.constant 0 : i32
        %dma_wait3A_399 = tpu.memref_slice %arg10[%run_scoped3A_276, %dma_wait3A_398] : memref<1x64xi32, #tpu.memory_space<vmem>> -> memref<1x64xi32, #tpu.memory_space<vmem>>
        %dma_wait3A_400 = tpu.memref_squeeze %dma_wait3A_399 : memref<1x64xi32, #tpu.memory_space<vmem>> -> memref<64xi32, #tpu.memory_space<vmem>>
        %dma_wait3A_401 = arith.constant 0 : i32
        %dma_wait3A_402 = arith.constant 0 : i32
        %dma_wait3A_403 = tpu.memref_slice %arg20[%dma_wait3A_401, %dma_wait3A_402] : memref<10240x128xf32, #tpu.memory_space<vmem_shared>> -> memref<10240x128xf32, #tpu.memory_space<vmem_shared>>
        tpu.wait_indirect_dma semaphore(%run_scoped3A_391 : memref<!tpu.dma_semaphore, #tpu.memory_space<semaphore_mem>>) src(%arg18 : memref<64x128xf32, #tpu.memory_space<vmem>>) dst(%dma_wait3A_403 : memref<10240x128xf32, #tpu.memory_space<vmem_shared>>)
        tpu.yield
      }) : () -> ()
      %dma_wait3A_277 = arith.constant 0 : i32
      %dma_wait3A_278 = arith.constant 0 : i32
      %dma_wait3A_279 = tpu.memref_slice %arg2[%add3A_161, %dma_wait3A_277, %dma_wait3A_278] : memref<5024x1x64xi32, #tpu.memory_space<hbm>> -> memref<1x1x64xi32, #tpu.memory_space<hbm>>
      %dma_wait3A_280 = tpu.memref_squeeze %dma_wait3A_279 : memref<1x1x64xi32, #tpu.memory_space<hbm>> -> memref<1x64xi32, #tpu.memory_space<hbm>>
      %dma_wait3A_281 = arith.constant 0 : i32
      %dma_wait3A_282 = arith.constant 0 : i32
      %dma_wait3A_283 = tpu.memref_slice %arg2[%add3A_161, %dma_wait3A_281, %dma_wait3A_282] : memref<5024x1x64xi32, #tpu.memory_space<hbm>> -> memref<1x1x64xi32, #tpu.memory_space<hbm>>
      %dma_wait3A_284 = tpu.memref_squeeze %dma_wait3A_283 : memref<1x1x64xi32, #tpu.memory_space<hbm>> -> memref<1x64xi32, #tpu.memory_space<hbm>>
      tpu.wait_dma2 semaphore(%arg25 : memref<!tpu.dma_semaphore, #tpu.memory_space<semaphore_mem>>) src(%dma_wait3A_284 : memref<1x64xi32, #tpu.memory_space<hbm>>) dst(%arg8 : memref<1x64xi32, #tpu.memory_space<vmem>>)
      %dma_wait3A_285 = arith.constant 0 : i32
      %dma_wait3A_286 = arith.constant 0 : i32
      %dma_wait3A_287 = tpu.memref_slice %arg3[%add3A_161, %dma_wait3A_285, %dma_wait3A_286] : memref<5024x1x64xi32, #tpu.memory_space<hbm>> -> memref<1x1x64xi32, #tpu.memory_space<hbm>>
      %dma_wait3A_288 = tpu.memref_squeeze %dma_wait3A_287 : memref<1x1x64xi32, #tpu.memory_space<hbm>> -> memref<1x64xi32, #tpu.memory_space<hbm>>
      %dma_wait3A_289 = arith.constant 0 : i32
      %dma_wait3A_290 = arith.constant 0 : i32
      %dma_wait3A_291 = tpu.memref_slice %arg3[%add3A_161, %dma_wait3A_289, %dma_wait3A_290] : memref<5024x1x64xi32, #tpu.memory_space<hbm>> -> memref<1x1x64xi32, #tpu.memory_space<hbm>>
      %dma_wait3A_292 = tpu.memref_squeeze %dma_wait3A_291 : memref<1x1x64xi32, #tpu.memory_space<hbm>> -> memref<1x64xi32, #tpu.memory_space<hbm>>
      tpu.wait_dma2 semaphore(%arg25 : memref<!tpu.dma_semaphore, #tpu.memory_space<semaphore_mem>>) src(%dma_wait3A_292 : memref<1x64xi32, #tpu.memory_space<hbm>>) dst(%arg9 : memref<1x64xi32, #tpu.memory_space<vmem>>)
      %get3A_293 = arith.constant 0 : i32
      %get3A_294 = arith.index_cast %get3A_293 : i32 to index
      %get3A_295 = arith.constant 0 : index
      %get3A_296 = tpu.vector_load %arg9[%get3A_294, %get3A_295] {strides = array<i32>} : memref<1x64xi32, #tpu.memory_space<vmem>>, vector<1x16xi32>,
      %get3A_297 = vector.shape_cast %get3A_296 : vector<1x16xi32> to vector<16xi32>
      %swap3A_298 = arith.constant 0 : i32
      %swap3A_299 = arith.index_cast %swap3A_298 : i32 to index
      %swap3A_300 = arith.constant 0 : index
      %swap3A_301 = tpu.vector_load %arg10[%swap3A_299, %swap3A_300] {strides = array<i32>} : memref<1x64xi32, #tpu.memory_space<vmem>>, vector<1x16xi32>,
      %swap3A_302 = vector.shape_cast %swap3A_301 : vector<1x16xi32> to vector<16xi32>
      %swap3A_303 = vector.shape_cast %get3A_297 : vector<16xi32> to vector<1x16xi32>
      tpu.vector_store %arg10[%swap3A_299, %swap3A_300], %swap3A_303 {strides = array<i32>} : memref<1x64xi32, #tpu.memory_space<vmem>>, vector<1x16xi32>,
      %get3A_304 = arith.constant 0 : i32
      %get3A_305 = arith.index_cast %get3A_304 : i32 to index
      %get3A_306 = arith.constant 16 : index
      %get3A_307 = tpu.vector_load %arg9[%get3A_305, %get3A_306] {strides = array<i32>} : memref<1x64xi32, #tpu.memory_space<vmem>>, vector<1x16xi32>,
      %get3A_308 = vector.shape_cast %get3A_307 : vector<1x16xi32> to vector<16xi32>
      %swap3A_309 = arith.constant 0 : i32
      %swap3A_310 = arith.index_cast %swap3A_309 : i32 to index
      %swap3A_311 = arith.constant 16 : index
      %swap3A_312 = tpu.vector_load %arg10[%swap3A_310, %swap3A_311] {strides = array<i32>} : memref<1x64xi32, #tpu.memory_space<vmem>>, vector<1x16xi32>,
      %swap3A_313 = vector.shape_cast %swap3A_312 : vector<1x16xi32> to vector<16xi32>
      %swap3A_314 = vector.shape_cast %get3A_308 : vector<16xi32> to vector<1x16xi32>
      tpu.vector_store %arg10[%swap3A_310, %swap3A_311], %swap3A_314 {strides = array<i32>} : memref<1x64xi32, #tpu.memory_space<vmem>>, vector<1x16xi32>,
      %get3A_315 = arith.constant 0 : i32
      %get3A_316 = arith.index_cast %get3A_315 : i32 to index
      %get3A_317 = arith.constant 32 : index
      %get3A_318 = tpu.vector_load %arg9[%get3A_316, %get3A_317] {strides = array<i32>} : memref<1x64xi32, #tpu.memory_space<vmem>>, vector<1x16xi32>,
      %get3A_319 = vector.shape_cast %get3A_318 : vector<1x16xi32> to vector<16xi32>
      %swap3A_320 = arith.constant 0 : i32
      %swap3A_321 = arith.index_cast %swap3A_320 : i32 to index
      %swap3A_322 = arith.constant 32 : index
      %swap3A_323 = tpu.vector_load %arg10[%swap3A_321, %swap3A_322] {strides = array<i32>} : memref<1x64xi32, #tpu.memory_space<vmem>>, vector<1x16xi32>,
      %swap3A_324 = vector.shape_cast %swap3A_323 : vector<1x16xi32> to vector<16xi32>
      %swap3A_325 = vector.shape_cast %get3A_319 : vector<16xi32> to vector<1x16xi32>
      tpu.vector_store %arg10[%swap3A_321, %swap3A_322], %swap3A_325 {strides = array<i32>} : memref<1x64xi32, #tpu.memory_space<vmem>>, vector<1x16xi32>,
      %get3A_326 = arith.constant 0 : i32
      %get3A_327 = arith.index_cast %get3A_326 : i32 to index
      %get3A_328 = arith.constant 48 : index
      %get3A_329 = tpu.vector_load %arg9[%get3A_327, %get3A_328] {strides = array<i32>} : memref<1x64xi32, #tpu.memory_space<vmem>>, vector<1x16xi32>,
      %get3A_330 = vector.shape_cast %get3A_329 : vector<1x16xi32> to vector<16xi32>
      %swap3A_331 = arith.constant 0 : i32
      %swap3A_332 = arith.index_cast %swap3A_331 : i32 to index
      %swap3A_333 = arith.constant 48 : index
      %swap3A_334 = tpu.vector_load %arg10[%swap3A_332, %swap3A_333] {strides = array<i32>} : memref<1x64xi32, #tpu.memory_space<vmem>>, vector<1x16xi32>,
      %swap3A_335 = vector.shape_cast %swap3A_334 : vector<1x16xi32> to vector<16xi32>
      %swap3A_336 = vector.shape_cast %get3A_330 : vector<16xi32> to vector<1x16xi32>
      tpu.vector_store %arg10[%swap3A_332, %swap3A_333], %swap3A_336 {strides = array<i32>} : memref<1x64xi32, #tpu.memory_space<vmem>>, vector<1x16xi32>,
      %dma_start3A_337 = arith.constant 0 : i32
      %dma_start3A_338 = arith.constant 0 : i32
      %dma_start3A_339 = tpu.memref_slice %arg8[%dma_start3A_337, %dma_start3A_338] : memref<1x64xi32, #tpu.memory_space<vmem>> -> memref<1x64xi32, #tpu.memory_space<vmem>>
      %dma_start3A_340 = tpu.memref_squeeze %dma_start3A_339 : memref<1x64xi32, #tpu.memory_space<vmem>> -> memref<64xi32, #tpu.memory_space<vmem>>
      %dma_start3A_341 = arith.constant 0 : i32
      %dma_start3A_342 = arith.constant 0 : i32
      %dma_start3A_343 = tpu.memref_slice %arg4[%dma_start3A_341, %dma_start3A_342] : memref<10240x128xf32, #tpu.memory_space<hbm>> -> memref<10240x128xf32, #tpu.memory_space<hbm>>
      tpu.enqueue_indirect_dma source(%dma_start3A_343 : memref<10240x128xf32, #tpu.memory_space<hbm>>) target(%arg14 : memref<64x128xf32, #tpu.memory_space<vmem>>) offsets(%dma_start3A_340 : memref<64xi32, #tpu.memory_space<vmem>>) semaphore(%arg21 : memref<!tpu.dma_semaphore, #tpu.memory_space<semaphore_mem>>)
      %dma_start3A_344 = arith.constant 0 : i32
      %dma_start3A_345 = arith.constant 0 : i32
      %dma_start3A_346 = tpu.memref_slice %arg9[%dma_start3A_344, %dma_start3A_345] : memref<1x64xi32, #tpu.memory_space<vmem>> -> memref<1x64xi32, #tpu.memory_space<vmem>>
      %dma_start3A_347 = tpu.memref_squeeze %dma_start3A_346 : memref<1x64xi32, #tpu.memory_space<vmem>> -> memref<64xi32, #tpu.memory_space<vmem>>
      %dma_start3A_348 = arith.constant 0 : i32
      %dma_start3A_349 = arith.constant 0 : i32
      %dma_start3A_350 = tpu.memref_slice %arg5[%dma_start3A_348, %dma_start3A_349] : memref<10240x128xf32, #tpu.memory_space<hbm>> -> memref<10240x128xf32, #tpu.memory_space<hbm>>
      tpu.enqueue_indirect_dma source(%dma_start3A_350 : memref<10240x128xf32, #tpu.memory_space<hbm>>) target(%arg15 : memref<64x128xf32, #tpu.memory_space<vmem>>) offsets(%dma_start3A_347 : memref<64xi32, #tpu.memory_space<vmem>>) semaphore(%arg22 : memref<!tpu.dma_semaphore, #tpu.memory_space<semaphore_mem>>)
      %dma_wait3A_351 = arith.constant 0 : i32
      %dma_wait3A_352 = arith.constant 0 : i32
      %dma_wait3A_353 = tpu.memref_slice %arg11[%dma_wait3A_351, %dma_wait3A_352] : memref<1x64xi32, #tpu.memory_space<vmem>> -> memref<1x64xi32, #tpu.memory_space<vmem>>
      %dma_wait3A_354 = tpu.memref_squeeze %dma_wait3A_353 : memref<1x64xi32, #tpu.memory_space<vmem>> -> memref<64xi32, #tpu.memory_space<vmem>>
      %dma_wait3A_355 = arith.constant 0 : i32
      %dma_wait3A_356 = arith.constant 0 : i32
      %dma_wait3A_357 = tpu.memref_slice %arg4[%dma_wait3A_355, %dma_wait3A_356] : memref<10240x128xf32, #tpu.memory_space<hbm>> -> memref<10240x128xf32, #tpu.memory_space<hbm>>
      tpu.wait_indirect_dma semaphore(%arg23 : memref<!tpu.dma_semaphore, #tpu.memory_space<semaphore_mem>>) src(%dma_wait3A_357 : memref<10240x128xf32, #tpu.memory_space<hbm>>) dst(%arg16 : memref<64x128xf32, #tpu.memory_space<vmem>>)
      %dma_wait3A_358 = arith.constant 0 : i32
      %dma_wait3A_359 = arith.constant 0 : i32
      %dma_wait3A_360 = tpu.memref_slice %arg12[%dma_wait3A_358, %dma_wait3A_359] : memref<1x64xi32, #tpu.memory_space<vmem>> -> memref<1x64xi32, #tpu.memory_space<vmem>>
      %dma_wait3A_361 = tpu.memref_squeeze %dma_wait3A_360 : memref<1x64xi32, #tpu.memory_space<vmem>> -> memref<64xi32, #tpu.memory_space<vmem>>
      %dma_wait3A_362 = arith.constant 0 : i32
      %dma_wait3A_363 = arith.constant 0 : i32
      %dma_wait3A_364 = tpu.memref_slice %arg5[%dma_wait3A_362, %dma_wait3A_363] : memref<10240x128xf32, #tpu.memory_space<hbm>> -> memref<10240x128xf32, #tpu.memory_space<hbm>>
      tpu.wait_indirect_dma semaphore(%arg24 : memref<!tpu.dma_semaphore, #tpu.memory_space<semaphore_mem>>) src(%dma_wait3A_364 : memref<10240x128xf32, #tpu.memory_space<hbm>>) dst(%arg17 : memref<64x128xf32, #tpu.memory_space<vmem>>)
      %add3A_365 = arith.constant 3 : i32
      %add3A_366 = arith.addi %add3A_161, %add3A_365 : i32
      %min3A_367 = arith.minsi %add3A_366, %sub3A_39 : i32
      %dma_start3A_368 = arith.constant 0 : i32
      %dma_start3A_369 = arith.constant 0 : i32
      %dma_start3A_370 = tpu.memref_slice %arg2[%min3A_367, %dma_start3A_368, %dma_start3A_369] : memref<5024x1x64xi32, #tpu.memory_space<hbm>> -> memref<1x1x64xi32, #tpu.memory_space<hbm>>
      %dma_start3A_371 = tpu.memref_squeeze %dma_start3A_370 : memref<1x1x64xi32, #tpu.memory_space<hbm>> -> memref<1x64xi32, #tpu.memory_space<hbm>>
      %dma_start3A_372 = arith.constant 0 : i32
      %dma_start3A_373 = arith.constant 0 : i32
      %dma_start3A_374 = tpu.memref_slice %arg2[%min3A_367, %dma_start3A_372, %dma_start3A_373] : memref<5024x1x64xi32, #tpu.memory_space<hbm>> -> memref<1x1x64xi32, #tpu.memory_space<hbm>>
      %dma_start3A_375 = tpu.memref_squeeze %dma_start3A_374 : memref<1x1x64xi32, #tpu.memory_space<hbm>> -> memref<1x64xi32, #tpu.memory_space<hbm>>
      tpu.enqueue_dma source(%dma_start3A_375 : memref<1x64xi32, #tpu.memory_space<hbm>>) target(%arg11 : memref<1x64xi32, #tpu.memory_space<vmem>>) target_semaphore(%arg26 : memref<!tpu.dma_semaphore, #tpu.memory_space<semaphore_mem>>)
      %dma_start3A_376 = arith.constant 0 : i32
      %dma_start3A_377 = arith.constant 0 : i32
      %dma_start3A_378 = tpu.memref_slice %arg3[%min3A_367, %dma_start3A_376, %dma_start3A_377] : memref<5024x1x64xi32, #tpu.memory_space<hbm>> -> memref<1x1x64xi32, #tpu.memory_space<hbm>>
      %dma_start3A_379 = tpu.memref_squeeze %dma_start3A_378 : memref<1x1x64xi32, #tpu.memory_space<hbm>> -> memref<1x64xi32, #tpu.memory_space<hbm>>
      %dma_start3A_380 = arith.constant 0 : i32
      %dma_start3A_381 = arith.constant 0 : i32
      %dma_start3A_382 = tpu.memref_slice %arg3[%min3A_367, %dma_start3A_380, %dma_start3A_381] : memref<5024x1x64xi32, #tpu.memory_space<hbm>> -> memref<1x1x64xi32, #tpu.memory_space<hbm>>
      %dma_start3A_383 = tpu.memref_squeeze %dma_start3A_382 : memref<1x1x64xi32, #tpu.memory_space<hbm>> -> memref<1x64xi32, #tpu.memory_space<hbm>>
      tpu.enqueue_dma source(%dma_start3A_383 : memref<1x64xi32, #tpu.memory_space<hbm>>) target(%arg12 : memref<1x64xi32, #tpu.memory_space<vmem>>) target_semaphore(%arg26 : memref<!tpu.dma_semaphore, #tpu.memory_space<semaphore_mem>>)
      %scan3A_384 = arith.constant 0 : i32
      %scan3A_385 = arith.constant 0 : i32
      %scan3A_386 = arith.constant 64 : i32
      %scan3A_387 = arith.addi %scan3A_385, %scan3A_386 : i32
      %scan3A_388 = arith.constant 1 : i32
      scf.for %scan3A_391 = %scan3A_385 to %scan3A_387 step %scan3A_388  : i32 {
        %get3A_392 = arith.index_cast %scan3A_391 : i32 to index
        %get3A_393 = arith.constant 0 : index
        %get3A_394 = tpu.vector_load %arg16[%get3A_392, %get3A_393] {strides = array<i32>} : memref<64x128xf32, #tpu.memory_space<vmem>>, vector<1x16xf32>,
        %get3A_395 = vector.shape_cast %get3A_394 : vector<1x16xf32> to vector<16xf32>
        %get3A_396 = arith.index_cast %scan3A_391 : i32 to index
        %get3A_397 = arith.constant 0 : index
        %get3A_398 = tpu.vector_load %arg17[%get3A_396, %get3A_397] {strides = array<i32>} : memref<64x128xf32, #tpu.memory_space<vmem>>, vector<1x16xf32>,
        %get3A_399 = vector.shape_cast %get3A_398 : vector<1x16xf32> to vector<16xf32>
        %add3A_400 = arith.addf %get3A_399, %get3A_395 : vector<16xf32>
        %mul3A_401 = arith.constant 2.000000e-01 : f32
        %mul3A_402 = vector.broadcast %mul3A_401 : f32 to vector<16xf32>
        %mul3A_403 = arith.mulf %mul3A_402, %add3A_400 : vector<16xf32>
        %max3A = arith.maximumf %add3A_400, %mul3A_403 : vector<16xf32>
        %mul3A_404 = arith.mulf %get3A_18, %max3A : vector<16xf32>
        %broadcast_in_dim3A_405 = vector.shape_cast %xor3A_25 : vector<16xi32> to vector<16x1xi32>
        %gather3A = vector.shape_cast %broadcast_in_dim3A_405 : vector<16x1xi32> to vector<16xi32>
        %gather3A_406 = tpu.dynamic_gather %mul3A_404[%gather3A] in [0] : vector<16xf32>, vector<16xi32> -> vector<16xf32>
        %add3A_407 = arith.addf %mul3A_404, %gather3A_406 : vector<16xf32>
        %broadcast_in_dim3A_408 = vector.shape_cast %xor3A_28 : vector<16xi32> to vector<16x1xi32>
        %gather3A_409 = vector.shape_cast %broadcast_in_dim3A_408 : vector<16x1xi32> to vector<16xi32>
        %gather3A_410 = tpu.dynamic_gather %add3A_407[%gather3A_409] in [0] : vector<16xf32>, vector<16xi32> -> vector<16xf32>
        %add3A_411 = arith.addf %add3A_407, %gather3A_410 : vector<16xf32>
        %broadcast_in_dim3A_412 = vector.shape_cast %xor3A_31 : vector<16xi32> to vector<16x1xi32>
        %gather3A_413 = vector.shape_cast %broadcast_in_dim3A_412 : vector<16x1xi32> to vector<16xi32>
        %gather3A_414 = tpu.dynamic_gather %add3A_411[%gather3A_413] in [0] : vector<16xf32>, vector<16xi32> -> vector<16xf32>
        %add3A_415 = arith.addf %add3A_411, %gather3A_414 : vector<16xf32>
        %broadcast_in_dim3A_416 = vector.shape_cast %xor3A_34 : vector<16xi32> to vector<16x1xi32>
        %gather3A_417 = vector.shape_cast %broadcast_in_dim3A_416 : vector<16x1xi32> to vector<16xi32>
        %gather3A_418 = tpu.dynamic_gather %add3A_415[%gather3A_417] in [0] : vector<16xf32>, vector<16xi32> -> vector<16xf32>
        %add3A_419 = arith.addf %add3A_415, %gather3A_418 : vector<16xf32>
        %exp3A = math.exp %add3A_419 : vector<16xf32>
        %add3A_420 = arith.addf %get3A_395, %select_n3A : vector<16xf32>
        %mul3A_421 = arith.mulf %exp3A, %add3A_420 : vector<16xf32>
        %swap3A_422 = arith.index_cast %scan3A_391 : i32 to index
        %swap3A_423 = arith.constant 0 : index
        %swap3A_424 = tpu.vector_load %arg18[%swap3A_422, %swap3A_423] {strides = array<i32>} : memref<64x128xf32, #tpu.memory_space<vmem>>, vector<1x16xf32>,
        %swap3A_425 = vector.shape_cast %swap3A_424 : vector<1x16xf32> to vector<16xf32>
        %swap3A_426 = vector.shape_cast %mul3A_421 : vector<16xf32> to vector<1x16xf32>
        tpu.vector_store %arg18[%swap3A_422, %swap3A_423], %swap3A_426 {strides = array<i32>} : memref<64x128xf32, #tpu.memory_space<vmem>>, vector<1x16xf32>,
      }
      %scan3A_389 = arith.constant 64 : i32
      %run_scoped3A_390 = arith.constant 0 : i32
      "tpu.region"() ({
        %run_scoped3A_391 = tpu.sem_alloc : memref<!tpu.dma_semaphore, #tpu.memory_space<semaphore_mem>>
        %dma_start3A_392 = arith.constant 0 : i32
        %dma_start3A_393 = tpu.memref_slice %arg13[%run_scoped3A_390, %dma_start3A_392] : memref<1x64xi32, #tpu.memory_space<vmem>> -> memref<1x64xi32, #tpu.memory_space<vmem>>
        %dma_start3A_394 = tpu.memref_squeeze %dma_start3A_393 : memref<1x64xi32, #tpu.memory_space<vmem>> -> memref<64xi32, #tpu.memory_space<vmem>>
        %dma_start3A_395 = arith.constant 0 : i32
        %dma_start3A_396 = arith.constant 0 : i32
        %dma_start3A_397 = tpu.memref_slice %arg20[%dma_start3A_395, %dma_start3A_396] : memref<10240x128xf32, #tpu.memory_space<vmem_shared>> -> memref<10240x128xf32, #tpu.memory_space<vmem_shared>>
        tpu.enqueue_indirect_dma source(%arg18 : memref<64x128xf32, #tpu.memory_space<vmem>>) target(%dma_start3A_397 : memref<10240x128xf32, #tpu.memory_space<vmem_shared>>) offsets(%dma_start3A_394 : memref<64xi32, #tpu.memory_space<vmem>>) semaphore(%run_scoped3A_391 : memref<!tpu.dma_semaphore, #tpu.memory_space<semaphore_mem>>) {add = true}
        %dma_wait3A_398 = arith.constant 0 : i32
        %dma_wait3A_399 = tpu.memref_slice %arg13[%run_scoped3A_390, %dma_wait3A_398] : memref<1x64xi32, #tpu.memory_space<vmem>> -> memref<1x64xi32, #tpu.memory_space<vmem>>
        %dma_wait3A_400 = tpu.memref_squeeze %dma_wait3A_399 : memref<1x64xi32, #tpu.memory_space<vmem>> -> memref<64xi32, #tpu.memory_space<vmem>>
        %dma_wait3A_401 = arith.constant 0 : i32
        %dma_wait3A_402 = arith.constant 0 : i32
        %dma_wait3A_403 = tpu.memref_slice %arg20[%dma_wait3A_401, %dma_wait3A_402] : memref<10240x128xf32, #tpu.memory_space<vmem_shared>> -> memref<10240x128xf32, #tpu.memory_space<vmem_shared>>
        tpu.wait_indirect_dma semaphore(%run_scoped3A_391 : memref<!tpu.dma_semaphore, #tpu.memory_space<semaphore_mem>>) src(%arg18 : memref<64x128xf32, #tpu.memory_space<vmem>>) dst(%dma_wait3A_403 : memref<10240x128xf32, #tpu.memory_space<vmem_shared>>)
        tpu.yield
      }) : () -> ()
    }
    %scan3A_119 = arith.constant 78 : i32
    %dma_wait3A = arith.constant 0 : i32
    %dma_wait3A_120 = arith.constant 0 : i32
    %dma_wait3A_121 = tpu.memref_slice %arg8[%dma_wait3A, %dma_wait3A_120] : memref<1x64xi32, #tpu.memory_space<vmem>> -> memref<1x64xi32, #tpu.memory_space<vmem>>
    %dma_wait3A_122 = tpu.memref_squeeze %dma_wait3A_121 : memref<1x64xi32, #tpu.memory_space<vmem>> -> memref<64xi32, #tpu.memory_space<vmem>>
    %dma_wait3A_123 = arith.constant 0 : i32
    %dma_wait3A_124 = arith.constant 0 : i32
    %dma_wait3A_125 = tpu.memref_slice %arg4[%dma_wait3A_123, %dma_wait3A_124] : memref<10240x128xf32, #tpu.memory_space<hbm>> -> memref<10240x128xf32, #tpu.memory_space<hbm>>
    tpu.wait_indirect_dma semaphore(%arg21 : memref<!tpu.dma_semaphore, #tpu.memory_space<semaphore_mem>>) src(%dma_wait3A_125 : memref<10240x128xf32, #tpu.memory_space<hbm>>) dst(%arg14 : memref<64x128xf32, #tpu.memory_space<vmem>>)
    %dma_wait3A_126 = arith.constant 0 : i32
    %dma_wait3A_127 = arith.constant 0 : i32
    %dma_wait3A_128 = tpu.memref_slice %arg9[%dma_wait3A_126, %dma_wait3A_127] : memref<1x64xi32, #tpu.memory_space<vmem>> -> memref<1x64xi32, #tpu.memory_space<vmem>>
    %dma_wait3A_129 = tpu.memref_squeeze %dma_wait3A_128 : memref<1x64xi32, #tpu.memory_space<vmem>> -> memref<64xi32, #tpu.memory_space<vmem>>
    %dma_wait3A_130 = arith.constant 0 : i32
    %dma_wait3A_131 = arith.constant 0 : i32
    %dma_wait3A_132 = tpu.memref_slice %arg5[%dma_wait3A_130, %dma_wait3A_131] : memref<10240x128xf32, #tpu.memory_space<hbm>> -> memref<10240x128xf32, #tpu.memory_space<hbm>>
    tpu.wait_indirect_dma semaphore(%arg22 : memref<!tpu.dma_semaphore, #tpu.memory_space<semaphore_mem>>) src(%dma_wait3A_132 : memref<10240x128xf32, #tpu.memory_space<hbm>>) dst(%arg15 : memref<64x128xf32, #tpu.memory_space<vmem>>)
    %scan3A_133 = arith.constant 0 : i32
    %scan3A_134 = arith.constant 0 : i32
    %scan3A_135 = arith.constant 64 : i32
    %scan3A_136 = arith.addi %scan3A_134, %scan3A_135 : i32
    %scan3A_137 = arith.constant 1 : i32
    scf.for %scan3A_158 = %scan3A_134 to %scan3A_136 step %scan3A_137  : i32 {
      %get3A_159 = arith.index_cast %scan3A_158 : i32 to index
      %get3A_160 = arith.constant 0 : index
      %get3A_161 = tpu.vector_load %arg14[%get3A_159, %get3A_160] {strides = array<i32>} : memref<64x128xf32, #tpu.memory_space<vmem>>, vector<1x16xf32>,
      %get3A_162 = vector.shape_cast %get3A_161 : vector<1x16xf32> to vector<16xf32>
      %get3A_163 = arith.index_cast %scan3A_158 : i32 to index
      %get3A_164 = arith.constant 0 : index
      %get3A_165 = tpu.vector_load %arg15[%get3A_163, %get3A_164] {strides = array<i32>} : memref<64x128xf32, #tpu.memory_space<vmem>>, vector<1x16xf32>,
      %get3A_166 = vector.shape_cast %get3A_165 : vector<1x16xf32> to vector<16xf32>
      %add3A_167 = arith.addf %get3A_166, %get3A_162 : vector<16xf32>
      %mul3A_168 = arith.constant 2.000000e-01 : f32
      %mul3A_169 = vector.broadcast %mul3A_168 : f32 to vector<16xf32>
      %mul3A_170 = arith.mulf %mul3A_169, %add3A_167 : vector<16xf32>
      %max3A = arith.maximumf %add3A_167, %mul3A_170 : vector<16xf32>
      %mul3A_171 = arith.mulf %get3A_18, %max3A : vector<16xf32>
      %broadcast_in_dim3A_172 = vector.shape_cast %xor3A_25 : vector<16xi32> to vector<16x1xi32>
      %gather3A = vector.shape_cast %broadcast_in_dim3A_172 : vector<16x1xi32> to vector<16xi32>
      %gather3A_173 = tpu.dynamic_gather %mul3A_171[%gather3A] in [0] : vector<16xf32>, vector<16xi32> -> vector<16xf32>
      %add3A_174 = arith.addf %mul3A_171, %gather3A_173 : vector<16xf32>
      %broadcast_in_dim3A_175 = vector.shape_cast %xor3A_28 : vector<16xi32> to vector<16x1xi32>
      %gather3A_176 = vector.shape_cast %broadcast_in_dim3A_175 : vector<16x1xi32> to vector<16xi32>
      %gather3A_177 = tpu.dynamic_gather %add3A_174[%gather3A_176] in [0] : vector<16xf32>, vector<16xi32> -> vector<16xf32>
      %add3A_178 = arith.addf %add3A_174, %gather3A_177 : vector<16xf32>
      %broadcast_in_dim3A_179 = vector.shape_cast %xor3A_31 : vector<16xi32> to vector<16x1xi32>
      %gather3A_180 = vector.shape_cast %broadcast_in_dim3A_179 : vector<16x1xi32> to vector<16xi32>
      %gather3A_181 = tpu.dynamic_gather %add3A_178[%gather3A_180] in [0] : vector<16xf32>, vector<16xi32> -> vector<16xf32>
      %add3A_182 = arith.addf %add3A_178, %gather3A_181 : vector<16xf32>
      %broadcast_in_dim3A_183 = vector.shape_cast %xor3A_34 : vector<16xi32> to vector<16x1xi32>
      %gather3A_184 = vector.shape_cast %broadcast_in_dim3A_183 : vector<16x1xi32> to vector<16xi32>
      %gather3A_185 = tpu.dynamic_gather %add3A_182[%gather3A_184] in [0] : vector<16xf32>, vector<16xi32> -> vector<16xf32>
      %add3A_186 = arith.addf %add3A_182, %gather3A_185 : vector<16xf32>
      %exp3A = math.exp %add3A_186 : vector<16xf32>
      %add3A_187 = arith.addf %get3A_162, %select_n3A : vector<16xf32>
      %mul3A_188 = arith.mulf %exp3A, %add3A_187 : vector<16xf32>
      %swap3A_189 = arith.index_cast %scan3A_158 : i32 to index
      %swap3A_190 = arith.constant 0 : index
      %swap3A_191 = tpu.vector_load %arg18[%swap3A_189, %swap3A_190] {strides = array<i32>} : memref<64x128xf32, #tpu.memory_space<vmem>>, vector<1x16xf32>,
      %swap3A_192 = vector.shape_cast %swap3A_191 : vector<1x16xf32> to vector<16xf32>
      %swap3A_193 = vector.shape_cast %mul3A_188 : vector<16xf32> to vector<1x16xf32>
      tpu.vector_store %arg18[%swap3A_189, %swap3A_190], %swap3A_193 {strides = array<i32>} : memref<64x128xf32, #tpu.memory_space<vmem>>, vector<1x16xf32>,
    }
    %scan3A_138 = arith.constant 64 : i32
    %run_scoped3A = arith.constant 0 : i32
    "tpu.region"() ({
      %run_scoped3A_158 = tpu.sem_alloc : memref<!tpu.dma_semaphore, #tpu.memory_space<semaphore_mem>>
      %dma_start3A_159 = arith.constant 0 : i32
      %dma_start3A_160 = tpu.memref_slice %arg10[%run_scoped3A, %dma_start3A_159] : memref<1x64xi32, #tpu.memory_space<vmem>> -> memref<1x64xi32, #tpu.memory_space<vmem>>
      %dma_start3A_161 = tpu.memref_squeeze %dma_start3A_160 : memref<1x64xi32, #tpu.memory_space<vmem>> -> memref<64xi32, #tpu.memory_space<vmem>>
      %dma_start3A_162 = arith.constant 0 : i32
      %dma_start3A_163 = arith.constant 0 : i32
      %dma_start3A_164 = tpu.memref_slice %arg20[%dma_start3A_162, %dma_start3A_163] : memref<10240x128xf32, #tpu.memory_space<vmem_shared>> -> memref<10240x128xf32, #tpu.memory_space<vmem_shared>>
      tpu.enqueue_indirect_dma source(%arg18 : memref<64x128xf32, #tpu.memory_space<vmem>>) target(%dma_start3A_164 : memref<10240x128xf32, #tpu.memory_space<vmem_shared>>) offsets(%dma_start3A_161 : memref<64xi32, #tpu.memory_space<vmem>>) semaphore(%run_scoped3A_158 : memref<!tpu.dma_semaphore, #tpu.memory_space<semaphore_mem>>) {add = true}
      %dma_wait3A_165 = arith.constant 0 : i32
      %dma_wait3A_166 = tpu.memref_slice %arg10[%run_scoped3A, %dma_wait3A_165] : memref<1x64xi32, #tpu.memory_space<vmem>> -> memref<1x64xi32, #tpu.memory_space<vmem>>
      %dma_wait3A_167 = tpu.memref_squeeze %dma_wait3A_166 : memref<1x64xi32, #tpu.memory_space<vmem>> -> memref<64xi32, #tpu.memory_space<vmem>>
      %dma_wait3A_168 = arith.constant 0 : i32
      %dma_wait3A_169 = arith.constant 0 : i32
      %dma_wait3A_170 = tpu.memref_slice %arg20[%dma_wait3A_168, %dma_wait3A_169] : memref<10240x128xf32, #tpu.memory_space<vmem_shared>> -> memref<10240x128xf32, #tpu.memory_space<vmem_shared>>
      tpu.wait_indirect_dma semaphore(%run_scoped3A_158 : memref<!tpu.dma_semaphore, #tpu.memory_space<semaphore_mem>>) src(%arg18 : memref<64x128xf32, #tpu.memory_space<vmem>>) dst(%dma_wait3A_170 : memref<10240x128xf32, #tpu.memory_space<vmem_shared>>)
      tpu.yield
    }) : () -> ()
    %dma_wait3A_139 = arith.constant 0 : i32
    %dma_wait3A_140 = arith.constant 0 : i32
    %dma_wait3A_141 = arith.constant 0 : i32
    %dma_wait3A_142 = tpu.memref_slice %arg2[%dma_wait3A_139, %dma_wait3A_140, %dma_wait3A_141] : memref<5024x1x64xi32, #tpu.memory_space<hbm>> -> memref<1x1x64xi32, #tpu.memory_space<hbm>>
    %dma_wait3A_143 = tpu.memref_squeeze %dma_wait3A_142 : memref<1x1x64xi32, #tpu.memory_space<hbm>> -> memref<1x64xi32, #tpu.memory_space<hbm>>
    %dma_wait3A_144 = arith.constant 0 : i32
    %dma_wait3A_145 = arith.constant 0 : i32
    %dma_wait3A_146 = tpu.memref_slice %arg2[%dma_wait3A_139, %dma_wait3A_144, %dma_wait3A_145] : memref<5024x1x64xi32, #tpu.memory_space<hbm>> -> memref<1x1x64xi32, #tpu.memory_space<hbm>>
    %dma_wait3A_147 = tpu.memref_squeeze %dma_wait3A_146 : memref<1x1x64xi32, #tpu.memory_space<hbm>> -> memref<1x64xi32, #tpu.memory_space<hbm>>
    tpu.wait_dma2 semaphore(%arg26 : memref<!tpu.dma_semaphore, #tpu.memory_space<semaphore_mem>>) src(%dma_wait3A_147 : memref<1x64xi32, #tpu.memory_space<hbm>>) dst(%arg11 : memref<1x64xi32, #tpu.memory_space<vmem>>)
    %dma_wait3A_148 = arith.constant 0 : i32
    %dma_wait3A_149 = arith.constant 0 : i32
    %dma_wait3A_150 = arith.constant 0 : i32
    %dma_wait3A_151 = tpu.memref_slice %arg3[%dma_wait3A_148, %dma_wait3A_149, %dma_wait3A_150] : memref<5024x1x64xi32, #tpu.memory_space<hbm>> -> memref<1x1x64xi32, #tpu.memory_space<hbm>>
    %dma_wait3A_152 = tpu.memref_squeeze %dma_wait3A_151 : memref<1x1x64xi32, #tpu.memory_space<hbm>> -> memref<1x64xi32, #tpu.memory_space<hbm>>
    %dma_wait3A_153 = arith.constant 0 : i32
    %dma_wait3A_154 = arith.constant 0 : i32
    %dma_wait3A_155 = tpu.memref_slice %arg3[%dma_wait3A_148, %dma_wait3A_153, %dma_wait3A_154] : memref<5024x1x64xi32, #tpu.memory_space<hbm>> -> memref<1x1x64xi32, #tpu.memory_space<hbm>>
    %dma_wait3A_156 = tpu.memref_squeeze %dma_wait3A_155 : memref<1x1x64xi32, #tpu.memory_space<hbm>> -> memref<1x64xi32, #tpu.memory_space<hbm>>
    tpu.wait_dma2 semaphore(%arg26 : memref<!tpu.dma_semaphore, #tpu.memory_space<semaphore_mem>>) src(%dma_wait3A_156 : memref<1x64xi32, #tpu.memory_space<hbm>>) dst(%arg12 : memref<1x64xi32, #tpu.memory_space<vmem>>)
    %barrier3A_157 = arith.constant 0 : index
    tpu.barrier barrier_id(%barrier3A_157)
    "tpu.region"() ({
      %run_scoped3A_158 = tpu.sem_alloc : memref<!tpu.dma_semaphore, #tpu.memory_space<semaphore_mem>>
      %dma_start3A_159 = arith.constant 0 : i32
      %dma_start3A_160 = tpu.memref_slice %arg7[%arg0, %mul3A_2, %dma_start3A_159] : memref<2x10240x128xf32, #tpu.memory_space<hbm>> -> memref<1x640x128xf32, #tpu.memory_space<hbm>>
      %dma_start3A_161 = tpu.memref_squeeze %dma_start3A_160 : memref<1x640x128xf32, #tpu.memory_space<hbm>> -> memref<640x128xf32, #tpu.memory_space<hbm>>
      %dma_start3A_162 = arith.constant 0 : i32
      %dma_start3A_163 = tpu.memref_slice %arg20[%mul3A_2, %dma_start3A_162] : memref<10240x128xf32, #tpu.memory_space<vmem_shared>> -> memref<640x128xf32, #tpu.memory_space<vmem_shared>>
      tpu.enqueue_dma source(%dma_start3A_163 : memref<640x128xf32, #tpu.memory_space<vmem_shared>>) target(%dma_start3A_161 : memref<640x128xf32, #tpu.memory_space<hbm>>) target_semaphore(%run_scoped3A_158 : memref<!tpu.dma_semaphore, #tpu.memory_space<semaphore_mem>>)
      %dma_wait3A_164 = arith.constant 0 : i32
      %dma_wait3A_165 = tpu.memref_slice %arg7[%arg0, %mul3A_2, %dma_wait3A_164] : memref<2x10240x128xf32, #tpu.memory_space<hbm>> -> memref<1x640x128xf32, #tpu.memory_space<hbm>>
      %dma_wait3A_166 = tpu.memref_squeeze %dma_wait3A_165 : memref<1x640x128xf32, #tpu.memory_space<hbm>> -> memref<640x128xf32, #tpu.memory_space<hbm>>
      %dma_wait3A_167 = arith.constant 0 : i32
      %dma_wait3A_168 = tpu.memref_slice %arg20[%mul3A_2, %dma_wait3A_167] : memref<10240x128xf32, #tpu.memory_space<vmem_shared>> -> memref<640x128xf32, #tpu.memory_space<vmem_shared>>
      tpu.wait_dma2 semaphore(%run_scoped3A_158 : memref<!tpu.dma_semaphore, #tpu.memory_space<semaphore_mem>>) src(%dma_wait3A_168 : memref<640x128xf32, #tpu.memory_space<vmem_shared>>) dst(%dma_wait3A_166 : memref<640x128xf32, #tpu.memory_space<hbm>>)
      tpu.yield
    }) : () -> ()
    return
  }
}

module attributes {stable_mosaic.version = 14 : i64} {
  func.func @body(%arg0: i32, %arg1: memref<2000x128xf32, #tpu.memory_space<vmem>>, %arg2: memref<128x128xf32, #tpu.memory_space<vmem>>, %arg3: memref<1x128xf32, #tpu.memory_space<vmem>>, %arg4: memref<128x128xf32, #tpu.memory_space<vmem>>, %arg5: memref<1x128xf32, #tpu.memory_space<vmem>>, %arg6: memref<2000x128xf32, #tpu.memory_space<vmem>>, %arg7: memref<2000x128xf32, #tpu.memory_space<vmem>>) attributes {dimension_semantics = [#tpu.dimension_semantics<arbitrary>], iteration_bounds = array<i64: 5>, scalar_prefetch = 0 : i64, scratch_operands = 0 : i64, tpu.core_type = #tpu.core_type<tc>, window_params = [{transform_indices = @transform_0, window_bounds = array<i64: 2000, 128>}, {pipeline_mode = #tpu.pipeline_mode<synchronous>, transform_indices = @transform_1, window_bounds = array<i64: 128, 128>}, {pipeline_mode = #tpu.pipeline_mode<synchronous>, transform_indices = @transform_2, window_bounds = array<i64: 1, 128>}, {pipeline_mode = #tpu.pipeline_mode<synchronous>, transform_indices = @transform_3, window_bounds = array<i64: 128, 128>}, {pipeline_mode = #tpu.pipeline_mode<synchronous>, transform_indices = @transform_4, window_bounds = array<i64: 1, 128>}, {transform_indices = @transform_5, window_bounds = array<i64: 2000, 128>}, {transform_indices = @transform_6, window_bounds = array<i64: 2000, 128>}]} {
    %get3A = arith.constant 0 : index
    %get3A_0 = arith.constant 0 : index
    %get3A_1 = vector.load %arg1[%get3A, %get3A_0] : memref<2000x128xf32, #tpu.memory_space<vmem>>, vector<2000x128xf32>
    %get3A_2 = arith.constant 0 : index
    %get3A_3 = arith.constant 0 : index
    %get3A_4 = vector.load %arg2[%get3A_2, %get3A_3] : memref<128x128xf32, #tpu.memory_space<vmem>>, vector<128x128xf32>
    %dot_general3A = arith.constant dense<0.000000e+00> : vector<2000x128xf32>
    %dot_general3A_5 = tpu.matmul %get3A_1, %get3A_4, %dot_general3A {dimension_numbers = #tpu.dot_dimension_numbers<[1], [0], [0], [1], [0, 0, 1, 1], [], []>, precision = #tpu.contract_precision<fp32>, transpose_lhs_hint = false} : vector<2000x128xf32>, vector<128x128xf32>, vector<2000x128xf32> -> vector<2000x128xf32>
    %get3A_6 = arith.constant 0 : index
    %get3A_7 = arith.constant 0 : index
    %get3A_8 = vector.load %arg3[%get3A_6, %get3A_7] : memref<1x128xf32, #tpu.memory_space<vmem>>, vector<1x128xf32>
    %add3A = vector.broadcast %get3A_8 : vector<1x128xf32> to vector<2000x128xf32>
    %add3A_9 = arith.addf %dot_general3A_5, %add3A : vector<2000x128xf32>
    %swap3A = arith.constant 0 : index
    %swap3A_10 = arith.constant 0 : index
    %swap3A_11 = vector.load %arg6[%swap3A, %swap3A_10] : memref<2000x128xf32, #tpu.memory_space<vmem>>, vector<2000x128xf32>
    tpu.vector_store %arg6[%swap3A, %swap3A_10], %add3A_9 {strides = array<i32>} : memref<2000x128xf32, #tpu.memory_space<vmem>>, vector<2000x128xf32>,
    %get3A_12 = arith.constant 0 : index
    %get3A_13 = arith.constant 0 : index
    %get3A_14 = vector.load %arg4[%get3A_12, %get3A_13] : memref<128x128xf32, #tpu.memory_space<vmem>>, vector<128x128xf32>
    %dot_general3A_15 = arith.constant dense<0.000000e+00> : vector<2000x128xf32>
    %dot_general3A_16 = tpu.matmul %get3A_1, %get3A_14, %dot_general3A_15 {dimension_numbers = #tpu.dot_dimension_numbers<[1], [0], [0], [1], [0, 0, 1, 1], [], []>, precision = #tpu.contract_precision<fp32>, transpose_lhs_hint = false} : vector<2000x128xf32>, vector<128x128xf32>, vector<2000x128xf32> -> vector<2000x128xf32>
    %get3A_17 = arith.constant 0 : index
    %get3A_18 = arith.constant 0 : index
    %get3A_19 = vector.load %arg5[%get3A_17, %get3A_18] : memref<1x128xf32, #tpu.memory_space<vmem>>, vector<1x128xf32>
    %add3A_20 = vector.broadcast %get3A_19 : vector<1x128xf32> to vector<2000x128xf32>
    %add3A_21 = arith.addf %dot_general3A_16, %add3A_20 : vector<2000x128xf32>
    %swap3A_22 = arith.constant 0 : index
    %swap3A_23 = arith.constant 0 : index
    %swap3A_24 = vector.load %arg7[%swap3A_22, %swap3A_23] : memref<2000x128xf32, #tpu.memory_space<vmem>>, vector<2000x128xf32>
    tpu.vector_store %arg7[%swap3A_22, %swap3A_23], %add3A_21 {strides = array<i32>} : memref<2000x128xf32, #tpu.memory_space<vmem>>, vector<2000x128xf32>,
    return
  }
  func.func @transform_0(%arg0: i32) -> (i32, i32) {
    %c0_i32 = arith.constant 0 : i32
    %c0_i32_0 = arith.constant 0 : i32
    return %arg0, %c0_i32 : i32, i32
  }
  func.func @transform_1(%arg0: i32) -> (i32, i32) {
    %c0_i32 = arith.constant 0 : i32
    %c0_i32_0 = arith.constant 0 : i32
    %c0_i32_1 = arith.constant 0 : i32
    return %c0_i32, %c0_i32_0 : i32, i32
  }
  func.func @transform_2(%arg0: i32) -> (i32, i32) {
    %c0_i32 = arith.constant 0 : i32
    %c0_i32_0 = arith.constant 0 : i32
    %c0_i32_1 = arith.constant 0 : i32
    return %c0_i32, %c0_i32_0 : i32, i32
  }
  func.func @transform_3(%arg0: i32) -> (i32, i32) {
    %c0_i32 = arith.constant 0 : i32
    %c0_i32_0 = arith.constant 0 : i32
    %c0_i32_1 = arith.constant 0 : i32
    return %c0_i32, %c0_i32_0 : i32, i32
  }
  func.func @transform_4(%arg0: i32) -> (i32, i32) {
    %c0_i32 = arith.constant 0 : i32
    %c0_i32_0 = arith.constant 0 : i32
    %c0_i32_1 = arith.constant 0 : i32
    return %c0_i32, %c0_i32_0 : i32, i32
  }
  func.func @transform_5(%arg0: i32) -> (i32, i32) {
    %c0_i32 = arith.constant 0 : i32
    %c0_i32_0 = arith.constant 0 : i32
    return %arg0, %c0_i32 : i32, i32
  }
  func.func @transform_6(%arg0: i32) -> (i32, i32) {
    %c0_i32 = arith.constant 0 : i32
    %c0_i32_0 = arith.constant 0 : i32
    return %arg0, %c0_i32 : i32, i32
  }
}

module attributes {stable_mosaic.version = 14 : i64} {
  func.func @body(%arg0: i32, %arg1: memref<2x2048x128xf32, #tpu.memory_space<vmem>>, %arg2: memref<1x128xf32, #tpu.memory_space<vmem>>, %arg3: memref<128x128xf32, #tpu.memory_space<vmem>>, %arg4: memref<1x128xf32, #tpu.memory_space<vmem>>, %arg5: memref<128x128xf32, #tpu.memory_space<vmem>>, %arg6: memref<1x128xf32, #tpu.memory_space<vmem>>, %arg7: memref<2048x128xf32, #tpu.memory_space<vmem>>, %arg8: memref<2048x128xf32, #tpu.memory_space<vmem>>) attributes {dimension_semantics = [#tpu.dimension_semantics<arbitrary>], iteration_bounds = array<i64: 5>, scalar_prefetch = 0 : i64, scratch_operands = 0 : i64, tpu.core_type = #tpu.core_type<tc>, window_params = [{transform_indices = @transform_0, window_bounds = array<i64: 2, 2048, 128>}, {pipeline_mode = #tpu.pipeline_mode<synchronous>, transform_indices = @transform_1, window_bounds = array<i64: 1, 128>}, {pipeline_mode = #tpu.pipeline_mode<synchronous>, transform_indices = @transform_2, window_bounds = array<i64: 128, 128>}, {pipeline_mode = #tpu.pipeline_mode<synchronous>, transform_indices = @transform_3, window_bounds = array<i64: 1, 128>}, {pipeline_mode = #tpu.pipeline_mode<synchronous>, transform_indices = @transform_4, window_bounds = array<i64: 128, 128>}, {pipeline_mode = #tpu.pipeline_mode<synchronous>, transform_indices = @transform_5, window_bounds = array<i64: 1, 128>}, {transform_indices = @transform_6, window_bounds = array<i64: 2048, 128>}, {transform_indices = @transform_7, window_bounds = array<i64: 2048, 128>}]} {
    %get3A = arith.constant 0 : index
    %get3A_0 = arith.constant 0 : index
    %get3A_1 = arith.constant 0 : index
    %get3A_2 = vector.load %arg1[%get3A, %get3A_0, %get3A_1] : memref<2x2048x128xf32, #tpu.memory_space<vmem>>, vector<1x2048x128xf32>
    %get3A_3 = vector.shape_cast %get3A_2 : vector<1x2048x128xf32> to vector<2048x128xf32>
    %get3A_4 = arith.constant 1 : index
    %get3A_5 = arith.constant 0 : index
    %get3A_6 = arith.constant 0 : index
    %get3A_7 = vector.load %arg1[%get3A_4, %get3A_5, %get3A_6] : memref<2x2048x128xf32, #tpu.memory_space<vmem>>, vector<1x2048x128xf32>
    %get3A_8 = vector.shape_cast %get3A_7 : vector<1x2048x128xf32> to vector<2048x128xf32>
    %slice3A = vector.extract_strided_slice %get3A_3 {offsets = [0, 0], sizes = [2048, 64], strides = [1, 1]} : vector<2048x128xf32> to vector<2048x64xf32>
    %slice3A_9 = vector.extract_strided_slice %get3A_8 {offsets = [0, 0], sizes = [2048, 64], strides = [1, 1]} : vector<2048x128xf32> to vector<2048x64xf32>
    %concatenate3A = tpu.concatenate %slice3A, %slice3A_9 in 1 : vector<2048x64xf32>, vector<2048x64xf32> -> vector<2048x128xf32>
    %slice3A_10 = vector.extract_strided_slice %get3A_3 {offsets = [0, 64], sizes = [2048, 1], strides = [1, 1]} : vector<2048x128xf32> to vector<2048x1xf32>
    %broadcast_in_dim3A = vector.shape_cast %slice3A_10 : vector<2048x1xf32> to vector<2048x1xf32>
    %broadcast_in_dim3A_11 = vector.broadcast %broadcast_in_dim3A : vector<2048x1xf32> to vector<2048x128xf32>
    %slice3A_12 = vector.extract_strided_slice %get3A_8 {offsets = [0, 64], sizes = [2048, 1], strides = [1, 1]} : vector<2048x128xf32> to vector<2048x1xf32>
    %broadcast_in_dim3A_13 = vector.shape_cast %slice3A_12 : vector<2048x1xf32> to vector<2048x1xf32>
    %broadcast_in_dim3A_14 = vector.broadcast %broadcast_in_dim3A_13 : vector<2048x1xf32> to vector<2048x128xf32>
    %iota3A = tpu.iota {dimensions = array<i32: 1>} : vector<2048x128xi32>
    %lt3A = arith.constant 64 : i32
    %lt3A_15 = vector.broadcast %lt3A : i32 to vector<2048x128xi32>
    %lt3A_16 = arith.cmpi slt, %iota3A, %lt3A_15 : vector<2048x128xi32>
    %select_n3A = arith.select %lt3A_16, %broadcast_in_dim3A_11, %broadcast_in_dim3A_14 : vector<2048x128xi1>, vector<2048x128xf32>
    %max3A = arith.constant 1.000000e-16 : f32
    %max3A_17 = vector.broadcast %max3A : f32 to vector<2048x128xf32>
    %max3A_18 = arith.maximumf %select_n3A, %max3A_17 : vector<2048x128xf32>
    %div3A = arith.divf %concatenate3A, %max3A_18 : vector<2048x128xf32>
    %get3A_19 = arith.constant 0 : index
    %get3A_20 = arith.constant 0 : index
    %get3A_21 = vector.load %arg2[%get3A_19, %get3A_20] : memref<1x128xf32, #tpu.memory_space<vmem>>, vector<1x128xf32>
    %add3A = vector.broadcast %get3A_21 : vector<1x128xf32> to vector<2048x128xf32>
    %add3A_22 = arith.addf %div3A, %add3A : vector<2048x128xf32>
    %min3A = arith.constant 0.000000e+00 : f32
    %min3A_23 = vector.broadcast %min3A : f32 to vector<2048x128xf32>
    %min3A_24 = arith.minimumf %add3A_22, %min3A_23 : vector<2048x128xf32>
    %div3A_25 = arith.constant 1.200000e+02 : f32
    %div3A_26 = vector.broadcast %div3A_25 : f32 to vector<2048x128xf32>
    %div3A_27 = arith.divf %min3A_24, %div3A_26 : vector<2048x128xf32>
    %add3A_28 = arith.constant 0.0416666679 : f32
    %add3A_29 = vector.broadcast %add3A_28 : f32 to vector<2048x128xf32>
    %add3A_30 = arith.addf %add3A_29, %div3A_27 : vector<2048x128xf32>
    %mul3A = arith.mulf %min3A_24, %add3A_30 : vector<2048x128xf32>
    %add3A_31 = arith.constant 0.166666672 : f32
    %add3A_32 = vector.broadcast %add3A_31 : f32 to vector<2048x128xf32>
    %add3A_33 = arith.addf %add3A_32, %mul3A : vector<2048x128xf32>
    %mul3A_34 = arith.mulf %min3A_24, %add3A_33 : vector<2048x128xf32>
    %add3A_35 = arith.constant 5.000000e-01 : f32
    %add3A_36 = vector.broadcast %add3A_35 : f32 to vector<2048x128xf32>
    %add3A_37 = arith.addf %add3A_36, %mul3A_34 : vector<2048x128xf32>
    %mul3A_38 = arith.mulf %min3A_24, %add3A_37 : vector<2048x128xf32>
    %add3A_39 = arith.constant 1.000000e+00 : f32
    %add3A_40 = vector.broadcast %add3A_39 : f32 to vector<2048x128xf32>
    %add3A_41 = arith.addf %add3A_40, %mul3A_38 : vector<2048x128xf32>
    %mul3A_42 = arith.mulf %min3A_24, %add3A_41 : vector<2048x128xf32>
    %gt3A = arith.constant 0.000000e+00 : f32
    %gt3A_43 = vector.broadcast %gt3A : f32 to vector<2048x128xf32>
    %gt3A_44 = arith.cmpf ogt, %add3A_22, %gt3A_43 : vector<2048x128xf32>
    %gt3A_45 = arith.constant -1.250000e-01 : f32
    %gt3A_46 = vector.broadcast %gt3A_45 : f32 to vector<2048x128xf32>
    %gt3A_47 = arith.cmpf ogt, %min3A_24, %gt3A_46 : vector<2048x128xf32>
    %exp3A = math.exp %min3A_24 : vector<2048x128xf32>
    %sub3A = arith.constant 1.000000e+00 : f32
    %sub3A_48 = vector.broadcast %sub3A : f32 to vector<2048x128xf32>
    %sub3A_49 = arith.subf %exp3A, %sub3A_48 : vector<2048x128xf32>
    %select_n3A_50 = arith.select %gt3A_47, %mul3A_42, %sub3A_49 : vector<2048x128xi1>, vector<2048x128xf32>
    %select_n3A_51 = arith.select %gt3A_44, %add3A_22, %select_n3A_50 : vector<2048x128xi1>, vector<2048x128xf32>
    %get3A_52 = arith.constant 0 : index
    %get3A_53 = arith.constant 0 : index
    %get3A_54 = vector.load %arg3[%get3A_52, %get3A_53] : memref<128x128xf32, #tpu.memory_space<vmem>>, vector<128x128xf32>
    %dot_general3A = arith.constant dense<0.000000e+00> : vector<2048x128xf32>
    %dot_general3A_55 = tpu.matmul %select_n3A_51, %get3A_54, %dot_general3A {dimension_numbers = #tpu.dot_dimension_numbers<[1], [0], [0], [1], [0, 0, 1, 1], [], []>, precision = #tpu.contract_precision<fp32>, transpose_lhs_hint = false} : vector<2048x128xf32>, vector<128x128xf32>, vector<2048x128xf32> -> vector<2048x128xf32>
    %get3A_56 = arith.constant 0 : index
    %get3A_57 = arith.constant 0 : index
    %get3A_58 = vector.load %arg4[%get3A_56, %get3A_57] : memref<1x128xf32, #tpu.memory_space<vmem>>, vector<1x128xf32>
    %add3A_59 = vector.broadcast %get3A_58 : vector<1x128xf32> to vector<2048x128xf32>
    %add3A_60 = arith.addf %dot_general3A_55, %add3A_59 : vector<2048x128xf32>
    %swap3A = arith.constant 0 : index
    %swap3A_61 = arith.constant 0 : index
    %swap3A_62 = vector.load %arg7[%swap3A, %swap3A_61] : memref<2048x128xf32, #tpu.memory_space<vmem>>, vector<2048x128xf32>
    tpu.vector_store %arg7[%swap3A, %swap3A_61], %add3A_60 {strides = array<i32>} : memref<2048x128xf32, #tpu.memory_space<vmem>>, vector<2048x128xf32>,
    %get3A_63 = arith.constant 0 : index
    %get3A_64 = arith.constant 0 : index
    %get3A_65 = vector.load %arg5[%get3A_63, %get3A_64] : memref<128x128xf32, #tpu.memory_space<vmem>>, vector<128x128xf32>
    %dot_general3A_66 = arith.constant dense<0.000000e+00> : vector<2048x128xf32>
    %dot_general3A_67 = tpu.matmul %select_n3A_51, %get3A_65, %dot_general3A_66 {dimension_numbers = #tpu.dot_dimension_numbers<[1], [0], [0], [1], [0, 0, 1, 1], [], []>, precision = #tpu.contract_precision<fp32>, transpose_lhs_hint = false} : vector<2048x128xf32>, vector<128x128xf32>, vector<2048x128xf32> -> vector<2048x128xf32>
    %get3A_68 = arith.constant 0 : index
    %get3A_69 = arith.constant 0 : index
    %get3A_70 = vector.load %arg6[%get3A_68, %get3A_69] : memref<1x128xf32, #tpu.memory_space<vmem>>, vector<1x128xf32>
    %add3A_71 = vector.broadcast %get3A_70 : vector<1x128xf32> to vector<2048x128xf32>
    %add3A_72 = arith.addf %dot_general3A_67, %add3A_71 : vector<2048x128xf32>
    %swap3A_73 = arith.constant 0 : index
    %swap3A_74 = arith.constant 0 : index
    %swap3A_75 = vector.load %arg8[%swap3A_73, %swap3A_74] : memref<2048x128xf32, #tpu.memory_space<vmem>>, vector<2048x128xf32>
    tpu.vector_store %arg8[%swap3A_73, %swap3A_74], %add3A_72 {strides = array<i32>} : memref<2048x128xf32, #tpu.memory_space<vmem>>, vector<2048x128xf32>,
    return
  }
  func.func @transform_0(%arg0: i32) -> (i32, i32, i32) {
    %c0_i32 = arith.constant 0 : i32
    %c0_i32_0 = arith.constant 0 : i32
    %c0_i32_1 = arith.constant 0 : i32
    return %c0_i32, %arg0, %c0_i32_0 : i32, i32, i32
  }
  func.func @transform_1(%arg0: i32) -> (i32, i32) {
    %c0_i32 = arith.constant 0 : i32
    %c0_i32_0 = arith.constant 0 : i32
    %c0_i32_1 = arith.constant 0 : i32
    return %c0_i32, %c0_i32_0 : i32, i32
  }
  func.func @transform_2(%arg0: i32) -> (i32, i32) {
    %c0_i32 = arith.constant 0 : i32
    %c0_i32_0 = arith.constant 0 : i32
    %c0_i32_1 = arith.constant 0 : i32
    return %c0_i32, %c0_i32_0 : i32, i32
  }
  func.func @transform_3(%arg0: i32) -> (i32, i32) {
    %c0_i32 = arith.constant 0 : i32
    %c0_i32_0 = arith.constant 0 : i32
    %c0_i32_1 = arith.constant 0 : i32
    return %c0_i32, %c0_i32_0 : i32, i32
  }
  func.func @transform_4(%arg0: i32) -> (i32, i32) {
    %c0_i32 = arith.constant 0 : i32
    %c0_i32_0 = arith.constant 0 : i32
    %c0_i32_1 = arith.constant 0 : i32
    return %c0_i32, %c0_i32_0 : i32, i32
  }
  func.func @transform_5(%arg0: i32) -> (i32, i32) {
    %c0_i32 = arith.constant 0 : i32
    %c0_i32_0 = arith.constant 0 : i32
    %c0_i32_1 = arith.constant 0 : i32
    return %c0_i32, %c0_i32_0 : i32, i32
  }
  func.func @transform_6(%arg0: i32) -> (i32, i32) {
    %c0_i32 = arith.constant 0 : i32
    %c0_i32_0 = arith.constant 0 : i32
    return %arg0, %c0_i32 : i32, i32
  }
  func.func @transform_7(%arg0: i32) -> (i32, i32) {
    %c0_i32 = arith.constant 0 : i32
    %c0_i32_0 = arith.constant 0 : i32
    return %arg0, %c0_i32 : i32, i32
  }
}

module attributes {stable_mosaic.version = 14 : i64} {
  func.func @body(%arg0: i32, %arg1: memref<2x10000x128xf32, #tpu.memory_space<vmem>>, %arg2: memref<1x16xf32, #tpu.memory_space<vmem>>, %arg3: memref<16x64xf32, #tpu.memory_space<vmem>>, %arg4: memref<1x64xf32, #tpu.memory_space<vmem>>, %arg5: memref<64x3xf32, #tpu.memory_space<vmem>>, %arg6: memref<1x3xf32, #tpu.memory_space<vmem>>, %arg7: memref<10000x1xi32, #tpu.memory_space<vmem>>, %arg8: memref<64x3xf32, #tpu.memory_space<vmem>>) attributes {dimension_semantics = [#tpu.dimension_semantics<arbitrary>], iteration_bounds = array<i64: 1>, scalar_prefetch = 0 : i64, scratch_operands = 0 : i64, tpu.core_type = #tpu.core_type<tc>, window_params = [{transform_indices = @transform_0, window_bounds = array<i64: 2, 10000, 128>}, {pipeline_mode = #tpu.pipeline_mode<synchronous>, transform_indices = @transform_1, window_bounds = array<i64: 1, 16>}, {pipeline_mode = #tpu.pipeline_mode<synchronous>, transform_indices = @transform_2, window_bounds = array<i64: 16, 64>}, {pipeline_mode = #tpu.pipeline_mode<synchronous>, transform_indices = @transform_3, window_bounds = array<i64: 1, 64>}, {pipeline_mode = #tpu.pipeline_mode<synchronous>, transform_indices = @transform_4, window_bounds = array<i64: 64, 3>}, {pipeline_mode = #tpu.pipeline_mode<synchronous>, transform_indices = @transform_5, window_bounds = array<i64: 1, 3>}, {pipeline_mode = #tpu.pipeline_mode<synchronous>, transform_indices = @transform_6, window_bounds = array<i64: 10000, 1>}, {pipeline_mode = #tpu.pipeline_mode<synchronous>, transform_indices = @transform_7, window_bounds = array<i64: 64, 3>}]} {
    %get3A = arith.constant 0 : index
    %get3A_0 = arith.constant 0 : index
    %get3A_1 = arith.constant 0 : index
    %get3A_2 = vector.load %arg1[%get3A, %get3A_0, %get3A_1] : memref<2x10000x128xf32, #tpu.memory_space<vmem>>, vector<1x10000x128xf32>
    %get3A_3 = vector.shape_cast %get3A_2 : vector<1x10000x128xf32> to vector<10000x128xf32>
    %get3A_4 = arith.constant 1 : index
    %get3A_5 = arith.constant 0 : index
    %get3A_6 = arith.constant 0 : index
    %get3A_7 = vector.load %arg1[%get3A_4, %get3A_5, %get3A_6] : memref<2x10000x128xf32, #tpu.memory_space<vmem>>, vector<1x10000x128xf32>
    %get3A_8 = vector.shape_cast %get3A_7 : vector<1x10000x128xf32> to vector<10000x128xf32>
    %add3A = arith.addf %get3A_3, %get3A_8 : vector<10000x128xf32>
    %slice3A = vector.extract_strided_slice %add3A {offsets = [0, 0], sizes = [10000, 16], strides = [1, 1]} : vector<10000x128xf32> to vector<10000x16xf32>
    %slice3A_9 = vector.extract_strided_slice %slice3A {offsets = [0, 3], sizes = [10000, 1], strides = [1, 1]} : vector<10000x16xf32> to vector<10000x1xf32>
    %max3A = arith.constant 1.000000e-16 : f32
    %max3A_10 = vector.broadcast %max3A : f32 to vector<10000x1xf32>
    %max3A_11 = arith.maximumf %slice3A_9, %max3A_10 : vector<10000x1xf32>
    %iota3A = tpu.iota {dimensions = array<i32: 1>} : vector<10000x16xi32>
    %lt3A = arith.constant 3 : i32
    %lt3A_12 = vector.broadcast %lt3A : i32 to vector<10000x16xi32>
    %lt3A_13 = arith.cmpi slt, %iota3A, %lt3A_12 : vector<10000x16xi32>
    %div3A = vector.broadcast %max3A_11 : vector<10000x1xf32> to vector<10000x16xf32>
    %div3A_14 = arith.divf %slice3A, %div3A : vector<10000x16xf32>
    %get3A_15 = arith.constant 0 : index
    %get3A_16 = arith.constant 0 : index
    %get3A_17 = vector.load %arg2[%get3A_15, %get3A_16] : memref<1x16xf32, #tpu.memory_space<vmem>>, vector<1x16xf32>
    %add3A_18 = vector.broadcast %get3A_17 : vector<1x16xf32> to vector<10000x16xf32>
    %add3A_19 = arith.addf %div3A_14, %add3A_18 : vector<10000x16xf32>
    %eq3A = arith.constant 3 : i32
    %eq3A_20 = vector.broadcast %eq3A : i32 to vector<10000x16xi32>
    %eq3A_21 = arith.cmpi eq, %iota3A, %eq3A_20 : vector<10000x16xi32>
    %jit3A = arith.constant 1.000000e+00 : f32
    %jit3A_22 = arith.constant 0.000000e+00 : f32
    %broadcast_in_dim3A = vector.broadcast %jit3A : f32 to vector<10000x16xf32>
    %broadcast_in_dim3A_23 = vector.broadcast %jit3A_22 : f32 to vector<10000x16xf32>
    %select_n3A = arith.select %eq3A_21, %broadcast_in_dim3A, %broadcast_in_dim3A_23 : vector<10000x16xi1>, vector<10000x16xf32>
    %select_n3A_24 = arith.select %lt3A_13, %add3A_19, %select_n3A : vector<10000x16xi1>, vector<10000x16xf32>
    %iota3A_25 = tpu.iota {dimensions = array<i32: 1>} : vector<10000x64xi32>
    %get3A_26 = arith.constant 0 : index
    %get3A_27 = arith.constant 0 : index
    %get3A_28 = vector.load %arg7[%get3A_26, %get3A_27] : memref<10000x1xi32, #tpu.memory_space<vmem>>, vector<10000x1xi32>
    %eq3A_29 = vector.broadcast %get3A_28 : vector<10000x1xi32> to vector<10000x64xi32>
    %eq3A_30 = arith.cmpi eq, %eq3A_29, %iota3A_25 : vector<10000x64xi32>
    %convert_element_type3A = arith.extui %eq3A_30 : vector<10000x64xi1> to vector<10000x64xi32>
    %convert_element_type3A_31 = arith.sitofp %convert_element_type3A : vector<10000x64xi32> to vector<10000x64xf32>
    %dot_general3A = arith.constant dense<0.000000e+00> : vector<64x16xf32>
    %dot_general3A_32 = tpu.matmul %convert_element_type3A_31, %select_n3A_24, %dot_general3A {dimension_numbers = #tpu.dot_dimension_numbers<[0], [0], [1], [1], [0, 1, 1, 1], [], []>, precision = #tpu.contract_precision<fp32>, transpose_lhs_hint = false} : vector<10000x64xf32>, vector<10000x16xf32>, vector<64x16xf32> -> vector<64x16xf32>
    %slice3A_33 = vector.extract_strided_slice %dot_general3A_32 {offsets = [0, 3], sizes = [64, 1], strides = [1, 1]} : vector<64x16xf32> to vector<64x1xf32>
    %max3A_34 = arith.constant 1.000000e+00 : f32
    %max3A_35 = vector.broadcast %max3A_34 : f32 to vector<64x1xf32>
    %max3A_36 = arith.maximumf %slice3A_33, %max3A_35 : vector<64x1xf32>
    %div3A_37 = vector.broadcast %max3A_36 : vector<64x1xf32> to vector<64x16xf32>
    %div3A_38 = arith.divf %dot_general3A_32, %div3A_37 : vector<64x16xf32>
    %get3A_39 = arith.constant 0 : index
    %get3A_40 = arith.constant 0 : index
    %get3A_41 = vector.load %arg3[%get3A_39, %get3A_40] : memref<16x64xf32, #tpu.memory_space<vmem>>, vector<16x64xf32>
    %dot_general3A_42 = arith.constant dense<0.000000e+00> : vector<64x64xf32>
    %dot_general3A_43 = tpu.matmul %div3A_38, %get3A_41, %dot_general3A_42 {dimension_numbers = #tpu.dot_dimension_numbers<[1], [0], [0], [1], [0, 0, 1, 1], [], []>, precision = #tpu.contract_precision<fp32>, transpose_lhs_hint = false} : vector<64x16xf32>, vector<16x64xf32>, vector<64x64xf32> -> vector<64x64xf32>
    %get3A_44 = arith.constant 0 : index
    %get3A_45 = arith.constant 0 : index
    %get3A_46 = vector.load %arg4[%get3A_44, %get3A_45] : memref<1x64xf32, #tpu.memory_space<vmem>>, vector<1x64xf32>
    %add3A_47 = vector.broadcast %get3A_46 : vector<1x64xf32> to vector<64x64xf32>
    %add3A_48 = arith.addf %dot_general3A_43, %add3A_47 : vector<64x64xf32>
    %max3A_49 = arith.constant 0.000000e+00 : f32
    %max3A_50 = vector.broadcast %max3A_49 : f32 to vector<64x64xf32>
    %max3A_51 = arith.maximumf %add3A_48, %max3A_50 : vector<64x64xf32>
    %get3A_52 = arith.constant 0 : index
    %get3A_53 = arith.constant 0 : index
    %get3A_54 = vector.load %arg5[%get3A_52, %get3A_53] : memref<64x3xf32, #tpu.memory_space<vmem>>, vector<64x3xf32>
    %dot_general3A_55 = arith.constant dense<0.000000e+00> : vector<64x3xf32>
    %dot_general3A_56 = tpu.matmul %max3A_51, %get3A_54, %dot_general3A_55 {dimension_numbers = #tpu.dot_dimension_numbers<[1], [0], [0], [1], [0, 0, 1, 1], [], []>, precision = #tpu.contract_precision<fp32>, transpose_lhs_hint = false} : vector<64x64xf32>, vector<64x3xf32>, vector<64x3xf32> -> vector<64x3xf32>
    %get3A_57 = arith.constant 0 : index
    %get3A_58 = arith.constant 0 : index
    %get3A_59 = vector.load %arg6[%get3A_57, %get3A_58] : memref<1x3xf32, #tpu.memory_space<vmem>>, vector<1x3xf32>
    %add3A_60 = vector.broadcast %get3A_59 : vector<1x3xf32> to vector<64x3xf32>
    %add3A_61 = arith.addf %dot_general3A_56, %add3A_60 : vector<64x3xf32>
    %swap3A = arith.constant 0 : index
    %swap3A_62 = arith.constant 0 : index
    %swap3A_63 = vector.load %arg8[%swap3A, %swap3A_62] : memref<64x3xf32, #tpu.memory_space<vmem>>, vector<64x3xf32>
    tpu.vector_store %arg8[%swap3A, %swap3A_62], %add3A_61 {strides = array<i32>} : memref<64x3xf32, #tpu.memory_space<vmem>>, vector<64x3xf32>,
    return
  }
  func.func @transform_0(%arg0: i32) -> (i32, i32, i32) {
    %c0_i32 = arith.constant 0 : i32
    %c0_i32_0 = arith.constant 0 : i32
    %c0_i32_1 = arith.constant 0 : i32
    %c0_i32_2 = arith.constant 0 : i32
    return %c0_i32, %c0_i32_0, %c0_i32_1 : i32, i32, i32
  }
  func.func @transform_1(%arg0: i32) -> (i32, i32) {
    %c0_i32 = arith.constant 0 : i32
    %c0_i32_0 = arith.constant 0 : i32
    %c0_i32_1 = arith.constant 0 : i32
    return %c0_i32, %c0_i32_0 : i32, i32
  }
  func.func @transform_2(%arg0: i32) -> (i32, i32) {
    %c0_i32 = arith.constant 0 : i32
    %c0_i32_0 = arith.constant 0 : i32
    %c0_i32_1 = arith.constant 0 : i32
    return %c0_i32, %c0_i32_0 : i32, i32
  }
  func.func @transform_3(%arg0: i32) -> (i32, i32) {
    %c0_i32 = arith.constant 0 : i32
    %c0_i32_0 = arith.constant 0 : i32
    %c0_i32_1 = arith.constant 0 : i32
    return %c0_i32, %c0_i32_0 : i32, i32
  }
  func.func @transform_4(%arg0: i32) -> (i32, i32) {
    %c0_i32 = arith.constant 0 : i32
    %c0_i32_0 = arith.constant 0 : i32
    %c0_i32_1 = arith.constant 0 : i32
    return %c0_i32, %c0_i32_0 : i32, i32
  }
  func.func @transform_5(%arg0: i32) -> (i32, i32) {
    %c0_i32 = arith.constant 0 : i32
    %c0_i32_0 = arith.constant 0 : i32
    %c0_i32_1 = arith.constant 0 : i32
    return %c0_i32, %c0_i32_0 : i32, i32
  }
  func.func @transform_6(%arg0: i32) -> (i32, i32) {
    %c0_i32 = arith.constant 0 : i32
    %c0_i32_0 = arith.constant 0 : i32
    %c0_i32_1 = arith.constant 0 : i32
    return %c0_i32, %c0_i32_0 : i32, i32
  }
  func.func @transform_7(%arg0: i32) -> (i32, i32) {
    %c0_i32 = arith.constant 0 : i32
    %c0_i32_0 = arith.constant 0 : i32
    %c0_i32_1 = arith.constant 0 : i32
    return %c0_i32, %c0_i32_0 : i32, i32
  }
}

</mosaic_0001>

<sc_bundles>
// kernel: kernel.10.cloned.1.call-start
scs
__scs_entry_jumppad:
0x0: {  	(pc) =	sbr.rel $0x88, $3  }
0x1: {  	(tag) =	ssettag $0x0;
	lr =	simm.s32 $0x1  }
0x2: {  	[smem:$0x3F8E] =	sst lr;
	_ =	strace $0xD0000000  }
0x3: {  	_ = 	snop  }
0x4: {  	_ = 	snop  }
0x5: {  	_ = 	snop  }
0x6: {  	_ = 	snop  }
0x7: {  	_ = 	snop  }
__scs_overlays_trampoline_lowered:
0x8: {  	[smem:$0x3F9D] =	sst s0  }
0x9: {  	[smem:$0x3F9E] =	sst s1  }
0xa: {  	[smem:$0x3F9F] =	sst s2  }
0xb: {  	[smem:$0x3FA0] =	sst s3  }
0xc: {  	[smem:$0x3FA1] =	sst s4  }
0xd: {  	[smem:$0x3FA2] =	sst s5  }
0xe: {  	[smem:$0x3FA3] =	sst s6  }
0xf: {  	[smem:$0x3FA4] =	sst s7  }
0x10: {  	[smem:$0x3FA5] =	sst s8  }
0x11: {  	[smem:$0x3FA6] =	sst s9;
	s0 =	simm.s32 @!p0 $0x0  }
0x12: {  	s1 =	sld [smem:$0x3F8C];
	s0 =	simm.s32 @p0 $0x1  }
0x13: {  	[smem:$0x3FA7] =	sst s0;
	s0 =	simm.s32 @!p1 $0x0  }
0x14: {  	s2 =	sld [smem:$0x3F8B];
	s0 =	simm.s32 @p1 $0x1  }
0x15: {  	[smem:$0x3FA8] =	sst s0;
	s0 =	simm.s32 @!p2 $0x0  }
0x16: {  	s3 =	sld [smem:$0x3FDB];
	s0 =	simm.s32 @p2 $0x1  }
0x17: {  	s4 =	simm.s32 $0x1BF5;
	[smem:$0x3FAA] =	sst s0  }
0x18: {  	s0 =	sld [smem:$0x3F8D];
	_ =	swait.ge [sflag:s4], $0x0  }
0x19: {  	s7 =	sld [smem:$0x3F8E]  }
0x1a: {  	s8 =	sadd.s32 $0xFFFFE003, lr  }
0x1b: {  	s9 =	sadd.s32 $0xFFFFFEF7, lr;
	s5 =	simm.s32 $0xFFFFFFFF;
	p2 =	slt.u32 s8, $0xFFFFF086  }
0x1c: {  	p1 =	slt.u32 s9, $0xF7A;
	s5 =	simm.s32 @!p2 $0x0  }
0x1d: {  	s5 =	simm.s32 @p1 $0x1;
	p0 =	seq.s32 s7, s2  }
0x1e: {  	s7 =	smul.u32 @!p0 $0xF7A, s2;
	p2 =	seq.s32 @!p0 s5, $0x0  }
0x1f: {  	s9 =	smul.u32 $0xF7A, s1;
	s8 =	simm.s32 @!p0 $0x1BF5;
	p2 =	por !p2, p0  }
0x20: {  	[sflag:s8] =	ssyncset.s32 @!p0 $0xFFFFF086;
	s6 =	sadd.s32 @!p0 s3, s7;
	s7 =	simm.s32 @!p0 $0x108  }
0x21: {  	s3 =	sadd.s32 s3, s9;
	s6 =	sadd.s32 @!p0 $0x88, s6;
	s7 =	simm.s32 @p2 $0x1082  }
0x22: {  	[simem:s7], [sflag:s8] =	dma.local @!p0 [hbm:s6], $0xF7A  }
0x23: {  	s9 =	sor.u32 $0xD0000000, s2;
	s6 =	simm.s32 $0x108;
	_ =	swait.ge @!p0 [sflag:s8], $0x0  }
0x24: {  	s3 =	sadd.s32 $0x88, s3;
	s6 =	simm.s32 @!p1 $0x1082;
	[sflag:s4] =	ssyncset.s32 $0xFFFFF086  }
0x25: {  	[simem:s6], [sflag:s4] =	dma.local [hbm:s3], $0xF7A  }
0x26: {  	[smem:$0x3F8E] =	sst s1;
	(tag) =	ssettag s2;
	_ =	strace s9  }
0x27: {  	s1 =	sld [smem:$0x3F9E]  }
0x28: {  	s2 =	sld [smem:$0x3F9F]  }
0x29: {  	s4 =	sld [smem:$0x3FA1]  }
0x2a: {  	p0 =	seq.s32 s5, $0x0;
	s5 =	sld [smem:$0x3FA2]  }
0x2b: {  	s6 =	sld [smem:$0x3FA3]  }
0x2c: {  	s7 =	sld [smem:$0x3FA4]  }
0x2d: {  	s3 =	simm.s32 $0x108;
	s8 =	sld [smem:$0x3FA5]  }
0x2e: {  	s3 =	simm.s32 @!p0 $0x1082;
	s9 =	sld [smem:$0x3FA6]  }
0x2f: {  	lr =	sadd.s32 s0, s3;
	s0 =	sld [smem:$0x3F9D]  }
0x30: {  	s3 =	sld [smem:$0x3FA0]  }
0x31: {  	[smem:$0x3FA9] =	sst s10  }
0x32: {  	s10 =	sld [smem:$0x3FA7];
	_ =	sdelay $0x3  }
0x33: {  	p0 =	seq.s32 s10, $0x1;
	s10 =	sld [smem:$0x3FA9];
	_ =	sdelay $0x3  }
0x34: {  	[smem:$0x3FA9] =	sst s10  }
0x35: {  	s10 =	sld [smem:$0x3FA8];
	_ =	sdelay $0x3  }
0x36: {  	p1 =	seq.s32 s10, $0x1;
	s10 =	sld [smem:$0x3FA9];
	_ =	sdelay $0x3  }
0x37: {  	[smem:$0x3FA9] =	sst s10  }
0x38: {  	s10 =	sld [smem:$0x3FAA]  }
0x39: {  	_ = 	snop;
	(pc) =	sbr.ind lr, $3  }
0x3a: {  	_ = 	snop  }
0x3b: {  	_ = 	snop  }
0x3c: {  	p2 =	seq.s32 s10, $0x1;
	s10 =	sld [smem:$0x3FA9]  }
0x3d: {  	_ =	shalt  }
0x3e: {  	_ =	shalt  }
0x3f: {  	_ =	shalt  }
0x40: {  	_ =	shalt  }
0x41: {  	_ =	shalt  }
0x42: {  	_ =	shalt  }
0x43: {  	_ =	shalt  }
0x44: {  	_ =	shalt  }
0x45: {  	_ =	shalt  }
0x46: {  	_ =	shalt  }
0x47: {  	_ =	shalt  }
0x48: {  	_ =	shalt  }
0x49: {  	_ =	shalt  }
0x4a: {  	_ =	shalt  }
0x4b: {  	_ =	shalt  }
0x4c: {  	_ =	shalt  }
0x4d: {  	_ =	shalt  }
0x4e: {  	_ =	shalt  }
0x4f: {  	_ =	shalt  }
0x50: {  	_ =	shalt  }
0x51: {  	_ =	shalt  }
0x52: {  	_ =	shalt  }
0x53: {  	_ =	shalt  }
0x54: {  	_ =	shalt  }
0x55: {  	_ =	shalt  }
0x56: {  	_ =	shalt  }
0x57: {  	_ =	shalt  }
0x58: {  	_ =	shalt  }
0x59: {  	_ =	shalt  }
0x5a: {  	_ =	shalt  }
0x5b: {  	_ =	shalt  }
0x5c: {  	_ =	shalt  }
0x5d: {  	_ =	shalt  }
0x5e: {  	_ =	shalt  }
0x5f: {  	_ =	shalt  }
0x60: {  	_ =	shalt  }
0x61: {  	_ =	shalt  }
0x62: {  	_ =	shalt  }
0x63: {  	_ =	shalt  }
0x64: {  	_ =	shalt  }
0x65: {  	_ =	shalt  }
0x66: {  	_ =	shalt  }
0x67: {  	_ =	shalt  }
0x68: {  	_ =	shalt  }
0x69: {  	_ =	shalt  }
0x6a: {  	_ =	shalt  }
0x6b: {  	_ =	shalt  }
0x6c: {  	_ =	shalt  }
0x6d: {  	_ =	shalt  }
0x6e: {  	_ =	shalt  }
0x6f: {  	_ =	shalt  }
0x70: {  	_ =	shalt  }
0x71: {  	_ =	shalt  }
0x72: {  	_ =	shalt  }
0x73: {  	_ =	shalt  }
0x74: {  	_ =	shalt  }
0x75: {  	_ =	shalt  }
0x76: {  	_ =	shalt  }
0x77: {  	_ =	shalt  }
0x78: {  	_ =	shalt  }
0x79: {  	_ =	shalt  }
0x7a: {  	_ =	shalt  }
0x7b: {  	_ =	shalt  }
0x7c: {  	_ =	shalt  }
0x7d: {  	_ =	shalt  }
0x7e: {  	_ =	shalt  }
0x7f: {  	_ =	shalt  }
0x80: {  	_ =	shalt  }
0x81: {  	_ =	shalt  }
0x82: {  	_ =	shalt  }
0x83: {  	_ =	shalt  }
0x84: {  	_ =	shalt  }
0x85: {  	_ =	shalt  }
0x86: {  	_ =	shalt  }
0x87: {  	_ =	shalt  }
.Lfunc_end0:
.L_simem_size_0:
called_computation.1_lowered:
.L_overlay_start_0:
0x88: {  	s2 =	sld [smem:$0x3FD9]  }
0x89: {  	s3 =	sld [smem:$0x3FFE];
	_ =	sdelay $0x1  }
0x8a: {  	s1 =	srdreg.scid  }
0x8b: {  	s0 =	sand.u32 $0x1, s1  }
0x8c: {  	s16 =	sshll.u32 s0, $0xA;
	s2 =	sadd.s32 s3, s2  }
0x8d: {  	s2 =	sadd.s32 s2, s16  }
0x8e: {  	[smem:$0x3FB5] =	sst s2  }
0x8f: {  	_ = 	snop  }
0x90: {  	(tm) =	ssettm $0x1  }
0x91: {  	s17 =	sld [smem:$0x3FFB];
	_ =	sdelay $0x3  }
0x92: {  	_ =	strace s17  }
0x93: {  	s2 =	sld [smem:$0x3FFC];
	_ =	sdelay $0x3  }
0x94: {  	_ =	strace s2  }
0x95: {  	s2 =	sld [smem:$0x3FFD];
	_ =	sdelay $0x3  }
0x96: {  	_ =	strace s2  }
0x97: {  	_ =	strace $0x8FFFFFFF  }
0x98: {  	s18 =	sld [smem:$0x3FDB];
	_ =	sdelay $0x1  }
0x99: {  	s19 =	simm.s32 $_scs_section_size  }
0x9a: {  	s4 =	simm.s32 $_size__tile_overlayer_lowered;
	s5 =	simm.s32 $_tile_overlayer_lowered  }
0x9b: {  	s22 =	simm.s32 $0x1BFF;
	s21 =	sshll.u32 s5, $0x1;
	s2 =	sadd.s32 s19, s18  }
0x9c: {  	s6 =	simm.s32 $0x0;
	s20 =	sshll.u32 s4, $0x1;
	s4 =	sadd.s32 s21, s2  }
0x9d: {  	[timem:s6], [sflag:s22] =	dma.local [hbm:s4], s20  }
0x9e: {  	_ =	swait.ge [sflag:s22], s20  }
0x9f: {  	s3 =	ssub.s32 $0x0, s20;
	[sflag:s22] =	ssyncset.done $0x0  }
0xa0: {  	[sflag:s22] =	ssyncadd.s32 s3;
	_ =	sdelay $0x1  }
0xa1: {  	s23 =	simm.s32 $0x1B8B  }
0xa2: {  	_ =	swait.ge [sflag:s23], $0x1  }
0xa3: {  	[sflag:s23] =	ssyncset.done $0x0  }
0xa4: {  	s25 =	simm.s32 $0x1B8E;
	s24 =	sld [smem:$0x3FFE];
	[sflag:s23] =	ssyncadd.s32 $0xFFFFFFFF  }
0xa5: {  	s26 =	simm.s32 $execute0_lowered;
	[smem:$0x3FD2] =	sst s25  }
0xa6: {  	s4 =	sshll.u32 s26, $0x1;
	_ =	strace $0x80000049;
	[dreg:$0x1] =	wrdreg $0xFFFFFFFF  }
0xa7: {  	s28 =	simm.s32 $_size_execute0_lowered;
	s2 =	sadd.s32 s2, s4;
	[dreg:$0x0] =	wrdreg $0x0  }
0xa8: {  	s4 =	sshll.u32 s28, $0x1;
	[dreg:$0x2] =	wrdreg s2  }
0xa9: {  	[dreg:$0x3] =	wrdreg s4  }
0xaa: {  	[dreg:$0x4] =	wrdreg $0xC0  }
0xab: {  	_ =	task [dreg:s6], $0x5FFFF  }
0xac: {  	[dreg:$0x1] =	wrdreg $0xFFFFFFFF  }
0xad: {  	[dreg:$0x0] =	wrdreg $0x60  }
0xae: {  	[dreg:$0x2] =	wrdreg s24  }
0xaf: {  	[dreg:$0x3] =	wrdreg $0xA3800  }
0xb0: {  	[dreg:$0x4] =	wrdreg $0x9  }
0xb1: {  	_ =	task.clear_ibuf [dreg:s6], $0x5FFFF;
	_ =	strace $0x90000049  }
0xb2: {  	s29 =	simm.s32 $0x9;
	_ =	strace $0x8000004B  }
0xb3: {  	_ =	swait.ge [sflag:s29], $0x1  }
0xb4: {  	[sflag:s29] =	ssyncadd.s32 $0xFFFFFFFF  }
0xb5: {  	_ =	strace $0x9000004B  }
0xb6: {  	_ =	sfence  }
0xb7: {  	s30 =	sld [smem:$0x0];
	_ =	sdelay $0x2  }
0xb8: {  	s31 =	sshll.u32 s1, $0xD;
	s1 =	sshrl.u32 s1, $0x2  }
0xb9: {  	s3 =	sand.u32 $0x4000, s31;
	s1 =	sadd.s32 s1, s30  }
0xba: {  	s0 =	sor.u32 s3, s0;
	s1 =	sshll.u32 s1, $0x11  }
0xbb: {  	s0 =	sor.u32 s1, s0  }
0xbc: {  	s0 =	sadd.s32 $0x8F2B, s0  }
0xbd: {  	[sflag:s0] =	ssyncadd.remote.s32 $0x1  }
0xbe: {  	_ =	sfence.sel $0xFFFF  }
0xbf: {  	[dreg:$0x0] =	wrdreg $0xFFFFFFFF;
	(pc) =	sbr.abs _section_cstart, $3  }
0xc0: {  	[dreg:$0x1] =	wrdreg $0xFFFFFFFF  }
0xc1: {  	_ =	task.clear_ibuf [dreg:s6], $0x2FFFF;
	_ =	strace $0x9FFFFFFF  }
0xc2: {  	(tm) =	ssettm $0x7FFFFFFF  }
0xc3: {  	_ =	shalt  }
tec
execute0_lowered:
.L_overlay_start_1:
0x0: {  	(tag) =	ssettag $0x1  }
0x1: {  	s0 =	rddreg [dreg:$0x0]  }
0x2: {  	s1 =	rddreg [dreg:$0x1];
	s14 =	simm.s32 $0x0;
	s2 =	srdreg.scid  }
0x3: {  	s10 =	stileid.u32;
	s28 =	simm.s32 $0x8300;
	s29 =	simm.s32 $0x7  }
0x4: {  	s31 =	simm.s32 $0x80;
	[smem:$0x7FF] =	sst s14;
	s2 =	sand.u32 $0x1, s2  }
0x5: {  	s4 =	sadd.s32 $0x3200, s0;
	s5 =	sadd.s32 $0x16C00, s0;
	s8 =	smul.u32 $0x14000, s10  }
0x6: {  	s6 =	sadd.s32 $0x2A600, s0;
	s7 =	sadd.s32 $0x52600, s0;
	s15 =	sadd.s32 $0xC8C00, s0  }
0x7: {  	s3 =	smul.u32 $0x140000, s2;
	s9 =	sshll.u32 s2, $0x4;
	s2 =	ssub.s32 $0x2, s2  }
0x8: {  	_ =	strace $0x8000004A;
	s13 =	sor.u32 s10, s9;
	s11 =	sshrl.u32 s2, $0x1  }
0x9: {  	s3 =	sadd.s32 s8, s3;
	s8 =	smul.u32 $0x9D0, s13;
	s2 =	ssub.s32 s2, s11  }
0xa: {  	[dreg:$0x4] =	wrdreg s15;
	s10 =	smul.u32 $0x50000, s10;
	s26 =	smax.u32 s2, $0x1  }
0xb: {  	s3 =	sshrl.u32 s3, $0x3;
	s12 =	sadd.s32 s4, s8;
	[dreg:$0x13] =	wrdreg s26  }
0xc: {  	s10 =	sshrl.u32 s10, $0x2;
	s8 =	sadd.s32 s5, s8;
	[dreg:$0x6] =	wrdreg s12  }
0xd: {  	s0 =	sadd.s32 s3, s0;
	s10 =	sadd.s32 s10, s1;
	[dreg:$0x7] =	wrdreg s8  }
0xe: {  	s9 =	smul.u32 $0x9D, s13;
	s0 =	sadd.s32 $0xC8E00, s0;
	[dreg:$0x5] =	wrdreg s10  }
0xf: {  	v0 =	vimm.s32 $0xEFCDAB89;
	s16 =	smul.u32 $0x4E80, s13;
	s18 =	sadd.s32 $0x2000, s10;
	[dreg:$0xa] =	wrdreg s0  }
0x10: {  	v1 =	vimm.s32 $0x67452301;
	v2 =	vimm.s32 $0xDCFE98BA;
	s13 =	simm.s32 $0x6;
	s19 =	sadd.s32 $0x4000, s10;
	[dreg:$0xb] =	wrdreg s18  }
0x11: {  	v3 =	vimm.s32 $0x54761032;
	v4 =	vimm.s32 $0xBA98FEDC;
	s3 =	sshrl.u32 s16, $0x3;
	s20 =	sadd.s32 $0x6000, s10;
	[dreg:$0xc] =	wrdreg s19  }
0x12: {  	v5 =	vimm.s32 $0xFEDCBA98;
	v6 =	vimm.s32 $0x32107654;
	v0 =	vunpack.c.l.s4.s8 v0;
	s11 =	sadd.s32 $0x9C, s9;
	s21 =	sadd.s32 $0x8000, s10;
	[dreg:$0xd] =	wrdreg s20  }
0x13: {  	v1 =	vunpack.c.l.s4.s8 v1;
	v2 =	vunpack.c.l.s4.s8 v2;
	v3 =	vunpack.c.l.s4.s8 v3;
	s16 =	simm.s32 $0x1;
	s22 =	sadd.s32 $0xA000, s10;
	[dreg:$0xe] =	wrdreg s21  }
0x14: {  	v7 =	vimm.s32 $0x76543210;
	v5 =	vunpack.c.l.s4.s8 v5;
	v0 =	vunpack.c.0.s8.s32 v0;
	s3 =	sadd.s32 $0x10, s3;
	s23 =	sadd.s32 $0xC000, s10;
	[dreg:$0xf] =	wrdreg s22  }
0x15: {  	v1 =	vunpack.c.0.s8.s32 v1;
	v2 =	vunpack.c.0.s8.s32 v2;
	v3 =	vunpack.c.0.s8.s32 v3;
	s24 =	sadd.s32 $0xE000, s10;
	s25 =	sadd.s32 $0x10000, s10;
	[dreg:$0x10] =	wrdreg s23  }
0x16: {  	v4 =	vunpack.c.l.s4.s8 v4;
	v6 =	vunpack.c.l.s4.s8 v6;
	v7 =	vunpack.c.l.s4.s8 v7;
	s30 =	sadd.s32 $0x12000, s10;
	s8 =	simm.s32 $0x180;
	[dreg:$0x11] =	wrdreg s24  }
0x17: {  	v0 =	vcombine.low v1, v0;
	v1 =	vcombine.low v3, v2;
	v3 =	vunpack.c.0.s8.s32 v5;
	s12 =	simm.s32 $0x200;
	s17 =	sadd.s32 s4, s3;
	[dreg:$0x12] =	wrdreg s25  }
0x18: {  	v4 =	vunpack.c.0.s8.s32 v4;
	v5 =	vunpack.c.0.s8.s32 v6;
	v6 =	vunpack.c.0.s8.s32 v7;
	s3 =	sadd.s32 s5, s3;
	[dreg:$0x14] =	wrdreg s30;
	s0 =	simm.s32 $0x40  }
0x19: {  	vm0 =	vcmask $0xF0C;
	v2 =	vimm.f32 $0.0e+00;
	v7 =	vand.u32 $0xF, v3;
	s19 =	simm.s32 $0x5;
	s20 =	simm.s32 $0x3;
	[dreg:$0x8] =	wrdreg s17  }
0x1a: {  	v3 =	vcombine.low v5, v4;
	v5 =	vsel vm0, $0x3F800000, v2;
	v4 =	vcombine.low v7, v6;
	s21 =	simm.s32 $0x4;
	[dreg:$0x9] =	wrdreg s3;
	s17 =	simm.s32 $0x2  }
.LBB2_1:
0x1b: {  	[dreg:$0x3] =	wrdreg s14;
	s2 =	simm.s32 $0x0;
	s3 =	simm.s32 $0x200  }
.LBB2_2:
0x1c: {  	p0 =	sne.s32 s3, $0x7E00;
	[tilespmem:s2+$0x8370] =	vst v2  }
0x1d: {  	[tilespmem:s2+$0x8300] =	vst v2  }
0x1e: {  	[tilespmem:s2+$0x8310] =	vst v2  }
.Ltmp0:
0x1f: {  	[tilespmem:s2+$0x8320] =	vst v2;
	(pc) =	sbr.rel @p0 .LBB2_2-.Ltmp0, $4  }
0x20: {  	[tilespmem:s2+$0x8330] =	vst v2  }
0x21: {  	[tilespmem:s2+$0x8340] =	vst v2  }
0x22: {  	[tilespmem:s2+$0x8350] =	vst v2  }
0x23: {  	[tilespmem:s2+$0x8360] =	vst v2;
	s2 =	sshra.s32 s3, $0x2;
	s3 =	sadd.s32 $0x200, s3  }
0x24: {  	[tilespmem:s2+$0x8370] =	vst v2  }
0x25: {  	[tilespmem:s2+$0x8300] =	vst v2  }
0x26: {  	[tilespmem:s2+$0x8310] =	vst v2  }
0x27: {  	[tilespmem:s2+$0x8320] =	vst v2  }
0x28: {  	[tilespmem:s2+$0x8330] =	vst v2  }
0x29: {  	[tilespmem:s2+$0x8340] =	vst v2  }
0x2a: {  	[tilespmem:s2+$0x8350] =	vst v2  }
0x2b: {  	[tilespmem:s2+$0x8360] =	vst v2  }
0x2c: {  	[spmem:s10] =	stream.linear.scatter [tilespmem:s28], [sflag:$0x7], $0x2000, $0x38;
	[tilespmem:$0x1E380] =	vst v63  }
0x2d: {  	_ =	swait.ge [sflag:s29], $0x2000  }
0x2e: {  	[sflag:s29] =	ssyncset.done $0x0  }
0x2f: {  	s22 =	rddreg [dreg:$0xb];
	[sflag:s29] =	ssyncadd.s32 $0xFFFFE000  }
0x30: {  	[spmem:s22] =	stream.linear.scatter [tilespmem:s28], [sflag:$0x7], $0x2000, $0x38;
	[tilespmem:$0x1E380] =	vst v63  }
0x31: {  	_ =	swait.ge [sflag:s29], $0x2000  }
0x32: {  	[sflag:s29] =	ssyncset.done $0x0  }
0x33: {  	s23 =	rddreg [dreg:$0xc];
	[sflag:s29] =	ssyncadd.s32 $0xFFFFE000  }
0x34: {  	[spmem:s23] =	stream.linear.scatter [tilespmem:s28], [sflag:$0x7], $0x2000, $0x38;
	[tilespmem:$0x1E380] =	vst v63  }
0x35: {  	_ =	swait.ge [sflag:s29], $0x2000  }
0x36: {  	[sflag:s29] =	ssyncset.done $0x0  }
0x37: {  	s24 =	rddreg [dreg:$0xd];
	[sflag:s29] =	ssyncadd.s32 $0xFFFFE000  }
0x38: {  	[spmem:s24] =	stream.linear.scatter [tilespmem:s28], [sflag:$0x7], $0x2000, $0x38;
	[tilespmem:$0x1E380] =	vst v63  }
0x39: {  	_ =	swait.ge [sflag:s29], $0x2000  }
0x3a: {  	[sflag:s29] =	ssyncset.done $0x0  }
0x3b: {  	s25 =	rddreg [dreg:$0xe];
	[sflag:s29] =	ssyncadd.s32 $0xFFFFE000  }
0x3c: {  	[spmem:s25] =	stream.linear.scatter [tilespmem:s28], [sflag:$0x7], $0x2000, $0x38;
	[tilespmem:$0x1E380] =	vst v63  }
0x3d: {  	_ =	swait.ge [sflag:s29], $0x2000  }
0x3e: {  	[sflag:s29] =	ssyncset.done $0x0  }
0x3f: {  	s26 =	rddreg [dreg:$0xf];
	[sflag:s29] =	ssyncadd.s32 $0xFFFFE000  }
0x40: {  	[spmem:s26] =	stream.linear.scatter [tilespmem:s28], [sflag:$0x7], $0x2000, $0x38;
	[tilespmem:$0x1E380] =	vst v63  }
0x41: {  	_ =	swait.ge [sflag:s29], $0x2000  }
0x42: {  	[sflag:s29] =	ssyncset.done $0x0  }
0x43: {  	s30 =	rddreg [dreg:$0x10];
	[sflag:s29] =	ssyncadd.s32 $0xFFFFE000  }
0x44: {  	[spmem:s30] =	stream.linear.scatter [tilespmem:s28], [sflag:$0x7], $0x2000, $0x38;
	[tilespmem:$0x1E380] =	vst v63  }
0x45: {  	_ =	swait.ge [sflag:s29], $0x2000  }
0x46: {  	[sflag:s29] =	ssyncset.done $0x0  }
0x47: {  	s3 =	rddreg [dreg:$0x11];
	[sflag:s29] =	ssyncadd.s32 $0xFFFFE000  }
0x48: {  	[spmem:s3] =	stream.linear.scatter [tilespmem:s28], [sflag:$0x7], $0x2000, $0x38;
	[tilespmem:$0x1E380] =	vst v63  }
0x49: {  	_ =	swait.ge [sflag:s29], $0x2000  }
0x4a: {  	[sflag:s29] =	ssyncset.done $0x0  }
0x4b: {  	s10 =	rddreg [dreg:$0x12];
	[sflag:s29] =	ssyncadd.s32 $0xFFFFE000  }
0x4c: {  	[spmem:s10] =	stream.linear.scatter [tilespmem:s28], [sflag:$0x7], $0x2000, $0x38;
	[tilespmem:$0x1E380] =	vst v63  }
0x4d: {  	_ =	swait.ge [sflag:s29], $0x2000  }
0x4e: {  	[sflag:s29] =	ssyncset.done $0x0  }
0x4f: {  	s14 =	rddreg [dreg:$0x14];
	[sflag:s29] =	ssyncadd.s32 $0xFFFFE000  }
0x50: {  	[spmem:s14] =	stream.linear.scatter [tilespmem:s28], [sflag:$0x7], $0x2000, $0x38;
	[tilespmem:$0x1E380] =	vst v63  }
0x51: {  	_ =	swait.ge [sflag:s29], $0x2000  }
0x52: {  	s23 =	simm.s32 $0x0;
	[sflag:s29] =	ssyncset.done $0x0  }
0x53: {  	s3 =	simm.s32 $0xA300;
	s15 =	rddreg [dreg:$0x4];
	[sflag:s29] =	ssyncadd.s32 $0xFFFFE000  }
0x54: {  	[tilespmem:s3], [sflag:$0x7] =	stream.linear.gather [hbm4b:s15+s23], $0x80, $0x38;
	[tilespmem:$0x1E380] =	vst v63  }
0x55: {  	_ =	swait.ge [sflag:s29], $0x80  }
0x56: {  	[sflag:s29] =	ssyncset.done $0x0  }
0x57: {  	[sflag:s29] =	ssyncadd.s32 $0xFFFFFF80  }
0x58: {  	[bflag:$0x0] =	sbarrier.arrive $0xFFFF  }
0x59: {  	s18 =	rddreg [dreg:$0x6]  }
0x5a: {  	v6 =	vld [tilespmem:$0xA300];
	[tilespmem:s23], [sflag:$0x7] =	stream.linear.gather [hbm4b:s18+s23], $0x80, $0x38  }
0x5b: {  	_ =	swait.ge [sflag:s29], $0x80  }
0x5c: {  	[sflag:s29] =	ssyncset.done $0x0  }
0x5d: {  	s22 =	rddreg [dreg:$0x7];
	[sflag:s29] =	ssyncadd.s32 $0xFFFFFF80  }
0x5e: {  	[tilespmem:s31], [sflag:$0x7] =	stream.linear.gather [hbm4b:s22+s23], $0x80, $0x38;
	[tilespmem:$0x1E380] =	vst v63  }
0x5f: {  	_ =	swait.ge [sflag:s29], $0x80  }
0x60: {  	[sflag:s29] =	ssyncset.done $0x0  }
0x61: {  	[sflag:s29] =	ssyncadd.s32 $0xFFFFFF80  }
0x62: {  	v7 =	vld [tilespmem:$0x80]  }
0x63: {  	v8 =	vld [tilespmem:$0x90]  }
0x64: {  	v9 =	vld [tilespmem:$0xA0]  }
0x65: {  	v10 =	vld [tilespmem:$0xB0];
	_ =	sdelay $0x1  }
0x66: {  	[tilespmem:$0x100] =	vst v7  }
0x67: {  	[tilespmem:$0x110] =	vst v8  }
0x68: {  	[tilespmem:$0x120] =	vst v9  }
0x69: {  	s24 =	simm.s32 $0x300;
	[tilespmem:$0x130] =	vst v10  }
0x6a: {  	[tilespmem:s24], [sflag:$0x1] =	stream.indirect.gather [hbm4b:s6+s0], $0x80, s23, s0, $0xb8;
	[tilespmem:$0x1E380] =	vst v63  }
0x6b: {  	s25 =	simm.s32 $0x2300  }
0x6c: {  	[tilespmem:s25], [sflag:$0x2] =	stream.indirect.gather [hbm4b:s7+s0], $0x80, s31, s0, $0xb8;
	[tilespmem:$0x1E380] =	vst v63  }
0x6d: {  	s26 =	rddreg [dreg:$0x8]  }
0x6e: {  	[tilespmem:s8], [sflag:$0x6] =	stream.linear.gather [hbm4b:s26+s23], $0x80, $0x38;
	[tilespmem:$0x1E380] =	vst v63  }
0x6f: {  	s30 =	rddreg [dreg:$0x9];
	s24 =	simm.s32 $0x0  }
0x70: {  	[tilespmem:s12], [sflag:$0x6] =	stream.linear.gather [hbm4b:s30+s23], $0x80, $0x38;
	[tilespmem:$0x1E380] =	vst v63  }
.LBB2_4:
0x71: {  	_ =	swait.ge [sflag:s13], $0x80  }
0x72: {  	[sflag:s13] =	ssyncset.done $0x0  }
0x73: {  	[sflag:s13] =	ssyncadd.s32 $0xFFFFFF80  }
0x74: {  	_ =	swait.ge [sflag:s13], $0x80  }
0x75: {  	[sflag:s13] =	ssyncset.done $0x0  }
0x76: {  	[sflag:s13] =	ssyncadd.s32 $0xFFFFFF80  }
0x77: {  	v7 =	vld [tilespmem:$0x200]  }
0x78: {  	v8 =	vld [tilespmem:$0x210]  }
0x79: {  	v9 =	vld [tilespmem:$0x220]  }
0x7a: {  	v10 =	vld [tilespmem:$0x230];
	_ =	sdelay $0x1  }
0x7b: {  	[tilespmem:$0x280] =	vst v7  }
0x7c: {  	[tilespmem:$0x290] =	vst v8  }
0x7d: {  	[tilespmem:$0x2A0] =	vst v9  }
0x7e: {  	s2 =	simm.s32 $0x4300;
	[tilespmem:$0x2B0] =	vst v10  }
0x7f: {  	[tilespmem:s2], [sflag:$0x3] =	stream.indirect.gather [hbm4b:s6+s0], $0x80, s8, s0, $0xb8;
	[tilespmem:$0x1E380] =	vst v63  }
0x80: {  	s25 =	simm.s32 $0x6300  }
0x81: {  	[tilespmem:s25], [sflag:$0x4] =	stream.indirect.gather [hbm4b:s7+s0], $0x80, s12, s0, $0xb8;
	[tilespmem:$0x1E380] =	vst v63  }
0x82: {  	_ =	swait.ge [sflag:s16], $0x2000  }
0x83: {  	s26 =	sshll.u32 s24, $0x1;
	[sflag:s16] =	ssyncset.done $0x0  }
0x84: {  	s25 =	sadd.s32 s9, s26;
	[sflag:s16] =	ssyncadd.s32 $0xFFFFE000  }
0x85: {  	s2 =	sshll.u32 s25, $0x4;
	_ =	swait.ge [sflag:s17], $0x2000  }
0x86: {  	s2 =	sadd.s32 $0x20, s2;
	[sflag:s17] =	ssyncset.done $0x0  }
0x87: {  	s3 =	sadd.s32 s4, s2;
	[sflag:s17] =	ssyncadd.s32 $0xFFFFE000  }
0x88: {  	[tilespmem:s23], [sflag:$0x5] =	stream.linear.gather [hbm4b:s3+s23], $0x80, $0x38;
	[tilespmem:$0x1E380] =	vst v63  }
0x89: {  	s10 =	simm.s32 $0x0;
	s2 =	sadd.s32 s5, s2  }
0x8a: {  	[tilespmem:s31], [sflag:$0x5] =	stream.linear.gather [hbm4b:s2+s23], $0x80, $0x38;
	[tilespmem:$0x1E380] =	vst v63  }
0x8b: {  	v13 =	vld [tilespmem:s10+$0x300]  }
0x8c: {  	v8 =	vld [tilespmem:s10+$0x2300]  }
0x8d: {  	s26 =	simm.s32 $0x80  }
0x8e: {  	v7 =	vld [tilespmem:s26+$0x300]  }
0x8f: {  	v9 =	vld [tilespmem:s26+$0x2300];
	_ =	sdelay $0x1  }
0x90: {  	v8 =	vadd.f32 v8, v13;
	_ =	sdelay $0x1  }
0x91: {  	s2 =	simm.s32 $0x100;
	v10 =	vmul.f32 $2.000000030e-01, v8  }
0x92: {  	v11 =	vld [tilespmem:s2+$0x2300];
	v9 =	vadd.f32 v9, v7  }
0x93: {  	v10 =	vmax.f32 v8, v10;
	v8 =	vld [tilespmem:s2+$0x300]  }
0x94: {  	v12 =	vmul.f32 $2.000000030e-01, v9;
	v10 =	vmul.f32 v10, v6;
	_ =	sdelay $0x1  }
0x95: {  	v12 =	vmax.f32 v9, v12;
	v14 =	vperm.xlane v10, v0  }
0x96: {  	s14 =	simm.s32 $0x180;
	v12 =	vmul.f32 v12, v6  }
0x97: {  	v15 =	vld [tilespmem:s14+$0x2300];
	v10 =	vadd.f32 v10, v14;
	v11 =	vadd.f32 v11, v8  }
0x98: {  	v9 =	vld [tilespmem:s14+$0x300];
	v17 =	vperm.xlane v12, v0  }
0x99: {  	v14 =	vperm.xlane v10, v1;
	v16 =	vmul.f32 $2.000000030e-01, v11;
	_ =	sdelay $0x1  }
0x9a: {  	s15 =	simm.s32 $0x200;
	v12 =	vadd.f32 v12, v17;
	v14 =	vadd.f32 v10, v14;
	v11 =	vmax.f32 v11, v16  }
0x9b: {  	v18 =	vld [tilespmem:s15+$0x2300];
	v11 =	vmul.f32 v11, v6  }
0x9c: {  	v15 =	vadd.f32 v15, v9;
	v17 =	vperm.xlane v12, v1;
	v10 =	vld [tilespmem:s15+$0x300];
	v16 =	vperm.xlane v14, v3  }
0x9d: {  	v19 =	vperm.xlane v11, v0  }
0x9e: {  	v12 =	vadd.f32 v12, v17;
	v14 =	vadd.f32 v14, v16;
	v16 =	vmul.f32 $2.000000030e-01, v15  }
0x9f: {  	v17 =	vadd.f32 v11, v19  }
0xa0: {  	s22 =	simm.s32 $0x280;
	v19 =	vperm.xlane v14, v4;
	v15 =	vmax.f32 v15, v16;
	v16 =	vperm.xlane v12, v3  }
0xa1: {  	v11 =	vld [tilespmem:s22+$0x300];
	v18 =	vadd.f32 v18, v10;
	v15 =	vmul.f32 v15, v6  }
0xa2: {  	v20 =	vperm.xlane v17, v1;
	v14 =	vadd.f32 v14, v19;
	v19 =	vld [tilespmem:s22+$0x2300];
	v12 =	vadd.f32 v12, v16  }
0xa3: {  	v16 =	vmul.f32 $2.000000030e-01, v18;
	v21 =	vperm.xlane v15, v0  }
0xa4: {  	v17 =	vadd.f32 v17, v20;
	v14 =	vmul.f32 $1.442695020e+00, v14;
	v20 =	vperm.xlane v12, v4  }
0xa5: {  	v16 =	vmax.f32 v18, v16;
	v15 =	vadd.f32 v15, v21  }
0xa6: {  	v18 =	vperm.xlane v17, v3;
	(erf) = vpow2.f32 v14;
	v12 =	vadd.f32 v12, v20  }
0xa7: {  	v21 =	vmul.f32 v16, v6;
	v16 =	vadd.f32 v19, v11  }
0xa8: {  	s30 =	simm.s32 $0x300;
	v19 =	vperm.xlane v15, v1;
	v14 =	vadd.f32 v17, v18;
	v18 =	vmul.f32 $1.442695020e+00, v12  }
0xa9: {  	v12 =	vld [tilespmem:s30+$0x300]  }
0xaa: {  	v22 =	vperm.xlane v21, v0;
	v15 =	vadd.f32 v15, v19;
	v19 =	vld [tilespmem:s30+$0x2300];
	(erf) = vpow2.f32 v18  }
0xab: {  	v20 =	vmul.f32 $2.000000030e-01, v16  }
0xac: {  	s3 =	simm.s32 $0xE00;
	v13 =	vadd.f32 v5, v13;
	v17 =	vperm.xlane v14, v4;
	v18 =	vadd.f32 v21, v22  }
.LBB2_5:
0xad: {  	v25 =	vmax.f32 v16, v20  }
0xae: {  	v21 =	vperm.xlane v15, v3;
	v17 =	vadd.f32 v14, v17;
	v22 =	vmovc v10;
	v10 =	vmovc v11;
	v11 =	vmov v12;
	s18 =	smov.u32 s30;
	s30 =	sshra.s32 s3, $0x2;
	p0 =	sne.s32 s3, $0x7E00  }
.Ltmp1:
0xaf: {  	v12 =	vld [tilespmem:s30+$0x300];
	v16 =	vadd.f32 v19, v11;
	v23 =	vmul.f32 v25, v6;
	v24 =	vperm.xlane v18, v1;
	v20 =	vpop (erf);
	(pc) =	sbr.rel @p0 .LBB2_5-.Ltmp1, $4  }
0xb0: {  	v19 =	vld [tilespmem:s30+$0x2300];
	v14 =	vadd.f32 v15, v21;
	v21 =	vmul.f32 $1.442695020e+00, v17;
	v13 =	vmul.f32 v20, v13  }
0xb1: {  	s3 =	sadd.s32 $0x200, s3;
	v20 =	vmul.f32 $2.000000030e-01, v16;
	v25 =	vperm.xlane v23, v0  }
0xb2: {  	v15 =	vadd.f32 v18, v24;
	v17 =	vperm.xlane v14, v4;
	(erf) = vpow2.f32 v21;
	[tilespmem:s10+$0x8300] =	vst v13;
	s10 =	smov.u32 s26;
	s26 =	smov.u32 s2;
	s2 =	smov.u32 s14  }
0xb3: {  	v13 =	vadd.f32 v5, v7;
	v7 =	vmovc v8;
	v8 =	vmovc v9;
	v9 =	vmov v22;
	s14 =	smov.u32 s15;
	s15 =	smov.u32 s22;
	s22 =	smov.u32 s18;
	v18 =	vadd.f32 v23, v25  }
0xb4: {  	_ = 	snop  }
0xb5: {  	v19 =	vadd.f32 v19, v12;
	_ =	sdelay $0x1  }
0xb6: {  	v21 =	vmul.f32 $2.000000030e-01, v19  }
0xb7: {  	v16 =	vmax.f32 v16, v20  }
0xb8: {  	v16 =	vmul.f32 v16, v6;
	v19 =	vmax.f32 v19, v21  }
0xb9: {  	v19 =	vmul.f32 v19, v6  }
0xba: {  	v20 =	vperm.xlane v16, v0  }
0xbb: {  	v21 =	vperm.xlane v19, v0  }
0xbc: {  	v16 =	vadd.f32 v16, v20  }
0xbd: {  	v20 =	vperm.xlane v18, v1;
	v19 =	vadd.f32 v19, v21  }
0xbe: {  	v21 =	vperm.xlane v16, v1  }
0xbf: {  	v22 =	vperm.xlane v15, v3;
	v18 =	vadd.f32 v18, v20;
	v20 =	vperm.xlane v19, v1  }
0xc0: {  	v16 =	vadd.f32 v16, v21  }
0xc1: {  	v15 =	vadd.f32 v15, v22;
	v21 =	vperm.xlane v18, v3;
	v19 =	vadd.f32 v19, v20  }
0xc2: {  	v20 =	vperm.xlane v16, v3  }
0xc3: {  	v22 =	vperm.xlane v15, v4;
	v18 =	vadd.f32 v18, v21;
	v21 =	vperm.xlane v19, v3  }
0xc4: {  	v14 =	vadd.f32 v14, v17;
	v16 =	vadd.f32 v16, v20  }
0xc5: {  	v15 =	vadd.f32 v15, v22;
	v17 =	vperm.xlane v18, v4;
	v19 =	vadd.f32 v19, v21  }
0xc6: {  	v14 =	vmul.f32 $1.442695020e+00, v14;
	v20 =	vperm.xlane v16, v4  }
0xc7: {  	v15 =	vmul.f32 $1.442695020e+00, v15;
	v17 =	vadd.f32 v18, v17;
	v18 =	vperm.xlane v19, v4  }
0xc8: {  	(erf) = vpow2.f32 v14;
	v16 =	vadd.f32 v16, v20  }
0xc9: {  	(erf) = vpow2.f32 v15;
	v14 =	vmul.f32 $1.442695020e+00, v17;
	v17 =	vadd.f32 v19, v18  }
0xca: {  	v15 =	vmul.f32 $1.442695020e+00, v16  }
0xcb: {  	(erf) = vpow2.f32 v14;
	v14 =	vmul.f32 $1.442695020e+00, v17;
	_ =	sdelay $0x1  }
0xcc: {  	(erf) = vpow2.f32 v15  }
0xcd: {  	(erf) = vpow2.f32 v14  }
0xce: {  	v7 =	vadd.f32 v5, v7;
	v14 =	vpop (erf)  }
0xcf: {  	v15 =	vpop (erf);
	v13 =	vmul.f32 v14, v13  }
0xd0: {  	v9 =	vadd.f32 v5, v9;
	v14 =	vpop (erf);
	v7 =	vmul.f32 v15, v7  }
0xd1: {  	v8 =	vadd.f32 v5, v8;
	v10 =	vadd.f32 v5, v10;
	v15 =	vpop (erf);
	[tilespmem:s10+$0x8300] =	vst v13  }
0xd2: {  	[tilespmem:s26+$0x8300] =	vst v7;
	v7 =	vmul.f32 v15, v9;
	v9 =	vadd.f32 v5, v11  }
0xd3: {  	v8 =	vmul.f32 v14, v8  }
0xd4: {  	v13 =	vpop (erf)  }
0xd5: {  	v11 =	vadd.f32 v5, v12;
	[tilespmem:s2+$0x8300] =	vst v8;
	v8 =	vmul.f32 v13, v10;
	v10 =	vpop (erf)  }
0xd6: {  	[tilespmem:s14+$0x8300] =	vst v7;
	v7 =	vmul.f32 v10, v9;
	v9 =	vpop (erf)  }
0xd7: {  	[tilespmem:s15+$0x8300] =	vst v8;
	v8 =	vmul.f32 v9, v11  }
0xd8: {  	[tilespmem:s22+$0x8300] =	vst v7  }
0xd9: {  	s15 =	simm.s32 $0x100;
	[tilespmem:s30+$0x8300] =	vst v8  }
0xda: {  	[spmem:s1] =	stream.indirect.scatter.add.f32 [tilespmem:s28], [sflag:$0x7], $0x80, s15, s0, $0xb8;
	[tilespmem:$0x1E380] =	vst v63  }
0xdb: {  	_ =	swait.ge [sflag:s29], $0x2000  }
0xdc: {  	[sflag:s29] =	ssyncset.done $0x0  }
0xdd: {  	[sflag:s29] =	ssyncadd.s32 $0xFFFFE000  }
0xde: {  	_ =	swait.ge [sflag:s19], $0x80  }
0xdf: {  	[sflag:s19] =	ssyncset.done $0x0  }
0xe0: {  	[sflag:s19] =	ssyncadd.s32 $0xFFFFFF80  }
0xe1: {  	_ =	swait.ge [sflag:s19], $0x80  }
0xe2: {  	[sflag:s19] =	ssyncset.done $0x0  }
0xe3: {  	[sflag:s19] =	ssyncadd.s32 $0xFFFFFF80  }
0xe4: {  	v7 =	vld [tilespmem:$0x80]  }
0xe5: {  	v8 =	vld [tilespmem:$0x90]  }
0xe6: {  	v9 =	vld [tilespmem:$0xA0]  }
0xe7: {  	v10 =	vld [tilespmem:$0xB0];
	_ =	sdelay $0x1  }
0xe8: {  	[tilespmem:$0x100] =	vst v7  }
0xe9: {  	[tilespmem:$0x110] =	vst v8  }
0xea: {  	[tilespmem:$0x120] =	vst v9  }
0xeb: {  	s18 =	simm.s32 $0x0;
	s3 =	simm.s32 $0x300;
	[tilespmem:$0x130] =	vst v10  }
0xec: {  	[tilespmem:s3], [sflag:$0x1] =	stream.indirect.gather [hbm4b:s6+s0], $0x80, s18, s0, $0xb8;
	[tilespmem:$0x1E380] =	vst v63  }
0xed: {  	s22 =	simm.s32 $0x2300  }
0xee: {  	[tilespmem:s22], [sflag:$0x2] =	stream.indirect.gather [hbm4b:s7+s0], $0x80, s31, s0, $0xb8;
	[tilespmem:$0x1E380] =	vst v63  }
0xef: {  	_ =	swait.ge [sflag:s20], $0x2000  }
0xf0: {  	[sflag:s20] =	ssyncset.done $0x0  }
0xf1: {  	s26 =	sadd.s32 $0x3, s25;
	[sflag:s20] =	ssyncadd.s32 $0xFFFFE000  }
0xf2: {  	s3 =	smin.u32 s26, s11;
	_ =	swait.ge [sflag:s21], $0x2000  }
0xf3: {  	s3 =	sshll.u32 s3, $0x4;
	[sflag:s21] =	ssyncset.done $0x0  }
0xf4: {  	s30 =	sadd.s32 s4, s3;
	[sflag:s21] =	ssyncadd.s32 $0xFFFFE000  }
0xf5: {  	[tilespmem:s8], [sflag:$0x6] =	stream.linear.gather [hbm4b:s30+s18], $0x80, $0x38;
	[tilespmem:$0x1E380] =	vst v63  }
0xf6: {  	s10 =	simm.s32 $0x0;
	s3 =	sadd.s32 s5, s3  }
0xf7: {  	[tilespmem:s12], [sflag:$0x6] =	stream.linear.gather [hbm4b:s3+s18], $0x80, $0x38;
	[tilespmem:$0x1E380] =	vst v63  }
0xf8: {  	v13 =	vld [tilespmem:s10+$0x4300]  }
0xf9: {  	v8 =	vld [tilespmem:s10+$0x6300]  }
0xfa: {  	s25 =	simm.s32 $0x80  }
0xfb: {  	v7 =	vld [tilespmem:s25+$0x4300]  }
0xfc: {  	v9 =	vld [tilespmem:s25+$0x6300];
	_ =	sdelay $0x1  }
0xfd: {  	v8 =	vadd.f32 v8, v13;
	_ =	sdelay $0x1  }
0xfe: {  	s2 =	simm.s32 $0x100;
	v10 =	vmul.f32 $2.000000030e-01, v8  }
0xff: {  	v11 =	vld [tilespmem:s2+$0x6300];
	v9 =	vadd.f32 v9, v7  }
0x100: {  	v10 =	vmax.f32 v8, v10;
	v8 =	vld [tilespmem:s2+$0x4300]  }
0x101: {  	v12 =	vmul.f32 $2.000000030e-01, v9;
	v10 =	vmul.f32 v10, v6;
	_ =	sdelay $0x1  }
0x102: {  	v12 =	vmax.f32 v9, v12;
	v14 =	vperm.xlane v10, v0  }
0x103: {  	s14 =	simm.s32 $0x180;
	v12 =	vmul.f32 v12, v6  }
0x104: {  	v15 =	vld [tilespmem:s14+$0x6300];
	v10 =	vadd.f32 v10, v14;
	v11 =	vadd.f32 v11, v8  }
0x105: {  	v9 =	vld [tilespmem:s14+$0x4300];
	v17 =	vperm.xlane v12, v0  }
0x106: {  	v14 =	vperm.xlane v10, v1;
	v16 =	vmul.f32 $2.000000030e-01, v11;
	_ =	sdelay $0x1  }
0x107: {  	s15 =	simm.s32 $0x200;
	v12 =	vadd.f32 v12, v17;
	v14 =	vadd.f32 v10, v14;
	v11 =	vmax.f32 v11, v16  }
0x108: {  	v18 =	vld [tilespmem:s15+$0x6300];
	v11 =	vmul.f32 v11, v6  }
0x109: {  	v15 =	vadd.f32 v15, v9;
	v17 =	vperm.xlane v12, v1;
	v10 =	vld [tilespmem:s15+$0x4300];
	v16 =	vperm.xlane v14, v3  }
0x10a: {  	v19 =	vperm.xlane v11, v0  }
0x10b: {  	v12 =	vadd.f32 v12, v17;
	v14 =	vadd.f32 v14, v16;
	v16 =	vmul.f32 $2.000000030e-01, v15  }
0x10c: {  	v17 =	vadd.f32 v11, v19  }
0x10d: {  	s22 =	simm.s32 $0x280;
	v19 =	vperm.xlane v14, v4;
	v15 =	vmax.f32 v15, v16;
	v16 =	vperm.xlane v12, v3  }
0x10e: {  	v11 =	vld [tilespmem:s22+$0x4300];
	v18 =	vadd.f32 v18, v10;
	v15 =	vmul.f32 v15, v6  }
0x10f: {  	v20 =	vperm.xlane v17, v1;
	v14 =	vadd.f32 v14, v19;
	v19 =	vld [tilespmem:s22+$0x6300];
	v12 =	vadd.f32 v12, v16  }
0x110: {  	v16 =	vmul.f32 $2.000000030e-01, v18;
	v21 =	vperm.xlane v15, v0  }
0x111: {  	v17 =	vadd.f32 v17, v20;
	v14 =	vmul.f32 $1.442695020e+00, v14;
	v20 =	vperm.xlane v12, v4  }
0x112: {  	v16 =	vmax.f32 v18, v16;
	v15 =	vadd.f32 v15, v21  }
0x113: {  	v18 =	vperm.xlane v17, v3;
	(erf) = vpow2.f32 v14;
	v12 =	vadd.f32 v12, v20  }
0x114: {  	v21 =	vmul.f32 v16, v6;
	v16 =	vadd.f32 v19, v11  }
0x115: {  	s26 =	simm.s32 $0x300;
	v19 =	vperm.xlane v15, v1;
	v14 =	vadd.f32 v17, v18;
	v18 =	vmul.f32 $1.442695020e+00, v12  }
0x116: {  	v12 =	vld [tilespmem:s26+$0x4300]  }
0x117: {  	v22 =	vperm.xlane v21, v0;
	v15 =	vadd.f32 v15, v19;
	v19 =	vld [tilespmem:s26+$0x6300];
	(erf) = vpow2.f32 v18  }
0x118: {  	v20 =	vmul.f32 $2.000000030e-01, v16  }
0x119: {  	s3 =	simm.s32 $0xE00;
	v13 =	vadd.f32 v5, v13;
	v17 =	vperm.xlane v14, v4;
	v18 =	vadd.f32 v21, v22  }
.LBB2_7:
0x11a: {  	v25 =	vmax.f32 v16, v20  }
0x11b: {  	v21 =	vperm.xlane v15, v3;
	v17 =	vadd.f32 v14, v17;
	v22 =	vmovc v10;
	v10 =	vmovc v11;
	v11 =	vmov v12;
	s18 =	smov.u32 s26;
	s26 =	sshra.s32 s3, $0x2;
	p0 =	sne.s32 s3, $0x7E00  }
.Ltmp2:
0x11c: {  	v12 =	vld [tilespmem:s26+$0x4300];
	v16 =	vadd.f32 v19, v11;
	v23 =	vmul.f32 v25, v6;
	v24 =	vperm.xlane v18, v1;
	v20 =	vpop (erf);
	(pc) =	sbr.rel @p0 .LBB2_7-.Ltmp2, $4  }
0x11d: {  	v19 =	vld [tilespmem:s26+$0x6300];
	v14 =	vadd.f32 v15, v21;
	v21 =	vmul.f32 $1.442695020e+00, v17;
	v13 =	vmul.f32 v20, v13  }
0x11e: {  	s3 =	sadd.s32 $0x200, s3;
	v20 =	vmul.f32 $2.000000030e-01, v16;
	v25 =	vperm.xlane v23, v0  }
0x11f: {  	v15 =	vadd.f32 v18, v24;
	v17 =	vperm.xlane v14, v4;
	(erf) = vpow2.f32 v21;
	[tilespmem:s10+$0x8300] =	vst v13;
	s10 =	smov.u32 s25;
	s25 =	smov.u32 s2;
	s2 =	smov.u32 s14  }
0x120: {  	v13 =	vadd.f32 v5, v7;
	v7 =	vmovc v8;
	v8 =	vmovc v9;
	v9 =	vmov v22;
	s14 =	smov.u32 s15;
	s15 =	smov.u32 s22;
	s22 =	smov.u32 s18;
	v18 =	vadd.f32 v23, v25  }
0x121: {  	_ = 	snop  }
0x122: {  	v19 =	vadd.f32 v19, v12;
	_ =	sdelay $0x1  }
0x123: {  	v21 =	vmul.f32 $2.000000030e-01, v19  }
0x124: {  	v16 =	vmax.f32 v16, v20  }
0x125: {  	v16 =	vmul.f32 v16, v6;
	v19 =	vmax.f32 v19, v21  }
0x126: {  	v19 =	vmul.f32 v19, v6  }
0x127: {  	v38 =	vperm.xlane v16, v0  }
0x128: {  	v39 =	vperm.xlane v19, v0  }
0x129: {  	v16 =	vadd.f32 v16, v38  }
0x12a: {  	v40 =	vperm.xlane v18, v1;
	v19 =	vadd.f32 v19, v39  }
0x12b: {  	v41 =	vperm.xlane v16, v1  }
0x12c: {  	v18 =	vadd.f32 v18, v40;
	v42 =	vperm.xlane v19, v1  }
0x12d: {  	v43 =	vperm.xlane v15, v3;
	v16 =	vadd.f32 v16, v41  }
0x12e: {  	v44 =	vperm.xlane v18, v3;
	v19 =	vadd.f32 v19, v42  }
0x12f: {  	v15 =	vadd.f32 v15, v43;
	v45 =	vperm.xlane v16, v3  }
0x130: {  	v18 =	vadd.f32 v18, v44;
	v46 =	vperm.xlane v19, v3  }
0x131: {  	v47 =	vperm.xlane v15, v4;
	v16 =	vadd.f32 v16, v45  }
0x132: {  	v14 =	vadd.f32 v14, v17;
	v48 =	vperm.xlane v18, v4;
	v19 =	vadd.f32 v19, v46  }
0x133: {  	v15 =	vadd.f32 v15, v47;
	v49 =	vperm.xlane v16, v4  }
0x134: {  	v14 =	vmul.f32 $1.442695020e+00, v14;
	v17 =	vadd.f32 v18, v48;
	v50 =	vperm.xlane v19, v4  }
0x135: {  	v15 =	vmul.f32 $1.442695020e+00, v15;
	v16 =	vadd.f32 v16, v49  }
0x136: {  	(erf) = vpow2.f32 v14;
	v51 =	vmul.f32 $1.442695020e+00, v17;
	v52 =	vadd.f32 v19, v50  }
0x137: {  	(erf) = vpow2.f32 v15;
	v53 =	vmul.f32 $1.442695020e+00, v16  }
0x138: {  	(erf) = vpow2.f32 v51;
	v54 =	vmul.f32 $1.442695020e+00, v52  }
0x139: {  	(erf) = vpow2.f32 v53  }
0x13a: {  	(erf) = vpow2.f32 v54;
	_ =	sdelay $0x2  }
0x13b: {  	v55 =	vpop (erf);
	v7 =	vadd.f32 v5, v7  }
0x13c: {  	v8 =	vadd.f32 v5, v8;
	v13 =	vmul.f32 v55, v13;
	v56 =	vpop (erf)  }
0x13d: {  	v9 =	vadd.f32 v5, v9;
	v7 =	vmul.f32 v56, v7;
	v57 =	vpop (erf)  }
0x13e: {  	v10 =	vadd.f32 v5, v10;
	[tilespmem:s10+$0x8300] =	vst v13;
	v8 =	vmul.f32 v57, v8;
	v58 =	vpop (erf)  }
0x13f: {  	v60 =	vadd.f32 v5, v11;
	[tilespmem:s25+$0x8300] =	vst v7;
	v7 =	vmul.f32 v58, v9;
	v59 =	vpop (erf)  }
0x140: {  	v62 =	vadd.f32 v5, v12;
	[tilespmem:s2+$0x8300] =	vst v8;
	v8 =	vmul.f32 v59, v10;
	v61 =	vpop (erf)  }
0x141: {  	[tilespmem:s14+$0x8300] =	vst v7;
	v7 =	vmul.f32 v61, v60;
	v63 =	vpop (erf)  }
0x142: {  	s24 =	sadd.s32 $0x1, s24;
	[tilespmem:s15+$0x8300] =	vst v8;
	v8 =	vmul.f32 v63, v62  }
0x143: {  	p0 =	sne.s32 s24, $0x4E;
	[tilespmem:s22+$0x8300] =	vst v7  }
.Ltmp3:
0x144: {  	s30 =	simm.s32 $0x280;
	[tilespmem:s26+$0x8300] =	vst v8;
	(pc) =	sbr.rel @p0 .LBB2_4-.Ltmp3, $4  }
0x145: {  	[spmem:s1] =	stream.indirect.scatter.add.f32 [tilespmem:s28], [sflag:$0x7], $0x80, s30, s0, $0xb8;
	[tilespmem:$0x1E380] =	vst v63  }
0x146: {  	_ =	swait.ge [sflag:s29], $0x2000  }
0x147: {  	[sflag:s29] =	ssyncset.done $0x0  }
0x148: {  	[sflag:s29] =	ssyncadd.s32 $0xFFFFE000  }
0x149: {  	_ =	swait.ge [sflag:s16], $0x2000  }
0x14a: {  	[sflag:s16] =	ssyncset.done $0x0  }
0x14b: {  	[sflag:s16] =	ssyncadd.s32 $0xFFFFE000  }
0x14c: {  	_ =	swait.ge [sflag:s17], $0x2000  }
0x14d: {  	[sflag:s17] =	ssyncset.done $0x0  }
0x14e: {  	s10 =	simm.s32 $0x0;
	[sflag:s17] =	ssyncadd.s32 $0xFFFFE000  }
0x14f: {  	v13 =	vld [tilespmem:s10+$0x300]  }
0x150: {  	v8 =	vld [tilespmem:s10+$0x2300]  }
0x151: {  	s23 =	simm.s32 $0x80  }
0x152: {  	v7 =	vld [tilespmem:s23+$0x300]  }
0x153: {  	v9 =	vld [tilespmem:s23+$0x2300];
	_ =	sdelay $0x1  }
0x154: {  	v8 =	vadd.f32 v8, v13;
	_ =	sdelay $0x1  }
0x155: {  	s2 =	simm.s32 $0x100;
	v10 =	vmul.f32 $2.000000030e-01, v8  }
0x156: {  	v11 =	vld [tilespmem:s2+$0x2300];
	v9 =	vadd.f32 v9, v7  }
0x157: {  	v10 =	vmax.f32 v8, v10;
	v8 =	vld [tilespmem:s2+$0x300]  }
0x158: {  	v12 =	vmul.f32 $2.000000030e-01, v9;
	v10 =	vmul.f32 v10, v6;
	_ =	sdelay $0x1  }
0x159: {  	v12 =	vmax.f32 v9, v12;
	v14 =	vperm.xlane v10, v0  }
0x15a: {  	s14 =	simm.s32 $0x180;
	v12 =	vmul.f32 v12, v6  }
0x15b: {  	v15 =	vld [tilespmem:s14+$0x2300];
	v10 =	vadd.f32 v10, v14;
	v11 =	vadd.f32 v11, v8  }
0x15c: {  	v9 =	vld [tilespmem:s14+$0x300];
	v17 =	vperm.xlane v12, v0  }
0x15d: {  	v14 =	vperm.xlane v10, v1;
	v16 =	vmul.f32 $2.000000030e-01, v11;
	_ =	sdelay $0x1  }
0x15e: {  	s15 =	simm.s32 $0x200;
	v12 =	vadd.f32 v12, v17;
	v14 =	vadd.f32 v10, v14;
	v11 =	vmax.f32 v11, v16  }
0x15f: {  	v18 =	vld [tilespmem:s15+$0x2300];
	v11 =	vmul.f32 v11, v6  }
0x160: {  	v15 =	vadd.f32 v15, v9;
	v17 =	vperm.xlane v12, v1;
	v10 =	vld [tilespmem:s15+$0x300];
	v16 =	vperm.xlane v14, v3  }
0x161: {  	v19 =	vperm.xlane v11, v0  }
0x162: {  	v12 =	vadd.f32 v12, v17;
	v14 =	vadd.f32 v14, v16;
	v16 =	vmul.f32 $2.000000030e-01, v15  }
0x163: {  	v17 =	vadd.f32 v11, v19  }
0x164: {  	s22 =	simm.s32 $0x280;
	v19 =	vperm.xlane v14, v4;
	v15 =	vmax.f32 v15, v16;
	v16 =	vperm.xlane v12, v3  }
0x165: {  	v11 =	vld [tilespmem:s22+$0x300];
	v18 =	vadd.f32 v18, v10;
	v15 =	vmul.f32 v15, v6  }
0x166: {  	v20 =	vperm.xlane v17, v1;
	v14 =	vadd.f32 v14, v19;
	v19 =	vld [tilespmem:s22+$0x2300];
	v12 =	vadd.f32 v12, v16  }
0x167: {  	v16 =	vmul.f32 $2.000000030e-01, v18;
	v21 =	vperm.xlane v15, v0  }
0x168: {  	v17 =	vadd.f32 v17, v20;
	v14 =	vmul.f32 $1.442695020e+00, v14;
	v20 =	vperm.xlane v12, v4  }
0x169: {  	v16 =	vmax.f32 v18, v16;
	v15 =	vadd.f32 v15, v21  }
0x16a: {  	v18 =	vperm.xlane v17, v3;
	(erf) = vpow2.f32 v14;
	v12 =	vadd.f32 v12, v20  }
0x16b: {  	v21 =	vmul.f32 v16, v6;
	v16 =	vadd.f32 v19, v11  }
0x16c: {  	s24 =	simm.s32 $0x300;
	v19 =	vperm.xlane v15, v1;
	v14 =	vadd.f32 v17, v18;
	v18 =	vmul.f32 $1.442695020e+00, v12  }
0x16d: {  	v12 =	vld [tilespmem:s24+$0x300]  }
0x16e: {  	v22 =	vperm.xlane v21, v0;
	v15 =	vadd.f32 v15, v19;
	v19 =	vld [tilespmem:s24+$0x2300];
	(erf) = vpow2.f32 v18  }
0x16f: {  	v20 =	vmul.f32 $2.000000030e-01, v16  }
0x170: {  	s3 =	simm.s32 $0xE00;
	v13 =	vadd.f32 v5, v13;
	v17 =	vperm.xlane v14, v4;
	v18 =	vadd.f32 v21, v22  }
.LBB2_10:
0x171: {  	v25 =	vmax.f32 v16, v20  }
0x172: {  	v21 =	vperm.xlane v15, v3;
	v17 =	vadd.f32 v14, v17;
	v22 =	vmovc v10;
	v10 =	vmovc v11;
	v11 =	vmov v12;
	s18 =	smov.u32 s24;
	s24 =	sshra.s32 s3, $0x2;
	p0 =	sne.s32 s3, $0x7E00  }
.Ltmp4:
0x173: {  	v12 =	vld [tilespmem:s24+$0x300];
	v16 =	vadd.f32 v19, v11;
	v23 =	vmul.f32 v25, v6;
	v24 =	vperm.xlane v18, v1;
	v20 =	vpop (erf);
	(pc) =	sbr.rel @p0 .LBB2_10-.Ltmp4, $4  }
0x174: {  	v19 =	vld [tilespmem:s24+$0x2300];
	v14 =	vadd.f32 v15, v21;
	v21 =	vmul.f32 $1.442695020e+00, v17;
	v13 =	vmul.f32 v20, v13  }
0x175: {  	s3 =	sadd.s32 $0x200, s3;
	v20 =	vmul.f32 $2.000000030e-01, v16;
	v25 =	vperm.xlane v23, v0  }
0x176: {  	v15 =	vadd.f32 v18, v24;
	v17 =	vperm.xlane v14, v4;
	(erf) = vpow2.f32 v21;
	[tilespmem:s10+$0x8300] =	vst v13;
	s10 =	smov.u32 s23;
	s23 =	smov.u32 s2;
	s2 =	smov.u32 s14  }
0x177: {  	v13 =	vadd.f32 v5, v7;
	v7 =	vmovc v8;
	v8 =	vmovc v9;
	v9 =	vmov v22;
	s14 =	smov.u32 s15;
	s15 =	smov.u32 s22;
	s22 =	smov.u32 s18;
	v18 =	vadd.f32 v23, v25  }
0x178: {  	_ = 	snop  }
0x179: {  	v19 =	vadd.f32 v19, v12;
	_ =	sdelay $0x1  }
0x17a: {  	v21 =	vmul.f32 $2.000000030e-01, v19  }
0x17b: {  	v16 =	vmax.f32 v16, v20  }
0x17c: {  	v16 =	vmul.f32 v16, v6;
	v19 =	vmax.f32 v19, v21  }
0x17d: {  	v6 =	vmul.f32 v19, v6  }
0x17e: {  	v42 =	vperm.xlane v16, v0  }
0x17f: {  	v43 =	vperm.xlane v6, v0  }
0x180: {  	v16 =	vadd.f32 v16, v42  }
0x181: {  	v44 =	vperm.xlane v18, v1;
	v6 =	vadd.f32 v6, v43  }
0x182: {  	v45 =	vperm.xlane v16, v1  }
0x183: {  	v18 =	vadd.f32 v18, v44;
	v46 =	vperm.xlane v6, v1  }
0x184: {  	v47 =	vperm.xlane v15, v3;
	v16 =	vadd.f32 v16, v45  }
0x185: {  	v48 =	vperm.xlane v18, v3;
	v6 =	vadd.f32 v6, v46  }
0x186: {  	v15 =	vadd.f32 v15, v47;
	v49 =	vperm.xlane v16, v3  }
0x187: {  	v18 =	vadd.f32 v18, v48;
	v50 =	vperm.xlane v6, v3  }
0x188: {  	v21 =	vperm.xlane v15, v4;
	v16 =	vadd.f32 v16, v49  }
0x189: {  	v14 =	vadd.f32 v14, v17;
	v51 =	vperm.xlane v18, v4;
	v6 =	vadd.f32 v6, v50  }
0x18a: {  	v15 =	vadd.f32 v15, v21;
	v19 =	vperm.xlane v16, v4  }
0x18b: {  	v14 =	vmul.f32 $1.442695020e+00, v14;
	v17 =	vadd.f32 v18, v51;
	v52 =	vperm.xlane v6, v4  }
0x18c: {  	v15 =	vmul.f32 $1.442695020e+00, v15;
	v16 =	vadd.f32 v16, v19  }
0x18d: {  	(erf) = vpow2.f32 v14;
	v53 =	vmul.f32 $1.442695020e+00, v17;
	v6 =	vadd.f32 v6, v52  }
0x18e: {  	(erf) = vpow2.f32 v15;
	v54 =	vmul.f32 $1.442695020e+00, v16  }
0x18f: {  	(erf) = vpow2.f32 v53;
	v6 =	vmul.f32 $1.442695020e+00, v6  }
0x190: {  	(erf) = vpow2.f32 v54  }
0x191: {  	(erf) = vpow2.f32 v6;
	_ =	sdelay $0x2  }
0x192: {  	v7 =	vadd.f32 v5, v7;
	v6 =	vpop (erf)  }
0x193: {  	v8 =	vadd.f32 v5, v8;
	v55 =	vpop (erf);
	v6 =	vmul.f32 v6, v13  }
0x194: {  	v9 =	vadd.f32 v5, v9;
	v56 =	vpop (erf);
	v7 =	vmul.f32 v55, v7  }
0x195: {  	v58 =	vadd.f32 v5, v10;
	v57 =	vpop (erf);
	[tilespmem:s10+$0x8300] =	vst v6;
	v6 =	vmul.f32 v56, v8  }
0x196: {  	v60 =	vadd.f32 v5, v11;
	v59 =	vpop (erf);
	[tilespmem:s23+$0x8300] =	vst v7;
	v7 =	vmul.f32 v57, v9  }
0x197: {  	v62 =	vadd.f32 v5, v12;
	[tilespmem:s2+$0x8300] =	vst v6;
	v6 =	vmul.f32 v59, v58;
	v61 =	vpop (erf)  }
0x198: {  	[tilespmem:s14+$0x8300] =	vst v7;
	v7 =	vmul.f32 v61, v60;
	v63 =	vpop (erf)  }
0x199: {  	[tilespmem:s15+$0x8300] =	vst v6;
	v6 =	vmul.f32 v63, v62  }
0x19a: {  	[tilespmem:s22+$0x8300] =	vst v7  }
0x19b: {  	s23 =	simm.s32 $0x100;
	[tilespmem:s24+$0x8300] =	vst v6  }
0x19c: {  	[spmem:s1] =	stream.indirect.scatter.add.f32 [tilespmem:s28], [sflag:$0x7], $0x80, s23, s0, $0xb8;
	[tilespmem:$0x1E380] =	vst v63  }
0x19d: {  	_ =	swait.ge [sflag:s29], $0x2000  }
0x19e: {  	[sflag:s29] =	ssyncset.done $0x0  }
0x19f: {  	[sflag:s29] =	ssyncadd.s32 $0xFFFFE000  }
0x1a0: {  	_ =	swait.ge [sflag:s13], $0x80  }
0x1a1: {  	[sflag:s13] =	ssyncset.done $0x0  }
0x1a2: {  	[sflag:s13] =	ssyncadd.s32 $0xFFFFFF80  }
0x1a3: {  	_ =	swait.ge [sflag:s13], $0x80  }
0x1a4: {  	[sflag:s13] =	ssyncset.done $0x0  }
0x1a5: {  	[sflag:s13] =	ssyncadd.s32 $0xFFFFFF80  }
0x1a6: {  	s24 =	stileid.u32;
	[bflag:$0x0] =	sbarrier.arrive $0xFFFF  }
0x1a7: {  	s2 =	sshll.u32 s24, $0x6;
	s10 =	rddreg [dreg:$0x5]  }
0x1a8: {  	s2 =	sor.u32 $0x1C07, s2;
	s25 =	rddreg [dreg:$0xa];
	s3 =	sshrl.u32 s10, $0x3  }
0x1a9: {  	[hbm:s25], [sflag:s2] =	dma.local [spmem:s3], $0x2800  }
0x1aa: {  	_ =	swait.ge [sflag:s29], $0x2800  }
0x1ab: {  	s26 =	rddreg [dreg:$0x3]  }
0x1ac: {  	s30 =	rddreg [dreg:$0x13];
	s14 =	sadd.s32 $0x1, s26  }
0x1ad: {  	p0 =	sne.s32 s14, s30  }
.Ltmp5:
0x1ae: {  	_ = 	snop;
	(pc) =	sbr.rel @p0 .LBB2_1-.Ltmp5, $3  }
0x1af: {  	_ =	sdelay $0x1  }
0x1b0: {  	[sflag:s29] =	ssyncset.done $0x0  }
0x1b1: {  	[sflag:s29] =	ssyncadd.s32 $0xFFFFD800  }
0x1b2: {  	_ =	sfence.sel $0x180000  }
0x1b3: {  	[bflag:$0x0] =	sbarrier.arrive $0xFFFF  }
0x1b4: {  	_ =	strace $0x9000004A  }
0x1b5: {  	s0 =	stileid.u32;
	[bflag:$0x2] =	sbarrier.arrive $0xFFFF  }
0x1b6: {  	p0 =	sne.s32 s0, $0x0;
	s0 =	rddreg [dreg:$0x2]  }
0x1b7: {  	s0 =	sadd.s32 @!p0 $0x100000, s0  }
0x1b8: {  	[sflag:s0] =	ssyncadd.tile.s32 @!p0 $0x1;
	_ =	shalt  }
.Lfunc_end2:
_tile_overlayer_lowered:
.L_overlay_start_2:
0x1b9: {  	(tag) =	ssettag $0x2  }
0x1ba: {  	s0 =	rddreg [dreg:$0x0];
	s2 =	stileid.u32  }
0x1bb: {  	s1 =	rddreg [dreg:$0x1];
	p0 =	sne.s32 s2, $0x0  }
0x1bc: {  	s3 =	rddreg [dreg:$0x2];
	[bflag:$0x3] =	sbarrier.arrive $0xFFFF;
	s2 =	simm.s32 @!p0 $0x1C07  }
0x1bd: {  	[timem:s3], [sflag:s2] =	dma.local @!p0 [hbm:s0], s1  }
0x1be: {  	s0 =	simm.s32 @!p0 $0x7  }
0x1bf: {  	_ =	swait.ge @!p0 [sflag:s0], s1  }
0x1c0: {  	s1 =	ssub.s32 @!p0 $0x0, s1;
	[sflag:s0] =	ssyncset.done @!p0 $0x0  }
0x1c1: {  	[sflag:s0] =	ssyncadd.s32 @!p0 s1  }
0x1c2: {  	[bflag:$0x3] =	sbarrier.arrive $0xFFFF  }
0x1c3: {  	_ =	shalt  }

// kernel: kernel.7.cloned.1.call-start
scs
__scs_entry_jumppad:
0x0: {  	(pc) =	sbr.rel $0x88, $3  }
0x1: {  	(tag) =	ssettag $0x0;
	lr =	simm.s32 $0x1  }
0x2: {  	[smem:$0x3F8E] =	sst lr;
	_ =	strace $0xD0000000  }
0x3: {  	_ = 	snop  }
0x4: {  	_ = 	snop  }
0x5: {  	_ = 	snop  }
0x6: {  	_ = 	snop  }
0x7: {  	_ = 	snop  }
__scs_overlays_trampoline_lowered:
0x8: {  	[smem:$0x3F9D] =	sst s0  }
0x9: {  	[smem:$0x3F9E] =	sst s1  }
0xa: {  	[smem:$0x3F9F] =	sst s2  }
0xb: {  	[smem:$0x3FA0] =	sst s3  }
0xc: {  	[smem:$0x3FA1] =	sst s4  }
0xd: {  	[smem:$0x3FA2] =	sst s5  }
0xe: {  	[smem:$0x3FA3] =	sst s6  }
0xf: {  	[smem:$0x3FA4] =	sst s7  }
0x10: {  	[smem:$0x3FA5] =	sst s8  }
0x11: {  	[smem:$0x3FA6] =	sst s9;
	s0 =	simm.s32 @!p0 $0x0  }
0x12: {  	s1 =	sld [smem:$0x3F8C];
	s0 =	simm.s32 @p0 $0x1  }
0x13: {  	[smem:$0x3FA7] =	sst s0;
	s0 =	simm.s32 @!p1 $0x0  }
0x14: {  	s2 =	sld [smem:$0x3F8B];
	s0 =	simm.s32 @p1 $0x1  }
0x15: {  	[smem:$0x3FA8] =	sst s0;
	s0 =	simm.s32 @!p2 $0x0  }
0x16: {  	s3 =	sld [smem:$0x3FDB];
	s0 =	simm.s32 @p2 $0x1  }
0x17: {  	s4 =	simm.s32 $0x1BF5;
	[smem:$0x3FAA] =	sst s0  }
0x18: {  	s0 =	sld [smem:$0x3F8D];
	_ =	swait.ge [sflag:s4], $0x0  }
0x19: {  	s7 =	sld [smem:$0x3F8E]  }
0x1a: {  	s8 =	sadd.s32 $0xFFFFE003, lr  }
0x1b: {  	s9 =	sadd.s32 $0xFFFFFEF7, lr;
	s5 =	simm.s32 $0xFFFFFFFF;
	p2 =	slt.u32 s8, $0xFFFFF086  }
0x1c: {  	p1 =	slt.u32 s9, $0xF7A;
	s5 =	simm.s32 @!p2 $0x0  }
0x1d: {  	s5 =	simm.s32 @p1 $0x1;
	p0 =	seq.s32 s7, s2  }
0x1e: {  	s7 =	smul.u32 @!p0 $0xF7A, s2;
	p2 =	seq.s32 @!p0 s5, $0x0  }
0x1f: {  	s9 =	smul.u32 $0xF7A, s1;
	s8 =	simm.s32 @!p0 $0x1BF5;
	p2 =	por !p2, p0  }
0x20: {  	[sflag:s8] =	ssyncset.s32 @!p0 $0xFFFFF086;
	s6 =	sadd.s32 @!p0 s3, s7;
	s7 =	simm.s32 @!p0 $0x108  }
0x21: {  	s3 =	sadd.s32 s3, s9;
	s6 =	sadd.s32 @!p0 $0x88, s6;
	s7 =	simm.s32 @p2 $0x1082  }
0x22: {  	[simem:s7], [sflag:s8] =	dma.local @!p0 [hbm:s6], $0xF7A  }
0x23: {  	s9 =	sor.u32 $0xD0000000, s2;
	s6 =	simm.s32 $0x108;
	_ =	swait.ge @!p0 [sflag:s8], $0x0  }
0x24: {  	s3 =	sadd.s32 $0x88, s3;
	s6 =	simm.s32 @!p1 $0x1082;
	[sflag:s4] =	ssyncset.s32 $0xFFFFF086  }
0x25: {  	[simem:s6], [sflag:s4] =	dma.local [hbm:s3], $0xF7A  }
0x26: {  	[smem:$0x3F8E] =	sst s1;
	(tag) =	ssettag s2;
	_ =	strace s9  }
0x27: {  	s1 =	sld [smem:$0x3F9E]  }
0x28: {  	s2 =	sld [smem:$0x3F9F]  }
0x29: {  	s4 =	sld [smem:$0x3FA1]  }
0x2a: {  	p0 =	seq.s32 s5, $0x0;
	s5 =	sld [smem:$0x3FA2]  }
0x2b: {  	s6 =	sld [smem:$0x3FA3]  }
0x2c: {  	s7 =	sld [smem:$0x3FA4]  }
0x2d: {  	s3 =	simm.s32 $0x108;
	s8 =	sld [smem:$0x3FA5]  }
0x2e: {  	s3 =	simm.s32 @!p0 $0x1082;
	s9 =	sld [smem:$0x3FA6]  }
0x2f: {  	lr =	sadd.s32 s0, s3;
	s0 =	sld [smem:$0x3F9D]  }
0x30: {  	s3 =	sld [smem:$0x3FA0]  }
0x31: {  	[smem:$0x3FA9] =	sst s10  }
0x32: {  	s10 =	sld [smem:$0x3FA7];
	_ =	sdelay $0x3  }
0x33: {  	p0 =	seq.s32 s10, $0x1;
	s10 =	sld [smem:$0x3FA9];
	_ =	sdelay $0x3  }
0x34: {  	[smem:$0x3FA9] =	sst s10  }
0x35: {  	s10 =	sld [smem:$0x3FA8];
	_ =	sdelay $0x3  }
0x36: {  	p1 =	seq.s32 s10, $0x1;
	s10 =	sld [smem:$0x3FA9];
	_ =	sdelay $0x3  }
0x37: {  	[smem:$0x3FA9] =	sst s10  }
0x38: {  	s10 =	sld [smem:$0x3FAA]  }
0x39: {  	_ = 	snop;
	(pc) =	sbr.ind lr, $3  }
0x3a: {  	_ = 	snop  }
0x3b: {  	_ = 	snop  }
0x3c: {  	p2 =	seq.s32 s10, $0x1;
	s10 =	sld [smem:$0x3FA9]  }
0x3d: {  	_ =	shalt  }
0x3e: {  	_ =	shalt  }
0x3f: {  	_ =	shalt  }
0x40: {  	_ =	shalt  }
0x41: {  	_ =	shalt  }
0x42: {  	_ =	shalt  }
0x43: {  	_ =	shalt  }
0x44: {  	_ =	shalt  }
0x45: {  	_ =	shalt  }
0x46: {  	_ =	shalt  }
0x47: {  	_ =	shalt  }
0x48: {  	_ =	shalt  }
0x49: {  	_ =	shalt  }
0x4a: {  	_ =	shalt  }
0x4b: {  	_ =	shalt  }
0x4c: {  	_ =	shalt  }
0x4d: {  	_ =	shalt  }
0x4e: {  	_ =	shalt  }
0x4f: {  	_ =	shalt  }
0x50: {  	_ =	shalt  }
0x51: {  	_ =	shalt  }
0x52: {  	_ =	shalt  }
0x53: {  	_ =	shalt  }
0x54: {  	_ =	shalt  }
0x55: {  	_ =	shalt  }
0x56: {  	_ =	shalt  }
0x57: {  	_ =	shalt  }
0x58: {  	_ =	shalt  }
0x59: {  	_ =	shalt  }
0x5a: {  	_ =	shalt  }
0x5b: {  	_ =	shalt  }
0x5c: {  	_ =	shalt  }
0x5d: {  	_ =	shalt  }
0x5e: {  	_ =	shalt  }
0x5f: {  	_ =	shalt  }
0x60: {  	_ =	shalt  }
0x61: {  	_ =	shalt  }
0x62: {  	_ =	shalt  }
0x63: {  	_ =	shalt  }
0x64: {  	_ =	shalt  }
0x65: {  	_ =	shalt  }
0x66: {  	_ =	shalt  }
0x67: {  	_ =	shalt  }
0x68: {  	_ =	shalt  }
0x69: {  	_ =	shalt  }
0x6a: {  	_ =	shalt  }
0x6b: {  	_ =	shalt  }
0x6c: {  	_ =	shalt  }
0x6d: {  	_ =	shalt  }
0x6e: {  	_ =	shalt  }
0x6f: {  	_ =	shalt  }
0x70: {  	_ =	shalt  }
0x71: {  	_ =	shalt  }
0x72: {  	_ =	shalt  }
0x73: {  	_ =	shalt  }
0x74: {  	_ =	shalt  }
0x75: {  	_ =	shalt  }
0x76: {  	_ =	shalt  }
0x77: {  	_ =	shalt  }
0x78: {  	_ =	shalt  }
0x79: {  	_ =	shalt  }
0x7a: {  	_ =	shalt  }
0x7b: {  	_ =	shalt  }
0x7c: {  	_ =	shalt  }
0x7d: {  	_ =	shalt  }
0x7e: {  	_ =	shalt  }
0x7f: {  	_ =	shalt  }
0x80: {  	_ =	shalt  }
0x81: {  	_ =	shalt  }
0x82: {  	_ =	shalt  }
0x83: {  	_ =	shalt  }
0x84: {  	_ =	shalt  }
0x85: {  	_ =	shalt  }
0x86: {  	_ =	shalt  }
0x87: {  	_ =	shalt  }
.Lfunc_end0:
.L_simem_size_0:
called_computation_lowered:
.L_overlay_start_0:
0x88: {  	s2 =	sld [smem:$0x3FD9]  }
0x89: {  	s3 =	sld [smem:$0x3FFE];
	_ =	sdelay $0x1  }
0x8a: {  	s1 =	srdreg.scid  }
0x8b: {  	s0 =	sand.u32 $0x1, s1  }
0x8c: {  	s16 =	sshll.u32 s0, $0xA;
	s2 =	sadd.s32 s3, s2  }
0x8d: {  	s2 =	sadd.s32 s2, s16  }
0x8e: {  	[smem:$0x3FB5] =	sst s2  }
0x8f: {  	_ = 	snop  }
0x90: {  	(tm) =	ssettm $0x1  }
0x91: {  	s17 =	sld [smem:$0x3FFB];
	_ =	sdelay $0x3  }
0x92: {  	_ =	strace s17  }
0x93: {  	s2 =	sld [smem:$0x3FFC];
	_ =	sdelay $0x3  }
0x94: {  	_ =	strace s2  }
0x95: {  	s2 =	sld [smem:$0x3FFD];
	_ =	sdelay $0x3  }
0x96: {  	_ =	strace s2  }
0x97: {  	_ =	strace $0x8FFFFFFF  }
0x98: {  	s18 =	sld [smem:$0x3FDB];
	_ =	sdelay $0x1  }
0x99: {  	s19 =	simm.s32 $_scs_section_size  }
0x9a: {  	s4 =	simm.s32 $_size__tile_overlayer_lowered;
	s5 =	simm.s32 $_tile_overlayer_lowered  }
0x9b: {  	s22 =	simm.s32 $0x1BFF;
	s21 =	sshll.u32 s5, $0x1;
	s2 =	sadd.s32 s19, s18  }
0x9c: {  	s6 =	simm.s32 $0x0;
	s20 =	sshll.u32 s4, $0x1;
	s4 =	sadd.s32 s21, s2  }
0x9d: {  	[timem:s6], [sflag:s22] =	dma.local [hbm:s4], s20  }
0x9e: {  	_ =	swait.ge [sflag:s22], s20  }
0x9f: {  	s3 =	ssub.s32 $0x0, s20;
	[sflag:s22] =	ssyncset.done $0x0  }
0xa0: {  	[sflag:s22] =	ssyncadd.s32 s3;
	_ =	sdelay $0x1  }
0xa1: {  	s23 =	simm.s32 $0x1B8B  }
0xa2: {  	_ =	swait.ge [sflag:s23], $0x1  }
0xa3: {  	[sflag:s23] =	ssyncset.done $0x0  }
0xa4: {  	s25 =	simm.s32 $0x1B8E;
	s24 =	sld [smem:$0x3FFE];
	[sflag:s23] =	ssyncadd.s32 $0xFFFFFFFF  }
0xa5: {  	s26 =	simm.s32 $execute0_lowered;
	[smem:$0x3FD2] =	sst s25  }
0xa6: {  	s4 =	sshll.u32 s26, $0x1;
	_ =	strace $0x80000046;
	[dreg:$0x1] =	wrdreg $0xFFFFFFFF  }
0xa7: {  	s28 =	simm.s32 $_size_execute0_lowered;
	s2 =	sadd.s32 s2, s4;
	[dreg:$0x0] =	wrdreg $0x0  }
0xa8: {  	s4 =	sshll.u32 s28, $0x1;
	[dreg:$0x2] =	wrdreg s2  }
0xa9: {  	[dreg:$0x3] =	wrdreg s4  }
0xaa: {  	[dreg:$0x4] =	wrdreg $0xC0  }
0xab: {  	_ =	task [dreg:s6], $0x5FFFF  }
0xac: {  	[dreg:$0x1] =	wrdreg $0xFFFFFFFF  }
0xad: {  	[dreg:$0x0] =	wrdreg $0x60  }
0xae: {  	[dreg:$0x2] =	wrdreg s24  }
0xaf: {  	[dreg:$0x3] =	wrdreg $0xA6000  }
0xb0: {  	[dreg:$0x4] =	wrdreg $0x9  }
0xb1: {  	_ =	task.clear_ibuf [dreg:s6], $0x5FFFF;
	_ =	strace $0x90000046  }
0xb2: {  	s29 =	simm.s32 $0x9;
	_ =	strace $0x80000048  }
0xb3: {  	_ =	swait.ge [sflag:s29], $0x1  }
0xb4: {  	[sflag:s29] =	ssyncadd.s32 $0xFFFFFFFF  }
0xb5: {  	_ =	strace $0x90000048  }
0xb6: {  	_ =	sfence  }
0xb7: {  	s30 =	sld [smem:$0x0];
	_ =	sdelay $0x2  }
0xb8: {  	s31 =	sshll.u32 s1, $0xD;
	s1 =	sshrl.u32 s1, $0x2  }
0xb9: {  	s3 =	sand.u32 $0x4000, s31;
	s1 =	sadd.s32 s1, s30  }
0xba: {  	s0 =	sor.u32 s3, s0;
	s1 =	sshll.u32 s1, $0x11  }
0xbb: {  	s0 =	sor.u32 s1, s0  }
0xbc: {  	s0 =	sadd.s32 $0x8F2B, s0  }
0xbd: {  	[sflag:s0] =	ssyncadd.remote.s32 $0x1  }
0xbe: {  	_ =	sfence.sel $0xFFFF  }
0xbf: {  	[dreg:$0x0] =	wrdreg $0xFFFFFFFF;
	(pc) =	sbr.abs _section_cstart, $3  }
0xc0: {  	[dreg:$0x1] =	wrdreg $0xFFFFFFFF  }
0xc1: {  	_ =	task.clear_ibuf [dreg:s6], $0x2FFFF;
	_ =	strace $0x9FFFFFFF  }
0xc2: {  	(tm) =	ssettm $0x7FFFFFFF  }
0xc3: {  	_ =	shalt  }
tec
execute0_lowered:
.L_overlay_start_1:
0x0: {  	(tag) =	ssettag $0x1  }
0x1: {  	s0 =	rddreg [dreg:$0x0]  }
0x2: {  	s1 =	rddreg [dreg:$0x1];
	s15 =	simm.s32 $0x0;
	s2 =	srdreg.scid  }
0x3: {  	s11 =	stileid.u32;
	s28 =	simm.s32 $0x8400;
	s29 =	simm.s32 $0x7  }
0x4: {  	s31 =	simm.s32 $0x80;
	s30 =	simm.s32 $0x400;
	s8 =	smul.u32 $0x14000, s11  }
0x5: {  	[smem:$0x7FF] =	sst s15;
	s2 =	sand.u32 $0x1, s2;
	s17 =	smul.u32 $0x50000, s11  }
0x6: {  	s4 =	sadd.s32 $0x3200, s0;
	s5 =	sadd.s32 $0x16C00, s0;
	s20 =	smul.u32 $0x13A0, s11  }
0x7: {  	s6 =	sadd.s32 $0x2A800, s0;
	s7 =	sadd.s32 $0x51A00, s0;
	s3 =	smul.u32 $0x140000, s2  }
0x8: {  	_ =	strace $0x80000047;
	s9 =	sshll.u32 s2, $0x6;
	s2 =	ssub.s32 $0x2, s2  }
0x9: {  	s10 =	sadd.s32 s9, s0;
	s18 =	sshrl.u32 s2, $0x1;
	s19 =	sshrl.u32 s17, $0x2  }
0xa: {  	s22 =	sadd.s32 s4, s20;
	s23 =	sadd.s32 s5, s20;
	s24 =	sor.u32 $0x10, s20  }
0xb: {  	s14 =	sor.u32 $0x420, s9;
	s17 =	sor.u32 $0x2420, s9;
	[dreg:$0x6] =	wrdreg s22  }
0xc: {  	s20 =	sor.u32 $0x6420, s9;
	s21 =	sadd.s32 $0x2A600, s10;
	[dreg:$0x7] =	wrdreg s23  }
0xd: {  	s3 =	sadd.s32 s8, s3;
	s26 =	sadd.s32 s4, s24;
	[dreg:$0x5] =	wrdreg s21  }
0xe: {  	s2 =	ssub.s32 s2, s18;
	s8 =	sadd.s32 s5, s24;
	[dreg:$0xa] =	wrdreg s26  }
0xf: {  	s16 =	sadd.s32 s19, s1;
	s10 =	smul.u32 $0x13A, s11;
	[dreg:$0xb] =	wrdreg s8  }
0x10: {  	s19 =	sor.u32 $0x4420, s9;
	s25 =	sadd.s32 $0x2000, s16;
	[dreg:$0x4] =	wrdreg s16  }
0x11: {  	v0 =	vimm.s32 $0xEFCDAB89;
	s9 =	simm.s32 $0x2400;
	s11 =	smax.u32 s2, $0x1;
	[dreg:$0x9] =	wrdreg s25  }
0x12: {  	v1 =	vimm.s32 $0x67452301;
	v4 =	vunpack.c.l.s4.s8 v0;
	v0 =	vmov s14;
	s14 =	simm.s32 $0x6;
	s12 =	sadd.s32 $0x4000, s16;
	[dreg:$0xc] =	wrdreg s11  }
0x13: {  	v5 =	vunpack.c.l.s4.s8 v1;
	v1 =	vmov s17;
	s17 =	simm.s32 $0x6400;
	s18 =	sadd.s32 $0x6000, s16;
	[dreg:$0xd] =	wrdreg s12  }
0x14: {  	v2 =	vimm.s32 $0xDCFE98BA;
	v8 =	vimm.s32 $0xBA98FEDC;
	v3 =	vmov s20;
	s20 =	simm.s32 $0x180;
	s21 =	sadd.s32 $0x8000, s16;
	[dreg:$0xe] =	wrdreg s18  }
0x15: {  	v9 =	vimm.s32 $0xFEDCBA98;
	v6 =	vunpack.c.l.s4.s8 v2;
	v2 =	vimm.s32 $0x54761032;
	s3 =	sshrl.u32 s3, $0x3;
	s22 =	sadd.s32 $0xA000, s16;
	[dreg:$0xf] =	wrdreg s21  }
0x16: {  	v10 =	vimm.s32 $0x32107654;
	v11 =	vimm.s32 $0x76543210;
	v7 =	vunpack.c.l.s4.s8 v2;
	s23 =	sadd.s32 $0xC000, s16;
	s24 =	sadd.s32 $0xE000, s16;
	[dreg:$0x10] =	wrdreg s22  }
0x17: {  	v9 =	vunpack.c.l.s4.s8 v9;
	v4 =	vunpack.c.0.s8.s32 v4;
	v5 =	vunpack.c.0.s8.s32 v5;
	s26 =	sadd.s32 $0x12000, s16;
	s2 =	simm.s32 $0x100;
	[dreg:$0x11] =	wrdreg s23  }
0x18: {  	v6 =	vunpack.c.0.s8.s32 v6;
	v7 =	vunpack.c.0.s8.s32 v7;
	v2 =	vmov s19;
	s19 =	simm.s32 $0x2;
	s0 =	sadd.s32 s3, s0;
	[dreg:$0x12] =	wrdreg s24  }
0x19: {  	v8 =	vunpack.c.l.s4.s8 v8;
	v10 =	vunpack.c.l.s4.s8 v10;
	v11 =	vunpack.c.l.s4.s8 v11;
	s13 =	sadd.s32 $0x139, s10;
	s25 =	sadd.s32 $0x10000, s16;
	[dreg:$0x14] =	wrdreg s26  }
0x1a: {  	v4 =	vcombine.low v5, v4;
	s11 =	simm.s32 $0x200;
	v5 =	vcombine.low v7, v6;
	v7 =	vunpack.c.0.s8.s32 v9;
	s12 =	simm.s32 $0x280;
	s18 =	simm.s32 $0x1  }
0x1b: {  	v8 =	vunpack.c.0.s8.s32 v8;
	v9 =	vunpack.c.0.s8.s32 v10;
	v10 =	vunpack.c.0.s8.s32 v11;
	s21 =	simm.s32 $0x5;
	s22 =	simm.s32 $0x3;
	s23 =	simm.s32 $0x4  }
0x1c: {  	vm0 =	vcmask $0x300;
	v6 =	vimm.f32 $0.0e+00;
	s24 =	simm.s32 $0x380;
	s0 =	sadd.s32 $0x78C00, s0;
	[dreg:$0x13] =	wrdreg s25;
	v11 =	vand.u32 $0xF, v7  }
0x1d: {  	s25 =	simm.s32 $0x0;
	[dreg:$0x8] =	wrdreg s0;
	s0 =	simm.s32 $0x40;
	v7 =	vcombine.low v9, v8;
	v9 =	vsel vm0, $0x3F800000, v6;
	v8 =	vcombine.low v11, v10  }
.LBB2_1:
0x1e: {  	[dreg:$0x3] =	wrdreg s15;
	s3 =	simm.s32 $0x0;
	s8 =	simm.s32 $0x200  }
.LBB2_2:
0x1f: {  	p0 =	sne.s32 s8, $0x7E00;
	[tilespmem:s3+$0x8470] =	vst v6  }
0x20: {  	[tilespmem:s3+$0x8400] =	vst v6  }
0x21: {  	[tilespmem:s3+$0x8410] =	vst v6  }
.Ltmp0:
0x22: {  	[tilespmem:s3+$0x8420] =	vst v6;
	(pc) =	sbr.rel @p0 .LBB2_2-.Ltmp0, $4  }
0x23: {  	[tilespmem:s3+$0x8430] =	vst v6  }
0x24: {  	[tilespmem:s3+$0x8440] =	vst v6  }
0x25: {  	[tilespmem:s3+$0x8450] =	vst v6  }
0x26: {  	[tilespmem:s3+$0x8460] =	vst v6;
	s3 =	sshra.s32 s8, $0x2;
	s8 =	sadd.s32 $0x200, s8  }
0x27: {  	[tilespmem:s3+$0x8470] =	vst v6  }
0x28: {  	[tilespmem:s3+$0x8400] =	vst v6  }
0x29: {  	[tilespmem:s3+$0x8410] =	vst v6  }
0x2a: {  	[tilespmem:s3+$0x8420] =	vst v6  }
0x2b: {  	[tilespmem:s3+$0x8430] =	vst v6  }
0x2c: {  	[tilespmem:s3+$0x8440] =	vst v6  }
0x2d: {  	[tilespmem:s3+$0x8450] =	vst v6  }
0x2e: {  	[tilespmem:s3+$0x8460] =	vst v6  }
0x2f: {  	[spmem:s16] =	stream.linear.scatter [tilespmem:s28], [sflag:$0x7], $0x2000, $0x38;
	[tilespmem:$0x1E600] =	vst v63  }
0x30: {  	_ =	swait.ge [sflag:s29], $0x2000  }
0x31: {  	[sflag:s29] =	ssyncset.done $0x0  }
0x32: {  	s16 =	rddreg [dreg:$0x9];
	[sflag:s29] =	ssyncadd.s32 $0xFFFFE000  }
0x33: {  	[spmem:s16] =	stream.linear.scatter [tilespmem:s28], [sflag:$0x7], $0x2000, $0x38;
	[tilespmem:$0x1E600] =	vst v63  }
0x34: {  	_ =	swait.ge [sflag:s29], $0x2000  }
0x35: {  	[sflag:s29] =	ssyncset.done $0x0  }
0x36: {  	s26 =	rddreg [dreg:$0xd];
	[sflag:s29] =	ssyncadd.s32 $0xFFFFE000  }
0x37: {  	[spmem:s26] =	stream.linear.scatter [tilespmem:s28], [sflag:$0x7], $0x2000, $0x38;
	[tilespmem:$0x1E600] =	vst v63  }
0x38: {  	_ =	swait.ge [sflag:s29], $0x2000  }
0x39: {  	[sflag:s29] =	ssyncset.done $0x0  }
0x3a: {  	s8 =	rddreg [dreg:$0xe];
	[sflag:s29] =	ssyncadd.s32 $0xFFFFE000  }
0x3b: {  	[spmem:s8] =	stream.linear.scatter [tilespmem:s28], [sflag:$0x7], $0x2000, $0x38;
	[tilespmem:$0x1E600] =	vst v63  }
0x3c: {  	_ =	swait.ge [sflag:s29], $0x2000  }
0x3d: {  	[sflag:s29] =	ssyncset.done $0x0  }
0x3e: {  	s15 =	rddreg [dreg:$0xf];
	[sflag:s29] =	ssyncadd.s32 $0xFFFFE000  }
0x3f: {  	[spmem:s15] =	stream.linear.scatter [tilespmem:s28], [sflag:$0x7], $0x2000, $0x38;
	[tilespmem:$0x1E600] =	vst v63  }
0x40: {  	_ =	swait.ge [sflag:s29], $0x2000  }
0x41: {  	[sflag:s29] =	ssyncset.done $0x0  }
0x42: {  	s16 =	rddreg [dreg:$0x10];
	[sflag:s29] =	ssyncadd.s32 $0xFFFFE000  }
0x43: {  	[spmem:s16] =	stream.linear.scatter [tilespmem:s28], [sflag:$0x7], $0x2000, $0x38;
	[tilespmem:$0x1E600] =	vst v63  }
0x44: {  	_ =	swait.ge [sflag:s29], $0x2000  }
0x45: {  	[sflag:s29] =	ssyncset.done $0x0  }
0x46: {  	s26 =	rddreg [dreg:$0x11];
	[sflag:s29] =	ssyncadd.s32 $0xFFFFE000  }
0x47: {  	[spmem:s26] =	stream.linear.scatter [tilespmem:s28], [sflag:$0x7], $0x2000, $0x38;
	[tilespmem:$0x1E600] =	vst v63  }
0x48: {  	_ =	swait.ge [sflag:s29], $0x2000  }
0x49: {  	[sflag:s29] =	ssyncset.done $0x0  }
0x4a: {  	s8 =	rddreg [dreg:$0x12];
	[sflag:s29] =	ssyncadd.s32 $0xFFFFE000  }
0x4b: {  	[spmem:s8] =	stream.linear.scatter [tilespmem:s28], [sflag:$0x7], $0x2000, $0x38;
	[tilespmem:$0x1E600] =	vst v63  }
0x4c: {  	_ =	swait.ge [sflag:s29], $0x2000  }
0x4d: {  	[sflag:s29] =	ssyncset.done $0x0  }
0x4e: {  	s15 =	rddreg [dreg:$0x13];
	[sflag:s29] =	ssyncadd.s32 $0xFFFFE000  }
0x4f: {  	[spmem:s15] =	stream.linear.scatter [tilespmem:s28], [sflag:$0x7], $0x2000, $0x38;
	[tilespmem:$0x1E600] =	vst v63  }
0x50: {  	_ =	swait.ge [sflag:s29], $0x2000  }
0x51: {  	[sflag:s29] =	ssyncset.done $0x0  }
0x52: {  	s16 =	rddreg [dreg:$0x14];
	[sflag:s29] =	ssyncadd.s32 $0xFFFFE000  }
0x53: {  	[spmem:s16] =	stream.linear.scatter [tilespmem:s28], [sflag:$0x7], $0x2000, $0x38;
	[tilespmem:$0x1E600] =	vst v63  }
0x54: {  	_ =	swait.ge [sflag:s29], $0x2000  }
0x55: {  	[sflag:s29] =	ssyncset.done $0x0  }
0x56: {  	s8 =	simm.s32 $0xA400;
	s26 =	rddreg [dreg:$0x5];
	[sflag:s29] =	ssyncadd.s32 $0xFFFFE000  }
0x57: {  	[tilespmem:s8], [sflag:$0x7] =	stream.linear.gather [hbm4b:s26+s25], $0x200, $0x38;
	[tilespmem:$0x1E600] =	vst v63  }
0x58: {  	_ =	swait.ge [sflag:s29], $0x200  }
0x59: {  	[sflag:s29] =	ssyncset.done $0x0  }
0x5a: {  	[sflag:s29] =	ssyncadd.s32 $0xFFFFFE00  }
0x5b: {  	[bflag:$0x0] =	sbarrier.arrive $0xFFFF  }
0x5c: {  	v10 =	vld [tilespmem:$0xA400]  }
0x5d: {  	v11 =	vld [tilespmem:$0xA480]  }
0x5e: {  	v12 =	vld [tilespmem:$0xA500];
	s8 =	rddreg [dreg:$0x6]  }
0x5f: {  	v13 =	vld [tilespmem:$0xA580];
	[tilespmem:s25], [sflag:$0x7] =	stream.linear.gather [hbm4b:s8+s25], $0x80, $0x38  }
0x60: {  	_ =	swait.ge [sflag:s29], $0x80  }
0x61: {  	[sflag:s29] =	ssyncset.done $0x0  }
0x62: {  	s15 =	rddreg [dreg:$0x7];
	[sflag:s29] =	ssyncadd.s32 $0xFFFFFF80  }
0x63: {  	[tilespmem:s31], [sflag:$0x7] =	stream.linear.gather [hbm4b:s15+s25], $0x80, $0x38;
	[tilespmem:$0x1E600] =	vst v63  }
0x64: {  	_ =	swait.ge [sflag:s29], $0x80  }
0x65: {  	[sflag:s29] =	ssyncset.done $0x0  }
0x66: {  	[sflag:s29] =	ssyncadd.s32 $0xFFFFFF80  }
0x67: {  	v14 =	vld [tilespmem:$0x80]  }
0x68: {  	v15 =	vld [tilespmem:$0x90]  }
0x69: {  	v16 =	vld [tilespmem:$0xA0]  }
0x6a: {  	v17 =	vld [tilespmem:$0xB0];
	_ =	sdelay $0x1  }
0x6b: {  	[tilespmem:$0x180] =	vst v14  }
0x6c: {  	[tilespmem:$0x190] =	vst v15  }
0x6d: {  	vm0 =	vlt.s32 v14, $0x270F;
	[tilespmem:$0x1A0] =	vst v16  }
0x6e: {  	vm13 =	vlt.s32 v15, $0x270F;
	[tilespmem:$0x1B0] =	vst v17;
	v14 =	vnsel vm0, $0x270F, v14  }
0x6f: {  	vm14 =	vlt.s32 v16, $0x270F;
	[tilespmem:$0x100] =	vst v14;
	v14 =	vnsel vm13, $0x270F, v15  }
0x70: {  	vm15 =	vlt.s32 v17, $0x270F;
	[tilespmem:$0x110] =	vst v14;
	v14 =	vnsel vm14, $0x270F, v16  }
0x71: {  	[tilespmem:$0x120] =	vst v14;
	v14 =	vnsel vm15, $0x270F, v17  }
0x72: {  	[tilespmem:$0x130] =	vst v14  }
0x73: {  	[tilespmem:s30], [sflag:$0x1] =	stream.indirect.gather [hbm4b:s6+s0], $0x80, s25, s0, $0xb8;
	[tilespmem:$0x1E600] =	vst v63  }
0x74: {  	_ = 	snop  }
0x75: {  	[tilespmem:s9], [sflag:$0x2] =	stream.indirect.gather [hbm4b:s7+s0], $0x80, s2, s0, $0xb8;
	[tilespmem:$0x1E600] =	vst v63  }
0x76: {  	s16 =	rddreg [dreg:$0xa]  }
0x77: {  	[tilespmem:s11], [sflag:$0x6] =	stream.linear.gather [hbm4b:s16+s25], $0x80, $0x38;
	[tilespmem:$0x1E600] =	vst v63  }
0x78: {  	s26 =	rddreg [dreg:$0xb]  }
0x79: {  	[tilespmem:s12], [sflag:$0x6] =	stream.linear.gather [hbm4b:s26+s25], $0x80, $0x38;
	[tilespmem:$0x1E600] =	vst v63  }
0x7a: {  	s26 =	simm.s32 $0x0  }
.LBB2_4:
0x7b: {  	_ =	swait.ge [sflag:s14], $0x80  }
0x7c: {  	[sflag:s14] =	ssyncset.done $0x0  }
0x7d: {  	[sflag:s14] =	ssyncadd.s32 $0xFFFFFF80  }
0x7e: {  	_ =	swait.ge [sflag:s14], $0x80  }
0x7f: {  	[sflag:s14] =	ssyncset.done $0x0  }
0x80: {  	[sflag:s14] =	ssyncadd.s32 $0xFFFFFF80  }
0x81: {  	v14 =	vld [tilespmem:$0x280]  }
0x82: {  	v15 =	vld [tilespmem:$0x290]  }
0x83: {  	v16 =	vld [tilespmem:$0x2A0]  }
0x84: {  	v17 =	vld [tilespmem:$0x2B0];
	_ =	sdelay $0x1  }
0x85: {  	[tilespmem:$0x380] =	vst v14  }
0x86: {  	[tilespmem:$0x390] =	vst v15  }
0x87: {  	vm0 =	vlt.s32 v14, $0x270F;
	[tilespmem:$0x3A0] =	vst v16  }
0x88: {  	vm13 =	vlt.s32 v15, $0x270F;
	[tilespmem:$0x3B0] =	vst v17;
	v14 =	vnsel vm0, $0x270F, v14  }
0x89: {  	vm14 =	vlt.s32 v16, $0x270F;
	[tilespmem:$0x300] =	vst v14;
	v14 =	vnsel vm13, $0x270F, v15  }
0x8a: {  	vm15 =	vlt.s32 v17, $0x270F;
	[tilespmem:$0x310] =	vst v14;
	v14 =	vnsel vm14, $0x270F, v16  }
0x8b: {  	[tilespmem:$0x320] =	vst v14;
	v14 =	vnsel vm15, $0x270F, v17  }
0x8c: {  	s3 =	simm.s32 $0x4400;
	[tilespmem:$0x330] =	vst v14  }
0x8d: {  	[tilespmem:s3], [sflag:$0x3] =	stream.indirect.gather [hbm4b:s6+s0], $0x80, s11, s0, $0xb8;
	[tilespmem:$0x1E600] =	vst v63  }
0x8e: {  	s15 =	simm.s32 $0x300  }
0x8f: {  	[tilespmem:s17], [sflag:$0x4] =	stream.indirect.gather [hbm4b:s7+s0], $0x80, s15, s0, $0xb8;
	[tilespmem:$0x1E600] =	vst v63  }
0x90: {  	s16 =	sshll.u32 s26, $0x1;
	_ =	swait.ge [sflag:s18], $0x2000  }
0x91: {  	s8 =	sadd.s32 s10, s16;
	[sflag:s18] =	ssyncset.done $0x0  }
0x92: {  	s3 =	sadd.s32 $0x2, s8;
	[sflag:s18] =	ssyncadd.s32 $0xFFFFE000  }
0x93: {  	s3 =	smin.u32 s3, s13;
	_ =	swait.ge [sflag:s19], $0x2000  }
0x94: {  	s3 =	sshll.u32 s3, $0x4;
	[sflag:s19] =	ssyncset.done $0x0  }
0x95: {  	s15 =	sadd.s32 s4, s3;
	[sflag:s19] =	ssyncadd.s32 $0xFFFFE000  }
0x96: {  	[tilespmem:s25], [sflag:$0x5] =	stream.linear.gather [hbm4b:s15+s25], $0x80, $0x38;
	[tilespmem:$0x1E600] =	vst v63  }
0x97: {  	s3 =	sadd.s32 s5, s3  }
0x98: {  	[tilespmem:s31], [sflag:$0x5] =	stream.linear.gather [hbm4b:s3+s25], $0x80, $0x38;
	[tilespmem:$0x1E600] =	vst v63  }
0x99: {  	s3 =	simm.s32 $0x0  }
0x9a: {  	v18 =	vld.idx.msk [tilespmem:v1+s3+$0xFFFFFFF0 ss:$0x1], $0xffff  }
0x9b: {  	v19 =	vld.idx.msk [tilespmem:v1+s3+$0xFFFFFFE0 ss:$0x1], $0xffff  }
0x9c: {  	v15 =	vld.idx.msk [tilespmem:v0+s3+$0xFFFFFFE0 ss:$0x1], $0xffff  }
0x9d: {  	v14 =	vld.idx.msk [tilespmem:v0+s3+$0xFFFFFFF0 ss:$0x1], $0xffff  }
0x9e: {  	v20 =	vld.idx.msk [tilespmem:v1+s3+$0x0 ss:$0x1], $0xffff  }
0x9f: {  	v16 =	vld.idx.msk [tilespmem:v0+s3+$0x0 ss:$0x1], $0xffff  }
0xa0: {  	v21 =	vld.idx.msk [tilespmem:v1+s3+$0x10 ss:$0x1], $0xffff  }
0xa1: {  	v17 =	vld.idx.msk [tilespmem:v0+s3+$0x10 ss:$0x1], $0xffff;
	_ =	sdelay $0x1  }
0xa2: {  	v19 =	vadd.f32 v19, v15;
	v18 =	vadd.f32 v18, v14;
	_ =	sdelay $0x1  }
0xa3: {  	v20 =	vadd.f32 v20, v16;
	v22 =	vmul.f32 $2.000000030e-01, v19;
	v23 =	vmul.f32 $2.000000030e-01, v18  }
0xa4: {  	v21 =	vadd.f32 v21, v17  }
0xa5: {  	v61 =	vmul.f32 $2.000000030e-01, v20;
	v19 =	vmax.f32 v19, v22;
	v18 =	vmax.f32 v18, v23  }
0xa6: {  	v19 =	vmul.f32 v19, v10;
	v18 =	vmul.f32 v18, v11  }
0xa7: {  	v62 =	vmul.f32 $2.000000030e-01, v21;
	v20 =	vmax.f32 v20, v61  }
0xa8: {  	v18 =	vadd.f32 v18, v19;
	v19 =	vmul.f32 v20, v12  }
0xa9: {  	v63 =	vmax.f32 v21, v62  }
0xaa: {  	v18 =	vadd.f32 v19, v18;
	v19 =	vmul.f32 v63, v13;
	_ =	sdelay $0x1  }
0xab: {  	v18 =	vadd.f32 v19, v18;
	_ =	sdelay $0x1  }
0xac: {  	v19 =	vperm.xlane v18, v4;
	_ =	sdelay $0x1  }
0xad: {  	v18 =	vadd.f32 v18, v19;
	_ =	sdelay $0x1  }
0xae: {  	v19 =	vperm.xlane v18, v5;
	_ =	sdelay $0x1  }
0xaf: {  	v18 =	vadd.f32 v18, v19;
	_ =	sdelay $0x1  }
0xb0: {  	v19 =	vperm.xlane v18, v7;
	_ =	sdelay $0x1  }
0xb1: {  	v18 =	vadd.f32 v18, v19;
	_ =	sdelay $0x1  }
0xb2: {  	v19 =	vperm.xlane v18, v8;
	_ =	sdelay $0x1  }
0xb3: {  	v18 =	vadd.f32 v18, v19;
	_ =	sdelay $0x1  }
0xb4: {  	v18 =	vmul.f32 $1.442695020e+00, v18;
	_ =	sdelay $0x1  }
0xb5: {  	s15 =	simm.s32 $0x200;
	(erf) = vpow2.f32 v18  }
.LBB2_5:
0xb6: {  	_ =	sdelay $0x7  }
0xb7: {  	p0 =	sne.s32 s15, $0x7E00;
	s16 =	smov.u32 s15;
	s15 =	sadd.s32 $0x200, s15;
	v18 =	vpop (erf)  }
0xb8: {  	v15 =	vmul.f32 v18, v15;
	v17 =	vmul.f32 v18, v17  }
0xb9: {  	v16 =	vmul.f32 v18, v16;
	v19 =	vmul.f32 v9, v18  }
0xba: {  	v14 =	vmul.f32 v18, v14;
	[tilespmem:s3+$0x8400] =	vst v15  }
0xbb: {  	[tilespmem:s3+$0x8430] =	vst v17  }
0xbc: {  	[tilespmem:s3+$0x8420] =	vst v16  }
0xbd: {  	[tilespmem:s3+$0x8410] =	vst v14  }
0xbe: {  	[tilespmem:s3+$0x8440] =	vst v19;
	s3 =	sshra.s32 s16, $0x2  }
0xbf: {  	v18 =	vld.idx.msk [tilespmem:v1+s3+$0xFFFFFFF0 ss:$0x1], $0xffff  }
0xc0: {  	v19 =	vld.idx.msk [tilespmem:v1+s3+$0xFFFFFFE0 ss:$0x1], $0xffff  }
0xc1: {  	v15 =	vld.idx.msk [tilespmem:v0+s3+$0xFFFFFFE0 ss:$0x1], $0xffff  }
0xc2: {  	v14 =	vld.idx.msk [tilespmem:v0+s3+$0xFFFFFFF0 ss:$0x1], $0xffff  }
0xc3: {  	v20 =	vld.idx.msk [tilespmem:v1+s3+$0x0 ss:$0x1], $0xffff  }
0xc4: {  	v16 =	vld.idx.msk [tilespmem:v0+s3+$0x0 ss:$0x1], $0xffff  }
0xc5: {  	v21 =	vld.idx.msk [tilespmem:v1+s3+$0x10 ss:$0x1], $0xffff  }
0xc6: {  	v17 =	vld.idx.msk [tilespmem:v0+s3+$0x10 ss:$0x1], $0xffff  }
0xc7: {  	v19 =	vadd.f32 v19, v15  }
0xc8: {  	v18 =	vadd.f32 v18, v14  }
0xc9: {  	v22 =	vmul.f32 $2.000000030e-01, v19  }
0xca: {  	v23 =	vmul.f32 $2.000000030e-01, v18;
	v20 =	vadd.f32 v20, v16  }
0xcb: {  	v19 =	vmax.f32 v19, v22  }
0xcc: {  	v18 =	vmax.f32 v18, v23;
	v22 =	vmul.f32 $2.000000030e-01, v20;
	v21 =	vadd.f32 v21, v17  }
0xcd: {  	v19 =	vmul.f32 v19, v10;
	v18 =	vmul.f32 v18, v11  }
0xce: {  	v20 =	vmax.f32 v20, v22;
	v22 =	vmul.f32 $2.000000030e-01, v21  }
0xcf: {  	v18 =	vadd.f32 v18, v19;
	v19 =	vmul.f32 v20, v12  }
0xd0: {  	v20 =	vmax.f32 v21, v22  }
0xd1: {  	v18 =	vadd.f32 v19, v18;
	v19 =	vmul.f32 v20, v13;
	_ =	sdelay $0x1  }
0xd2: {  	v18 =	vadd.f32 v19, v18;
	_ =	sdelay $0x1  }
0xd3: {  	v19 =	vperm.xlane v18, v4;
	_ =	sdelay $0x1  }
0xd4: {  	v18 =	vadd.f32 v18, v19;
	_ =	sdelay $0x1  }
0xd5: {  	v19 =	vperm.xlane v18, v5;
	_ =	sdelay $0x1  }
0xd6: {  	v18 =	vadd.f32 v18, v19;
	_ =	sdelay $0x1  }
0xd7: {  	v19 =	vperm.xlane v18, v7;
	_ =	sdelay $0x1  }
0xd8: {  	v18 =	vadd.f32 v18, v19;
	_ =	sdelay $0x1  }
0xd9: {  	v19 =	vperm.xlane v18, v8;
	_ =	sdelay $0x1  }
.Ltmp1:
0xda: {  	v18 =	vadd.f32 v18, v19;
	(pc) =	sbr.rel @p0 .LBB2_5-.Ltmp1, $3  }
0xdb: {  	_ = 	snop  }
0xdc: {  	v18 =	vmul.f32 $1.442695020e+00, v18;
	_ =	sdelay $0x1  }
0xdd: {  	(erf) = vpow2.f32 v18  }
0xde: {  	_ =	sdelay $0x7  }
0xdf: {  	v18 =	vpop (erf)  }
0xe0: {  	v15 =	vmul.f32 v18, v15  }
0xe1: {  	v17 =	vmul.f32 v18, v17  }
0xe2: {  	v16 =	vmul.f32 v18, v16;
	[tilespmem:s3+$0x8400] =	vst v15  }
0xe3: {  	v14 =	vmul.f32 v18, v14;
	[tilespmem:s3+$0x8430] =	vst v17  }
0xe4: {  	v15 =	vmul.f32 v9, v18;
	[tilespmem:s3+$0x8420] =	vst v16  }
0xe5: {  	[tilespmem:s3+$0x8410] =	vst v14  }
0xe6: {  	[tilespmem:s3+$0x8440] =	vst v15  }
0xe7: {  	[spmem:s1] =	stream.indirect.scatter.add.f32 [tilespmem:s28], [sflag:$0x7], $0x80, s20, s0, $0xb8;
	[tilespmem:$0x1E600] =	vst v63  }
0xe8: {  	_ =	swait.ge [sflag:s29], $0x2000  }
0xe9: {  	[sflag:s29] =	ssyncset.done $0x0  }
0xea: {  	[sflag:s29] =	ssyncadd.s32 $0xFFFFE000  }
0xeb: {  	_ =	swait.ge [sflag:s21], $0x80  }
0xec: {  	[sflag:s21] =	ssyncset.done $0x0  }
0xed: {  	[sflag:s21] =	ssyncadd.s32 $0xFFFFFF80  }
0xee: {  	_ =	swait.ge [sflag:s21], $0x80  }
0xef: {  	[sflag:s21] =	ssyncset.done $0x0  }
0xf0: {  	[sflag:s21] =	ssyncadd.s32 $0xFFFFFF80  }
0xf1: {  	v14 =	vld [tilespmem:$0x80]  }
0xf2: {  	v15 =	vld [tilespmem:$0x90]  }
0xf3: {  	v16 =	vld [tilespmem:$0xA0]  }
0xf4: {  	v17 =	vld [tilespmem:$0xB0];
	_ =	sdelay $0x1  }
0xf5: {  	[tilespmem:$0x180] =	vst v14  }
0xf6: {  	[tilespmem:$0x190] =	vst v15  }
0xf7: {  	vm0 =	vlt.s32 v14, $0x270F;
	[tilespmem:$0x1A0] =	vst v16  }
0xf8: {  	vm13 =	vlt.s32 v15, $0x270F;
	[tilespmem:$0x1B0] =	vst v17;
	v14 =	vnsel vm0, $0x270F, v14  }
0xf9: {  	vm14 =	vlt.s32 v16, $0x270F;
	[tilespmem:$0x100] =	vst v14;
	v14 =	vnsel vm13, $0x270F, v15  }
0xfa: {  	vm15 =	vlt.s32 v17, $0x270F;
	[tilespmem:$0x110] =	vst v14;
	v14 =	vnsel vm14, $0x270F, v16  }
0xfb: {  	[tilespmem:$0x120] =	vst v14;
	v14 =	vnsel vm15, $0x270F, v17  }
0xfc: {  	s16 =	simm.s32 $0x0;
	[tilespmem:$0x130] =	vst v14  }
0xfd: {  	[tilespmem:s30], [sflag:$0x1] =	stream.indirect.gather [hbm4b:s6+s0], $0x80, s16, s0, $0xb8;
	[tilespmem:$0x1E600] =	vst v63  }
0xfe: {  	_ = 	snop  }
0xff: {  	[tilespmem:s9], [sflag:$0x2] =	stream.indirect.gather [hbm4b:s7+s0], $0x80, s2, s0, $0xb8;
	[tilespmem:$0x1E600] =	vst v63  }
0x100: {  	_ =	swait.ge [sflag:s22], $0x2000  }
0x101: {  	[sflag:s22] =	ssyncset.done $0x0  }
0x102: {  	s8 =	sadd.s32 $0x3, s8;
	[sflag:s22] =	ssyncadd.s32 $0xFFFFE000  }
0x103: {  	s8 =	smin.u32 s8, s13;
	_ =	swait.ge [sflag:s23], $0x2000  }
0x104: {  	s8 =	sshll.u32 s8, $0x4;
	[sflag:s23] =	ssyncset.done $0x0  }
0x105: {  	s15 =	sadd.s32 s4, s8;
	[sflag:s23] =	ssyncadd.s32 $0xFFFFE000  }
0x106: {  	[tilespmem:s11], [sflag:$0x6] =	stream.linear.gather [hbm4b:s15+s16], $0x80, $0x38;
	[tilespmem:$0x1E600] =	vst v63  }
0x107: {  	s8 =	sadd.s32 s5, s8;
	s3 =	simm.s32 $0x0  }
0x108: {  	[tilespmem:s12], [sflag:$0x6] =	stream.linear.gather [hbm4b:s8+s16], $0x80, $0x38;
	[tilespmem:$0x1E600] =	vst v63  }
0x109: {  	v18 =	vld.idx.msk [tilespmem:v3+s3+$0xFFFFFFF0 ss:$0x1], $0xffff  }
0x10a: {  	v19 =	vld.idx.msk [tilespmem:v3+s3+$0xFFFFFFE0 ss:$0x1], $0xffff  }
0x10b: {  	v15 =	vld.idx.msk [tilespmem:v2+s3+$0xFFFFFFE0 ss:$0x1], $0xffff  }
0x10c: {  	v14 =	vld.idx.msk [tilespmem:v2+s3+$0xFFFFFFF0 ss:$0x1], $0xffff  }
0x10d: {  	v20 =	vld.idx.msk [tilespmem:v3+s3+$0x0 ss:$0x1], $0xffff  }
0x10e: {  	v16 =	vld.idx.msk [tilespmem:v2+s3+$0x0 ss:$0x1], $0xffff  }
0x10f: {  	v21 =	vld.idx.msk [tilespmem:v3+s3+$0x10 ss:$0x1], $0xffff  }
0x110: {  	v17 =	vld.idx.msk [tilespmem:v2+s3+$0x10 ss:$0x1], $0xffff;
	_ =	sdelay $0x1  }
0x111: {  	v19 =	vadd.f32 v19, v15;
	v18 =	vadd.f32 v18, v14;
	_ =	sdelay $0x1  }
0x112: {  	v20 =	vadd.f32 v20, v16;
	v22 =	vmul.f32 $2.000000030e-01, v19;
	v23 =	vmul.f32 $2.000000030e-01, v18  }
0x113: {  	v21 =	vadd.f32 v21, v17  }
0x114: {  	v61 =	vmul.f32 $2.000000030e-01, v20;
	v19 =	vmax.f32 v19, v22;
	v18 =	vmax.f32 v18, v23  }
0x115: {  	v19 =	vmul.f32 v19, v10;
	v18 =	vmul.f32 v18, v11  }
0x116: {  	v62 =	vmul.f32 $2.000000030e-01, v21;
	v20 =	vmax.f32 v20, v61  }
0x117: {  	v18 =	vadd.f32 v18, v19;
	v19 =	vmul.f32 v20, v12  }
0x118: {  	v63 =	vmax.f32 v21, v62  }
0x119: {  	v18 =	vadd.f32 v19, v18;
	v19 =	vmul.f32 v63, v13;
	_ =	sdelay $0x1  }
0x11a: {  	v18 =	vadd.f32 v19, v18;
	_ =	sdelay $0x1  }
0x11b: {  	v19 =	vperm.xlane v18, v4;
	_ =	sdelay $0x1  }
0x11c: {  	v18 =	vadd.f32 v18, v19;
	_ =	sdelay $0x1  }
0x11d: {  	v19 =	vperm.xlane v18, v5;
	_ =	sdelay $0x1  }
0x11e: {  	v18 =	vadd.f32 v18, v19;
	_ =	sdelay $0x1  }
0x11f: {  	v19 =	vperm.xlane v18, v7;
	_ =	sdelay $0x1  }
0x120: {  	v18 =	vadd.f32 v18, v19;
	_ =	sdelay $0x1  }
0x121: {  	v19 =	vperm.xlane v18, v8;
	_ =	sdelay $0x1  }
0x122: {  	v18 =	vadd.f32 v18, v19;
	_ =	sdelay $0x1  }
0x123: {  	v18 =	vmul.f32 $1.442695020e+00, v18;
	_ =	sdelay $0x1  }
0x124: {  	s8 =	simm.s32 $0x200;
	(erf) = vpow2.f32 v18  }
.LBB2_7:
0x125: {  	_ =	sdelay $0x7  }
0x126: {  	p0 =	sne.s32 s8, $0x7E00;
	s15 =	smov.u32 s8;
	s8 =	sadd.s32 $0x200, s8;
	v18 =	vpop (erf)  }
0x127: {  	v15 =	vmul.f32 v18, v15;
	v17 =	vmul.f32 v18, v17  }
0x128: {  	v16 =	vmul.f32 v18, v16;
	v19 =	vmul.f32 v9, v18  }
0x129: {  	v14 =	vmul.f32 v18, v14;
	[tilespmem:s3+$0x8400] =	vst v15  }
0x12a: {  	[tilespmem:s3+$0x8430] =	vst v17  }
0x12b: {  	[tilespmem:s3+$0x8420] =	vst v16  }
0x12c: {  	[tilespmem:s3+$0x8410] =	vst v14  }
0x12d: {  	[tilespmem:s3+$0x8440] =	vst v19;
	s3 =	sshra.s32 s15, $0x2  }
0x12e: {  	v18 =	vld.idx.msk [tilespmem:v3+s3+$0xFFFFFFF0 ss:$0x1], $0xffff  }
0x12f: {  	v19 =	vld.idx.msk [tilespmem:v3+s3+$0xFFFFFFE0 ss:$0x1], $0xffff  }
0x130: {  	v15 =	vld.idx.msk [tilespmem:v2+s3+$0xFFFFFFE0 ss:$0x1], $0xffff  }
0x131: {  	v14 =	vld.idx.msk [tilespmem:v2+s3+$0xFFFFFFF0 ss:$0x1], $0xffff  }
0x132: {  	v20 =	vld.idx.msk [tilespmem:v3+s3+$0x0 ss:$0x1], $0xffff  }
0x133: {  	v16 =	vld.idx.msk [tilespmem:v2+s3+$0x0 ss:$0x1], $0xffff  }
0x134: {  	v21 =	vld.idx.msk [tilespmem:v3+s3+$0x10 ss:$0x1], $0xffff  }
0x135: {  	v17 =	vld.idx.msk [tilespmem:v2+s3+$0x10 ss:$0x1], $0xffff  }
0x136: {  	v19 =	vadd.f32 v19, v15  }
0x137: {  	v18 =	vadd.f32 v18, v14  }
0x138: {  	v22 =	vmul.f32 $2.000000030e-01, v19  }
0x139: {  	v23 =	vmul.f32 $2.000000030e-01, v18;
	v20 =	vadd.f32 v20, v16  }
0x13a: {  	v19 =	vmax.f32 v19, v22  }
0x13b: {  	v18 =	vmax.f32 v18, v23;
	v22 =	vmul.f32 $2.000000030e-01, v20;
	v21 =	vadd.f32 v21, v17  }
0x13c: {  	v19 =	vmul.f32 v19, v10;
	v18 =	vmul.f32 v18, v11  }
0x13d: {  	v20 =	vmax.f32 v20, v22;
	v22 =	vmul.f32 $2.000000030e-01, v21  }
0x13e: {  	v18 =	vadd.f32 v18, v19;
	v19 =	vmul.f32 v20, v12  }
0x13f: {  	v20 =	vmax.f32 v21, v22  }
0x140: {  	v18 =	vadd.f32 v19, v18;
	v19 =	vmul.f32 v20, v13;
	_ =	sdelay $0x1  }
0x141: {  	v18 =	vadd.f32 v19, v18;
	_ =	sdelay $0x1  }
0x142: {  	v19 =	vperm.xlane v18, v4;
	_ =	sdelay $0x1  }
0x143: {  	v18 =	vadd.f32 v18, v19;
	_ =	sdelay $0x1  }
0x144: {  	v19 =	vperm.xlane v18, v5;
	_ =	sdelay $0x1  }
0x145: {  	v18 =	vadd.f32 v18, v19;
	_ =	sdelay $0x1  }
0x146: {  	v19 =	vperm.xlane v18, v7;
	_ =	sdelay $0x1  }
0x147: {  	v18 =	vadd.f32 v18, v19;
	_ =	sdelay $0x1  }
0x148: {  	v19 =	vperm.xlane v18, v8;
	_ =	sdelay $0x1  }
.Ltmp2:
0x149: {  	v18 =	vadd.f32 v18, v19;
	(pc) =	sbr.rel @p0 .LBB2_7-.Ltmp2, $3  }
0x14a: {  	_ = 	snop  }
0x14b: {  	v18 =	vmul.f32 $1.442695020e+00, v18;
	_ =	sdelay $0x1  }
0x14c: {  	(erf) = vpow2.f32 v18  }
0x14d: {  	_ =	sdelay $0x7  }
0x14e: {  	v18 =	vpop (erf)  }
0x14f: {  	v15 =	vmul.f32 v18, v15  }
0x150: {  	v17 =	vmul.f32 v18, v17  }
0x151: {  	v16 =	vmul.f32 v18, v16;
	[tilespmem:s3+$0x8400] =	vst v15  }
0x152: {  	v14 =	vmul.f32 v18, v14;
	[tilespmem:s3+$0x8430] =	vst v17  }
0x153: {  	s26 =	sadd.s32 $0x1, s26;
	v15 =	vmul.f32 v9, v18;
	[tilespmem:s3+$0x8420] =	vst v16  }
0x154: {  	p0 =	sne.s32 s26, $0x9D;
	[tilespmem:s3+$0x8410] =	vst v14  }
.Ltmp3:
0x155: {  	[tilespmem:s3+$0x8440] =	vst v15;
	(pc) =	sbr.rel @p0 .LBB2_4-.Ltmp3, $4  }
0x156: {  	[spmem:s1] =	stream.indirect.scatter.add.f32 [tilespmem:s28], [sflag:$0x7], $0x80, s24, s0, $0xb8;
	[tilespmem:$0x1E600] =	vst v63  }
0x157: {  	_ =	swait.ge [sflag:s29], $0x2000  }
0x158: {  	[sflag:s29] =	ssyncset.done $0x0  }
0x159: {  	[sflag:s29] =	ssyncadd.s32 $0xFFFFE000  }
0x15a: {  	_ =	swait.ge [sflag:s18], $0x2000  }
0x15b: {  	[sflag:s18] =	ssyncset.done $0x0  }
0x15c: {  	[sflag:s18] =	ssyncadd.s32 $0xFFFFE000  }
0x15d: {  	_ =	swait.ge [sflag:s19], $0x2000  }
0x15e: {  	[sflag:s19] =	ssyncset.done $0x0  }
0x15f: {  	[sflag:s19] =	ssyncadd.s32 $0xFFFFE000  }
0x160: {  	_ =	swait.ge [sflag:s14], $0x80  }
0x161: {  	[sflag:s14] =	ssyncset.done $0x0  }
0x162: {  	[sflag:s14] =	ssyncadd.s32 $0xFFFFFF80  }
0x163: {  	_ =	swait.ge [sflag:s14], $0x80  }
0x164: {  	[sflag:s14] =	ssyncset.done $0x0  }
0x165: {  	[sflag:s14] =	ssyncadd.s32 $0xFFFFFF80  }
0x166: {  	s3 =	stileid.u32;
	[bflag:$0x0] =	sbarrier.arrive $0xFFFF  }
0x167: {  	s3 =	sshll.u32 s3, $0x6;
	s16 =	rddreg [dreg:$0x4]  }
0x168: {  	s3 =	sor.u32 $0x1C07, s3;
	s15 =	rddreg [dreg:$0x8];
	s8 =	sshrl.u32 s16, $0x3  }
0x169: {  	[hbm:s15], [sflag:s3] =	dma.local [spmem:s8], $0x2800  }
0x16a: {  	_ =	swait.ge [sflag:s29], $0x2800  }
0x16b: {  	s8 =	rddreg [dreg:$0x3]  }
0x16c: {  	s26 =	rddreg [dreg:$0xc];
	s15 =	sadd.s32 $0x1, s8  }
0x16d: {  	p0 =	sne.s32 s15, s26  }
.Ltmp4:
0x16e: {  	_ = 	snop;
	(pc) =	sbr.rel @p0 .LBB2_1-.Ltmp4, $3  }
0x16f: {  	_ =	sdelay $0x1  }
0x170: {  	[sflag:s29] =	ssyncset.done $0x0  }
0x171: {  	[sflag:s29] =	ssyncadd.s32 $0xFFFFD800  }
0x172: {  	_ =	sfence.sel $0x180000  }
0x173: {  	[bflag:$0x0] =	sbarrier.arrive $0xFFFF  }
0x174: {  	_ =	strace $0x90000047  }
0x175: {  	s0 =	stileid.u32;
	[bflag:$0x2] =	sbarrier.arrive $0xFFFF  }
0x176: {  	p0 =	sne.s32 s0, $0x0;
	s0 =	rddreg [dreg:$0x2]  }
0x177: {  	s0 =	sadd.s32 @!p0 $0x100000, s0  }
0x178: {  	[sflag:s0] =	ssyncadd.tile.s32 @!p0 $0x1;
	_ =	shalt  }
.Lfunc_end2:
_tile_overlayer_lowered:
.L_overlay_start_2:
0x179: {  	(tag) =	ssettag $0x2  }
0x17a: {  	s0 =	rddreg [dreg:$0x0];
	s2 =	stileid.u32  }
0x17b: {  	s1 =	rddreg [dreg:$0x1];
	p0 =	sne.s32 s2, $0x0  }
0x17c: {  	s3 =	rddreg [dreg:$0x2];
	[bflag:$0x3] =	sbarrier.arrive $0xFFFF;
	s2 =	simm.s32 @!p0 $0x1C07  }
0x17d: {  	[timem:s3], [sflag:s2] =	dma.local @!p0 [hbm:s0], s1  }
0x17e: {  	s0 =	simm.s32 @!p0 $0x7  }
0x17f: {  	_ =	swait.ge @!p0 [sflag:s0], s1  }
0x180: {  	s1 =	ssub.s32 @!p0 $0x0, s1;
	[sflag:s0] =	ssyncset.done @!p0 $0x0  }
0x181: {  	[sflag:s0] =	ssyncadd.s32 @!p0 s1  }
0x182: {  	[bflag:$0x3] =	sbarrier.arrive $0xFFFF  }
0x183: {  	_ =	shalt  }

</sc_bundles>
